<compile_context>
chip_gen: v7x
topology: tpu7x:2x2x1
jax: 0.10.2.dev20260603
libtpu: 0.0.44.dev20260713+nightly
codegen_flags: <defaults>
</compile_context>

<pallas_src>
import functools

import numpy as np
import jax
import jax.numpy as jnp
from jax import lax
from jax.experimental import pallas as pl
from jax.experimental.pallas import tpu as pltpu
from jax.experimental.pallas import tpu_sc as plsc

_MODEL_DIM = 1024
_PAD = 0
_BATCH = 4
_SEQ = 2048

_N = _BATCH * _SEQ
_NC, _NS, _L = 2, 16, 16
_NW = _NC * _NS
_P = _SEQ // _NW
_C = 16
_NH = _P // _C
_NT = _NH * _BATCH
_VPR = _MODEL_DIM // _L
_NB = 5


def _sinusoidal_pe(max_len, d):
    pos = np.arange(max_len, dtype=np.float32)[:, None]
    div = np.exp(np.arange(0, d, 2, dtype=np.float32) * (-np.log(10000.0) / d))
    pe = np.zeros((max_len, d), dtype=np.float32)
    pe[:, 0::2] = np.sin(pos * div)
    pe[:, 1::2] = np.cos(pos * div)
    return pe


_mesh = plsc.VectorSubcoreMesh(core_axis_name="c", subcore_axis_name="s")

_scratch = (
    [pltpu.VMEM((_BATCH * _P,), jnp.int32)]
    + [pltpu.VMEM((_C, _MODEL_DIM), jnp.float32) for _ in range(_NB)]
    + [pltpu.VMEM((_C * _MODEL_DIM,), jnp.float32) for _ in range(2)]
    + [pltpu.SemaphoreType.DMA for _ in range(_NB + _NB + 2)]
)


@functools.partial(
    pl.kernel,
    mesh=_mesh,
    out_type=jax.ShapeDtypeStruct((_N, _MODEL_DIM), jnp.float32),
    scratch_types=_scratch,
)
def _emb_body(tok_hbm, table_hbm, pe_hbm, out_hbm, idx_v, *bufs):
    rows_v = bufs[:_NB]
    pe_v = bufs[_NB:_NB + 2]
    semg = bufs[_NB + 2:_NB + 2 + _NB]
    semo = bufs[_NB + 2 + _NB:_NB + 2 + 2 * _NB]
    semp = bufs[_NB + 2 + 2 * _NB:]

    w = lax.axis_index("s") * _NC + lax.axis_index("c")
    p0 = w * _P

    def tok_off(h, b):
        return b * _P + h * _C

    def out_row0(h, b):
        return b * _SEQ + p0 + h * _C

    def issue_gather(t):
        h, b = divmod(t, _BATCH)
        idx = idx_v.at[pl.ds(tok_off(h, b), _C)]
        return pltpu.async_copy(table_hbm.at[idx], rows_v[t % _NB],
                                semg[t % _NB])

    def issue_pe(h):
        src = pe_hbm.at[pl.ds((p0 + h * _C) * _MODEL_DIM, _C * _MODEL_DIM)]
        return pltpu.async_copy(src, pe_v[h % 2], semp[h % 2])

    def issue_out(t):
        h, b = divmod(t, _BATCH)
        return pltpu.async_copy(rows_v[t % _NB],
                                out_hbm.at[pl.ds(out_row0(h, b), _C)],
                                semo[t % _NB])

    def bcast_mask(tokv, j):
        tok_b = tokv.at[jnp.full((_L,), 0, jnp.int32) + j].get(
            mode="promise_in_bounds")
        return jnp.where(tok_b != _PAD, jnp.float32(1.0), jnp.float32(0.0))

    def compute_pair(p):
        h = p // 2
        b0 = 2 * (p % 2)
        pe = pe_v[h % 2]
        r0 = rows_v[(2 * p) % _NB]
        r1 = rows_v[(2 * p + 1) % _NB]
        tok0 = idx_v[pl.ds(tok_off(h, b0), _C)]
        tok1 = idx_v[pl.ds(tok_off(h, b0 + 1), _C)]

        def row(j, carry):
            m0 = bcast_mask(tok0, j)
            m1 = bcast_mask(tok1, j)

            @plsc.parallel_loop(0, _VPR, unroll=8)
            def _(v):
                pv = pe[pl.ds(j * _MODEL_DIM + v * _L, _L)]
                sl = (j, pl.ds(v * _L, _L))
                r0[sl] = r0[sl] * m0 + pv
                r1[sl] = r1[sl] * m1 + pv

            return carry

        lax.fori_loop(0, _C, row, 0)

    pe_desc = {0: issue_pe(0), 1: issue_pe(1)}
    idx_desc = [
        pltpu.async_copy(tok_hbm.at[b, pl.ds(p0, _P)],
                         idx_v.at[pl.ds(b * _P, _P)], semg[b])
        for b in range(_BATCH)
    ]
    for desc in idx_desc:
        desc.wait()
    g_desc = {t: issue_gather(t) for t in range(_NB)}
    o_desc = {}

    for p in range(_NT // 2):
        t0, t1 = 2 * p, 2 * p + 1
        h = p // 2
        if t0 >= 1 and t0 + _NB - 1 < _NT:
            o_desc.pop(t0 - 1).wait()
            g_desc[t0 + _NB - 1] = issue_gather(t0 + _NB - 1)
        if p % 2 == 0:
            pe_desc.pop(h).wait()
            if h >= 1 and h + 1 < _NH:
                pe_desc[h + 1] = issue_pe(h + 1)
        g_desc.pop(t0).wait()
        g_desc.pop(t1).wait()
        compute_pair(p)
        o_desc[t0] = issue_out(t0)
        o_desc[t1] = issue_out(t1)
        if t1 + _NB - 1 < _NT:
            o_desc.pop(t1 - 1).wait()
            g_desc[t1 + _NB - 1] = issue_gather(t1 + _NB - 1)

    for t in sorted(o_desc):
        o_desc.pop(t).wait()


def kernel(tokens, table):
    pe = jnp.asarray(_sinusoidal_pe(_SEQ, _MODEL_DIM).reshape(-1))
    out = _emb_body(tokens, table, pe)
    return out.reshape(_BATCH, _SEQ, _MODEL_DIM)

# --- scband reference (transcript-rebuilt; emitter-appended) ---
"""Pipeline reference for scband-embedding-29678224015418 (READ-ONLY COPY).

The authoritative reference and input builder live on the scoring server;
editing this copy changes nothing except your own understanding.
"""

import jax, jax.numpy as jnp
import numpy as np

MODEL_DIM = 1024
VOCAB = 100000
PAD = 0
MAX_LEN = 4096
BATCH = 4
SEQ = 2048


def sinusoidal_pe(max_len, d):
    pos = np.arange(max_len, dtype=np.float32)[:, None]
    div = np.exp(np.arange(0, d, 2, dtype=np.float32) * (-np.log(10000.0) / d))
    pe = np.zeros((max_len, d), dtype=np.float32)
    pe[:, 0::2] = np.sin(pos * div)
    pe[:, 1::2] = np.cos(pos * div)
    return jnp.asarray(pe)


def setup_inputs(seed: int = 0) -> dict:
    key = jax.random.key(seed)
    k1, k2 = jax.random.split(key)
    tokens = jax.random.randint(k1, (BATCH, SEQ), 0, VOCAB, dtype=jnp.int32)
    table = jax.random.normal(k2, (VOCAB, MODEL_DIM), dtype=jnp.float32)
    return {"tokens": tokens, "table": table}


def reference(tokens, table):
    # nn.Embedding with padding_idx: the pad row embeds to zeros
    table_z = table.at[PAD].set(0.0)
    emb = jnp.take(table_z, tokens, axis=0)  # [B, S, D] gather
    pe = sinusoidal_pe(MAX_LEN, MODEL_DIM)
    seq_len = tokens.shape[1]
    out = emb + pe[None, :seq_len, :]
    return out

if __name__ == "__main__":
    import jax
    _d = setup_inputs()
    print(jax.jit(kernel)(*tuple(_d.values())))

</pallas_src>

<mosaic_0001>
#map = affine_map<(d0, d1) -> (0, 0)>
#map1 = affine_map<(d0, d1) -> (0)>
module attributes {stable_mosaic.version = 14 : i64} {
  func.func @_emb_body(%arg0: i32, %arg1: i32, %arg2: memref<4x2048xi32, #tpu.memory_space<hbm>>, %arg3: memref<100000x1024xf32, #tpu.memory_space<hbm>>, %arg4: memref<2097152xf32, #tpu.memory_space<hbm>>, %arg5: memref<8192x1024xf32, #tpu.memory_space<hbm>>, %arg6: memref<256xi32, #tpu.memory_space<vmem>>, %arg7: memref<16x1024xf32, #tpu.memory_space<vmem>>, %arg8: memref<16x1024xf32, #tpu.memory_space<vmem>>, %arg9: memref<16x1024xf32, #tpu.memory_space<vmem>>, %arg10: memref<16x1024xf32, #tpu.memory_space<vmem>>, %arg11: memref<16x1024xf32, #tpu.memory_space<vmem>>, %arg12: memref<16384xf32, #tpu.memory_space<vmem>>, %arg13: memref<16384xf32, #tpu.memory_space<vmem>>, %arg14: memref<!tpu.dma_semaphore, #tpu.memory_space<semaphore_mem>>, %arg15: memref<!tpu.dma_semaphore, #tpu.memory_space<semaphore_mem>>, %arg16: memref<!tpu.dma_semaphore, #tpu.memory_space<semaphore_mem>>, %arg17: memref<!tpu.dma_semaphore, #tpu.memory_space<semaphore_mem>>, %arg18: memref<!tpu.dma_semaphore, #tpu.memory_space<semaphore_mem>>, %arg19: memref<!tpu.dma_semaphore, #tpu.memory_space<semaphore_mem>>, %arg20: memref<!tpu.dma_semaphore, #tpu.memory_space<semaphore_mem>>, %arg21: memref<!tpu.dma_semaphore, #tpu.memory_space<semaphore_mem>>, %arg22: memref<!tpu.dma_semaphore, #tpu.memory_space<semaphore_mem>>, %arg23: memref<!tpu.dma_semaphore, #tpu.memory_space<semaphore_mem>>, %arg24: memref<!tpu.dma_semaphore, #tpu.memory_space<semaphore_mem>>, %arg25: memref<!tpu.dma_semaphore, #tpu.memory_space<semaphore_mem>>) attributes {dimension_semantics = [#tpu.dimension_semantics<core_parallel>, #tpu.dimension_semantics<subcore_parallel>], iteration_bounds = array<i64: 2, 16>, scalar_prefetch = 0 : i64, scratch_operands = 20 : i64, tpu.core_type = #tpu.core_type<sc_vector_subcore>, window_params = [{transform_indices = #map}, {transform_indices = #map}, {transform_indices = #map1}, {transform_indices = #map}]} {
    %mul3A = arith.constant 2 : i32
    %mul3A_0 = arith.muli %arg1, %mul3A : i32
    %add3A = arith.addi %mul3A_0, %arg0 : i32
    %mul3A_1 = arith.constant 64 : i32
    %mul3A_2 = arith.muli %add3A, %mul3A_1 : i32
    %add3A_3 = arith.constant 0 : i32
    %add3A_4 = arith.addi %mul3A_2, %add3A_3 : i32
    %mul3A_5 = arith.constant 1024 : i32
    %mul3A_6 = arith.muli %add3A_4, %mul3A_5 : i32
    %dma_start3A = tpu.memref_slice %arg4[%mul3A_6] : memref<2097152xf32, #tpu.memory_space<hbm>> -> memref<16384xf32, #tpu.memory_space<hbm>>
    %dma_start3A_7 = tpu.memref_slice %arg4[%mul3A_6] : memref<2097152xf32, #tpu.memory_space<hbm>> -> memref<16384xf32, #tpu.memory_space<hbm>>
    tpu.enqueue_dma source(%dma_start3A_7 : memref<16384xf32, #tpu.memory_space<hbm>>) target(%arg12 : memref<16384xf32, #tpu.memory_space<vmem>>) target_semaphore(%arg24 : memref<!tpu.dma_semaphore, #tpu.memory_space<semaphore_mem>>)
    %add3A_8 = arith.constant 16 : i32
    %add3A_9 = arith.addi %mul3A_2, %add3A_8 : i32
    %mul3A_10 = arith.constant 1024 : i32
    %mul3A_11 = arith.muli %add3A_9, %mul3A_10 : i32
    %dma_start3A_12 = tpu.memref_slice %arg4[%mul3A_11] : memref<2097152xf32, #tpu.memory_space<hbm>> -> memref<16384xf32, #tpu.memory_space<hbm>>
    %dma_start3A_13 = tpu.memref_slice %arg4[%mul3A_11] : memref<2097152xf32, #tpu.memory_space<hbm>> -> memref<16384xf32, #tpu.memory_space<hbm>>
    tpu.enqueue_dma source(%dma_start3A_13 : memref<16384xf32, #tpu.memory_space<hbm>>) target(%arg13 : memref<16384xf32, #tpu.memory_space<vmem>>) target_semaphore(%arg25 : memref<!tpu.dma_semaphore, #tpu.memory_space<semaphore_mem>>)
    %dma_start3A_14 = arith.constant 0 : i32
    %dma_start3A_15 = arith.constant 0 : i32
    %dma_start3A_16 = tpu.memref_slice %arg6[%dma_start3A_15] : memref<256xi32, #tpu.memory_space<vmem>> -> memref<64xi32, #tpu.memory_space<vmem>>
    %dma_start3A_17 = tpu.memref_slice %arg2[%dma_start3A_14, %mul3A_2] : memref<4x2048xi32, #tpu.memory_space<hbm>> -> memref<1x64xi32, #tpu.memory_space<hbm>>
    %dma_start3A_18 = tpu.memref_squeeze %dma_start3A_17 : memref<1x64xi32, #tpu.memory_space<hbm>> -> memref<64xi32, #tpu.memory_space<hbm>>
    %dma_start3A_19 = arith.constant 0 : i32
    %dma_start3A_20 = tpu.memref_slice %arg6[%dma_start3A_19] : memref<256xi32, #tpu.memory_space<vmem>> -> memref<64xi32, #tpu.memory_space<vmem>>
    %dma_start3A_21 = tpu.memref_slice %arg2[%dma_start3A_14, %mul3A_2] : memref<4x2048xi32, #tpu.memory_space<hbm>> -> memref<1x64xi32, #tpu.memory_space<hbm>>
    %dma_start3A_22 = tpu.memref_squeeze %dma_start3A_21 : memref<1x64xi32, #tpu.memory_space<hbm>> -> memref<64xi32, #tpu.memory_space<hbm>>
    tpu.enqueue_dma source(%dma_start3A_22 : memref<64xi32, #tpu.memory_space<hbm>>) target(%dma_start3A_20 : memref<64xi32, #tpu.memory_space<vmem>>) target_semaphore(%arg14 : memref<!tpu.dma_semaphore, #tpu.memory_space<semaphore_mem>>)
    %dma_start3A_23 = arith.constant 1 : i32
    %dma_start3A_24 = arith.constant 64 : i32
    %dma_start3A_25 = tpu.memref_slice %arg6[%dma_start3A_24] : memref<256xi32, #tpu.memory_space<vmem>> -> memref<64xi32, #tpu.memory_space<vmem>>
    %dma_start3A_26 = tpu.memref_slice %arg2[%dma_start3A_23, %mul3A_2] : memref<4x2048xi32, #tpu.memory_space<hbm>> -> memref<1x64xi32, #tpu.memory_space<hbm>>
    %dma_start3A_27 = tpu.memref_squeeze %dma_start3A_26 : memref<1x64xi32, #tpu.memory_space<hbm>> -> memref<64xi32, #tpu.memory_space<hbm>>
    %dma_start3A_28 = arith.constant 64 : i32
    %dma_start3A_29 = tpu.memref_slice %arg6[%dma_start3A_28] : memref<256xi32, #tpu.memory_space<vmem>> -> memref<64xi32, #tpu.memory_space<vmem>>
    %dma_start3A_30 = tpu.memref_slice %arg2[%dma_start3A_23, %mul3A_2] : memref<4x2048xi32, #tpu.memory_space<hbm>> -> memref<1x64xi32, #tpu.memory_space<hbm>>
    %dma_start3A_31 = tpu.memref_squeeze %dma_start3A_30 : memref<1x64xi32, #tpu.memory_space<hbm>> -> memref<64xi32, #tpu.memory_space<hbm>>
    tpu.enqueue_dma source(%dma_start3A_31 : memref<64xi32, #tpu.memory_space<hbm>>) target(%dma_start3A_29 : memref<64xi32, #tpu.memory_space<vmem>>) target_semaphore(%arg15 : memref<!tpu.dma_semaphore, #tpu.memory_space<semaphore_mem>>)
    %dma_start3A_32 = arith.constant 2 : i32
    %dma_start3A_33 = arith.constant 128 : i32
    %dma_start3A_34 = tpu.memref_slice %arg6[%dma_start3A_33] : memref<256xi32, #tpu.memory_space<vmem>> -> memref<64xi32, #tpu.memory_space<vmem>>
    %dma_start3A_35 = tpu.memref_slice %arg2[%dma_start3A_32, %mul3A_2] : memref<4x2048xi32, #tpu.memory_space<hbm>> -> memref<1x64xi32, #tpu.memory_space<hbm>>
    %dma_start3A_36 = tpu.memref_squeeze %dma_start3A_35 : memref<1x64xi32, #tpu.memory_space<hbm>> -> memref<64xi32, #tpu.memory_space<hbm>>
    %dma_start3A_37 = arith.constant 128 : i32
    %dma_start3A_38 = tpu.memref_slice %arg6[%dma_start3A_37] : memref<256xi32, #tpu.memory_space<vmem>> -> memref<64xi32, #tpu.memory_space<vmem>>
    %dma_start3A_39 = tpu.memref_slice %arg2[%dma_start3A_32, %mul3A_2] : memref<4x2048xi32, #tpu.memory_space<hbm>> -> memref<1x64xi32, #tpu.memory_space<hbm>>
    %dma_start3A_40 = tpu.memref_squeeze %dma_start3A_39 : memref<1x64xi32, #tpu.memory_space<hbm>> -> memref<64xi32, #tpu.memory_space<hbm>>
    tpu.enqueue_dma source(%dma_start3A_40 : memref<64xi32, #tpu.memory_space<hbm>>) target(%dma_start3A_38 : memref<64xi32, #tpu.memory_space<vmem>>) target_semaphore(%arg16 : memref<!tpu.dma_semaphore, #tpu.memory_space<semaphore_mem>>)
    %dma_start3A_41 = arith.constant 3 : i32
    %dma_start3A_42 = arith.constant 192 : i32
    %dma_start3A_43 = tpu.memref_slice %arg6[%dma_start3A_42] : memref<256xi32, #tpu.memory_space<vmem>> -> memref<64xi32, #tpu.memory_space<vmem>>
    %dma_start3A_44 = tpu.memref_slice %arg2[%dma_start3A_41, %mul3A_2] : memref<4x2048xi32, #tpu.memory_space<hbm>> -> memref<1x64xi32, #tpu.memory_space<hbm>>
    %dma_start3A_45 = tpu.memref_squeeze %dma_start3A_44 : memref<1x64xi32, #tpu.memory_space<hbm>> -> memref<64xi32, #tpu.memory_space<hbm>>
    %dma_start3A_46 = arith.constant 192 : i32
    %dma_start3A_47 = tpu.memref_slice %arg6[%dma_start3A_46] : memref<256xi32, #tpu.memory_space<vmem>> -> memref<64xi32, #tpu.memory_space<vmem>>
    %dma_start3A_48 = tpu.memref_slice %arg2[%dma_start3A_41, %mul3A_2] : memref<4x2048xi32, #tpu.memory_space<hbm>> -> memref<1x64xi32, #tpu.memory_space<hbm>>
    %dma_start3A_49 = tpu.memref_squeeze %dma_start3A_48 : memref<1x64xi32, #tpu.memory_space<hbm>> -> memref<64xi32, #tpu.memory_space<hbm>>
    tpu.enqueue_dma source(%dma_start3A_49 : memref<64xi32, #tpu.memory_space<hbm>>) target(%dma_start3A_47 : memref<64xi32, #tpu.memory_space<vmem>>) target_semaphore(%arg17 : memref<!tpu.dma_semaphore, #tpu.memory_space<semaphore_mem>>)
    %dma_wait3A = arith.constant 0 : i32
    %dma_wait3A_50 = arith.constant 0 : i32
    %dma_wait3A_51 = tpu.memref_slice %arg6[%dma_wait3A_50] : memref<256xi32, #tpu.memory_space<vmem>> -> memref<64xi32, #tpu.memory_space<vmem>>
    %dma_wait3A_52 = tpu.memref_slice %arg2[%dma_wait3A, %mul3A_2] : memref<4x2048xi32, #tpu.memory_space<hbm>> -> memref<1x64xi32, #tpu.memory_space<hbm>>
    %dma_wait3A_53 = tpu.memref_squeeze %dma_wait3A_52 : memref<1x64xi32, #tpu.memory_space<hbm>> -> memref<64xi32, #tpu.memory_space<hbm>>
    %dma_wait3A_54 = arith.constant 0 : i32
    %dma_wait3A_55 = tpu.memref_slice %arg6[%dma_wait3A_54] : memref<256xi32, #tpu.memory_space<vmem>> -> memref<64xi32, #tpu.memory_space<vmem>>
    %dma_wait3A_56 = tpu.memref_slice %arg2[%dma_wait3A, %mul3A_2] : memref<4x2048xi32, #tpu.memory_space<hbm>> -> memref<1x64xi32, #tpu.memory_space<hbm>>
    %dma_wait3A_57 = tpu.memref_squeeze %dma_wait3A_56 : memref<1x64xi32, #tpu.memory_space<hbm>> -> memref<64xi32, #tpu.memory_space<hbm>>
    tpu.wait_dma2 semaphore(%arg14 : memref<!tpu.dma_semaphore, #tpu.memory_space<semaphore_mem>>) src(%dma_wait3A_57 : memref<64xi32, #tpu.memory_space<hbm>>) dst(%dma_wait3A_55 : memref<64xi32, #tpu.memory_space<vmem>>)
    %dma_wait3A_58 = arith.constant 1 : i32
    %dma_wait3A_59 = arith.constant 64 : i32
    %dma_wait3A_60 = tpu.memref_slice %arg6[%dma_wait3A_59] : memref<256xi32, #tpu.memory_space<vmem>> -> memref<64xi32, #tpu.memory_space<vmem>>
    %dma_wait3A_61 = tpu.memref_slice %arg2[%dma_wait3A_58, %mul3A_2] : memref<4x2048xi32, #tpu.memory_space<hbm>> -> memref<1x64xi32, #tpu.memory_space<hbm>>
    %dma_wait3A_62 = tpu.memref_squeeze %dma_wait3A_61 : memref<1x64xi32, #tpu.memory_space<hbm>> -> memref<64xi32, #tpu.memory_space<hbm>>
    %dma_wait3A_63 = arith.constant 64 : i32
    %dma_wait3A_64 = tpu.memref_slice %arg6[%dma_wait3A_63] : memref<256xi32, #tpu.memory_space<vmem>> -> memref<64xi32, #tpu.memory_space<vmem>>
    %dma_wait3A_65 = tpu.memref_slice %arg2[%dma_wait3A_58, %mul3A_2] : memref<4x2048xi32, #tpu.memory_space<hbm>> -> memref<1x64xi32, #tpu.memory_space<hbm>>
    %dma_wait3A_66 = tpu.memref_squeeze %dma_wait3A_65 : memref<1x64xi32, #tpu.memory_space<hbm>> -> memref<64xi32, #tpu.memory_space<hbm>>
    tpu.wait_dma2 semaphore(%arg15 : memref<!tpu.dma_semaphore, #tpu.memory_space<semaphore_mem>>) src(%dma_wait3A_66 : memref<64xi32, #tpu.memory_space<hbm>>) dst(%dma_wait3A_64 : memref<64xi32, #tpu.memory_space<vmem>>)
    %dma_wait3A_67 = arith.constant 2 : i32
    %dma_wait3A_68 = arith.constant 128 : i32
    %dma_wait3A_69 = tpu.memref_slice %arg6[%dma_wait3A_68] : memref<256xi32, #tpu.memory_space<vmem>> -> memref<64xi32, #tpu.memory_space<vmem>>
    %dma_wait3A_70 = tpu.memref_slice %arg2[%dma_wait3A_67, %mul3A_2] : memref<4x2048xi32, #tpu.memory_space<hbm>> -> memref<1x64xi32, #tpu.memory_space<hbm>>
    %dma_wait3A_71 = tpu.memref_squeeze %dma_wait3A_70 : memref<1x64xi32, #tpu.memory_space<hbm>> -> memref<64xi32, #tpu.memory_space<hbm>>
    %dma_wait3A_72 = arith.constant 128 : i32
    %dma_wait3A_73 = tpu.memref_slice %arg6[%dma_wait3A_72] : memref<256xi32, #tpu.memory_space<vmem>> -> memref<64xi32, #tpu.memory_space<vmem>>
    %dma_wait3A_74 = tpu.memref_slice %arg2[%dma_wait3A_67, %mul3A_2] : memref<4x2048xi32, #tpu.memory_space<hbm>> -> memref<1x64xi32, #tpu.memory_space<hbm>>
    %dma_wait3A_75 = tpu.memref_squeeze %dma_wait3A_74 : memref<1x64xi32, #tpu.memory_space<hbm>> -> memref<64xi32, #tpu.memory_space<hbm>>
    tpu.wait_dma2 semaphore(%arg16 : memref<!tpu.dma_semaphore, #tpu.memory_space<semaphore_mem>>) src(%dma_wait3A_75 : memref<64xi32, #tpu.memory_space<hbm>>) dst(%dma_wait3A_73 : memref<64xi32, #tpu.memory_space<vmem>>)
    %dma_wait3A_76 = arith.constant 3 : i32
    %dma_wait3A_77 = arith.constant 192 : i32
    %dma_wait3A_78 = tpu.memref_slice %arg6[%dma_wait3A_77] : memref<256xi32, #tpu.memory_space<vmem>> -> memref<64xi32, #tpu.memory_space<vmem>>
    %dma_wait3A_79 = tpu.memref_slice %arg2[%dma_wait3A_76, %mul3A_2] : memref<4x2048xi32, #tpu.memory_space<hbm>> -> memref<1x64xi32, #tpu.memory_space<hbm>>
    %dma_wait3A_80 = tpu.memref_squeeze %dma_wait3A_79 : memref<1x64xi32, #tpu.memory_space<hbm>> -> memref<64xi32, #tpu.memory_space<hbm>>
    %dma_wait3A_81 = arith.constant 192 : i32
    %dma_wait3A_82 = tpu.memref_slice %arg6[%dma_wait3A_81] : memref<256xi32, #tpu.memory_space<vmem>> -> memref<64xi32, #tpu.memory_space<vmem>>
    %dma_wait3A_83 = tpu.memref_slice %arg2[%dma_wait3A_76, %mul3A_2] : memref<4x2048xi32, #tpu.memory_space<hbm>> -> memref<1x64xi32, #tpu.memory_space<hbm>>
    %dma_wait3A_84 = tpu.memref_squeeze %dma_wait3A_83 : memref<1x64xi32, #tpu.memory_space<hbm>> -> memref<64xi32, #tpu.memory_space<hbm>>
    tpu.wait_dma2 semaphore(%arg17 : memref<!tpu.dma_semaphore, #tpu.memory_space<semaphore_mem>>) src(%dma_wait3A_84 : memref<64xi32, #tpu.memory_space<hbm>>) dst(%dma_wait3A_82 : memref<64xi32, #tpu.memory_space<vmem>>)
    %dma_start3A_85 = arith.constant 0 : i32
    %dma_start3A_86 = tpu.memref_slice %arg6[%dma_start3A_85] : memref<256xi32, #tpu.memory_space<vmem>> -> memref<16xi32, #tpu.memory_space<vmem>>
    %dma_start3A_87 = arith.constant 0 : i32
    %dma_start3A_88 = arith.constant 0 : i32
    %dma_start3A_89 = tpu.memref_slice %arg3[%dma_start3A_87, %dma_start3A_88] : memref<100000x1024xf32, #tpu.memory_space<hbm>> -> memref<100000x1024xf32, #tpu.memory_space<hbm>>
    tpu.enqueue_indirect_dma source(%dma_start3A_89 : memref<100000x1024xf32, #tpu.memory_space<hbm>>) target(%arg7 : memref<16x1024xf32, #tpu.memory_space<vmem>>) offsets(%dma_start3A_86 : memref<16xi32, #tpu.memory_space<vmem>>) semaphore(%arg14 : memref<!tpu.dma_semaphore, #tpu.memory_space<semaphore_mem>>)
    %dma_start3A_90 = arith.constant 64 : i32
    %dma_start3A_91 = tpu.memref_slice %arg6[%dma_start3A_90] : memref<256xi32, #tpu.memory_space<vmem>> -> memref<16xi32, #tpu.memory_space<vmem>>
    %dma_start3A_92 = arith.constant 0 : i32
    %dma_start3A_93 = arith.constant 0 : i32
    %dma_start3A_94 = tpu.memref_slice %arg3[%dma_start3A_92, %dma_start3A_93] : memref<100000x1024xf32, #tpu.memory_space<hbm>> -> memref<100000x1024xf32, #tpu.memory_space<hbm>>
    tpu.enqueue_indirect_dma source(%dma_start3A_94 : memref<100000x1024xf32, #tpu.memory_space<hbm>>) target(%arg8 : memref<16x1024xf32, #tpu.memory_space<vmem>>) offsets(%dma_start3A_91 : memref<16xi32, #tpu.memory_space<vmem>>) semaphore(%arg15 : memref<!tpu.dma_semaphore, #tpu.memory_space<semaphore_mem>>)
    %dma_start3A_95 = arith.constant 128 : i32
    %dma_start3A_96 = tpu.memref_slice %arg6[%dma_start3A_95] : memref<256xi32, #tpu.memory_space<vmem>> -> memref<16xi32, #tpu.memory_space<vmem>>
    %dma_start3A_97 = arith.constant 0 : i32
    %dma_start3A_98 = arith.constant 0 : i32
    %dma_start3A_99 = tpu.memref_slice %arg3[%dma_start3A_97, %dma_start3A_98] : memref<100000x1024xf32, #tpu.memory_space<hbm>> -> memref<100000x1024xf32, #tpu.memory_space<hbm>>
    tpu.enqueue_indirect_dma source(%dma_start3A_99 : memref<100000x1024xf32, #tpu.memory_space<hbm>>) target(%arg9 : memref<16x1024xf32, #tpu.memory_space<vmem>>) offsets(%dma_start3A_96 : memref<16xi32, #tpu.memory_space<vmem>>) semaphore(%arg16 : memref<!tpu.dma_semaphore, #tpu.memory_space<semaphore_mem>>)
    %dma_start3A_100 = arith.constant 192 : i32
    %dma_start3A_101 = tpu.memref_slice %arg6[%dma_start3A_100] : memref<256xi32, #tpu.memory_space<vmem>> -> memref<16xi32, #tpu.memory_space<vmem>>
    %dma_start3A_102 = arith.constant 0 : i32
    %dma_start3A_103 = arith.constant 0 : i32
    %dma_start3A_104 = tpu.memref_slice %arg3[%dma_start3A_102, %dma_start3A_103] : memref<100000x1024xf32, #tpu.memory_space<hbm>> -> memref<100000x1024xf32, #tpu.memory_space<hbm>>
    tpu.enqueue_indirect_dma source(%dma_start3A_104 : memref<100000x1024xf32, #tpu.memory_space<hbm>>) target(%arg10 : memref<16x1024xf32, #tpu.memory_space<vmem>>) offsets(%dma_start3A_101 : memref<16xi32, #tpu.memory_space<vmem>>) semaphore(%arg17 : memref<!tpu.dma_semaphore, #tpu.memory_space<semaphore_mem>>)
    %dma_start3A_105 = arith.constant 16 : i32
    %dma_start3A_106 = tpu.memref_slice %arg6[%dma_start3A_105] : memref<256xi32, #tpu.memory_space<vmem>> -> memref<16xi32, #tpu.memory_space<vmem>>
    %dma_start3A_107 = arith.constant 0 : i32
    %dma_start3A_108 = arith.constant 0 : i32
    %dma_start3A_109 = tpu.memref_slice %arg3[%dma_start3A_107, %dma_start3A_108] : memref<100000x1024xf32, #tpu.memory_space<hbm>> -> memref<100000x1024xf32, #tpu.memory_space<hbm>>
    tpu.enqueue_indirect_dma source(%dma_start3A_109 : memref<100000x1024xf32, #tpu.memory_space<hbm>>) target(%arg11 : memref<16x1024xf32, #tpu.memory_space<vmem>>) offsets(%dma_start3A_106 : memref<16xi32, #tpu.memory_space<vmem>>) semaphore(%arg18 : memref<!tpu.dma_semaphore, #tpu.memory_space<semaphore_mem>>)
    %dma_wait3A_110 = tpu.memref_slice %arg4[%mul3A_6] : memref<2097152xf32, #tpu.memory_space<hbm>> -> memref<16384xf32, #tpu.memory_space<hbm>>
    %dma_wait3A_111 = tpu.memref_slice %arg4[%mul3A_6] : memref<2097152xf32, #tpu.memory_space<hbm>> -> memref<16384xf32, #tpu.memory_space<hbm>>
    tpu.wait_dma2 semaphore(%arg24 : memref<!tpu.dma_semaphore, #tpu.memory_space<semaphore_mem>>) src(%dma_wait3A_111 : memref<16384xf32, #tpu.memory_space<hbm>>) dst(%arg12 : memref<16384xf32, #tpu.memory_space<vmem>>)
    %dma_wait3A_112 = arith.constant 0 : i32
    %dma_wait3A_113 = tpu.memref_slice %arg6[%dma_wait3A_112] : memref<256xi32, #tpu.memory_space<vmem>> -> memref<16xi32, #tpu.memory_space<vmem>>
    %dma_wait3A_114 = arith.constant 0 : i32
    %dma_wait3A_115 = arith.constant 0 : i32
    %dma_wait3A_116 = tpu.memref_slice %arg3[%dma_wait3A_114, %dma_wait3A_115] : memref<100000x1024xf32, #tpu.memory_space<hbm>> -> memref<100000x1024xf32, #tpu.memory_space<hbm>>
    tpu.wait_indirect_dma semaphore(%arg14 : memref<!tpu.dma_semaphore, #tpu.memory_space<semaphore_mem>>) src(%dma_wait3A_116 : memref<100000x1024xf32, #tpu.memory_space<hbm>>) dst(%arg7 : memref<16x1024xf32, #tpu.memory_space<vmem>>)
    %dma_wait3A_117 = arith.constant 64 : i32
    %dma_wait3A_118 = tpu.memref_slice %arg6[%dma_wait3A_117] : memref<256xi32, #tpu.memory_space<vmem>> -> memref<16xi32, #tpu.memory_space<vmem>>
    %dma_wait3A_119 = arith.constant 0 : i32
    %dma_wait3A_120 = arith.constant 0 : i32
    %dma_wait3A_121 = tpu.memref_slice %arg3[%dma_wait3A_119, %dma_wait3A_120] : memref<100000x1024xf32, #tpu.memory_space<hbm>> -> memref<100000x1024xf32, #tpu.memory_space<hbm>>
    tpu.wait_indirect_dma semaphore(%arg15 : memref<!tpu.dma_semaphore, #tpu.memory_space<semaphore_mem>>) src(%dma_wait3A_121 : memref<100000x1024xf32, #tpu.memory_space<hbm>>) dst(%arg8 : memref<16x1024xf32, #tpu.memory_space<vmem>>)
    %get3A = arith.constant 0 : index
    %get3A_122 = tpu.vector_load %arg6[%get3A] {strides = array<i32>} : memref<256xi32, #tpu.memory_space<vmem>>, vector<16xi32>,
    %get3A_123 = vector.shape_cast %get3A_122 : vector<16xi32> to vector<16xi32>
    %get3A_124 = arith.constant 64 : index
    %get3A_125 = tpu.vector_load %arg6[%get3A_124] {strides = array<i32>} : memref<256xi32, #tpu.memory_space<vmem>>, vector<16xi32>,
    %get3A_126 = vector.shape_cast %get3A_125 : vector<16xi32> to vector<16xi32>
    %scan3A = arith.constant 0 : i32
    %scan3A_127 = arith.constant 0 : i32
    %scan3A_128 = arith.constant 16 : i32
    %scan3A_129 = arith.addi %scan3A_127, %scan3A_128 : i32
    %scan3A_130 = arith.constant 1 : i32
    scf.for %scan3A_551 = %scan3A_127 to %scan3A_129 step %scan3A_130  : i32 {
      %broadcast_in_dim3A = arith.constant 0 : i32
      %broadcast_in_dim3A_552 = vector.broadcast %broadcast_in_dim3A : i32 to vector<16xi32>
      %add3A_553 = vector.broadcast %scan3A_551 : i32 to vector<16xi32>
      %add3A_554 = arith.addi %broadcast_in_dim3A_552, %add3A_553 : vector<16xi32>
      %lt3A = arith.constant 0 : i32
      %lt3A_555 = vector.broadcast %lt3A : i32 to vector<16xi32>
      %lt3A_556 = arith.cmpi slt, %add3A_554, %lt3A_555 : vector<16xi32>
      %add3A_557 = arith.constant 16 : i32
      %add3A_558 = vector.broadcast %add3A_557 : i32 to vector<16xi32>
      %add3A_559 = arith.addi %add3A_554, %add3A_558 : vector<16xi32>
      %select_n3A = arith.select %lt3A_556, %add3A_559, %add3A_554 : vector<16xi1>, vector<16xi32>
      %broadcast_in_dim3A_560 = vector.shape_cast %select_n3A : vector<16xi32> to vector<16x1xi32>
      %gather3A = vector.shape_cast %broadcast_in_dim3A_560 : vector<16x1xi32> to vector<16xi32>
      %gather3A_561 = tpu.dynamic_gather %get3A_123[%gather3A] in [0] : vector<16xi32>, vector<16xi32> -> vector<16xi32>
      %ne3A = arith.constant 0 : i32
      %ne3A_562 = vector.broadcast %ne3A : i32 to vector<16xi32>
      %ne3A_563 = arith.cmpi ne, %gather3A_561, %ne3A_562 : vector<16xi32>
      %jit3A = arith.constant 1.000000e+00 : f32
      %jit3A_564 = arith.constant 0.000000e+00 : f32
      %broadcast_in_dim3A_565 = vector.broadcast %jit3A : f32 to vector<16xf32>
      %broadcast_in_dim3A_566 = vector.broadcast %jit3A_564 : f32 to vector<16xf32>
      %select_n3A_567 = arith.select %ne3A_563, %broadcast_in_dim3A_565, %broadcast_in_dim3A_566 : vector<16xi1>, vector<16xf32>
      %broadcast_in_dim3A_568 = arith.constant 0 : i32
      %broadcast_in_dim3A_569 = vector.broadcast %broadcast_in_dim3A_568 : i32 to vector<16xi32>
      %add3A_570 = vector.broadcast %scan3A_551 : i32 to vector<16xi32>
      %add3A_571 = arith.addi %broadcast_in_dim3A_569, %add3A_570 : vector<16xi32>
      %lt3A_572 = arith.constant 0 : i32
      %lt3A_573 = vector.broadcast %lt3A_572 : i32 to vector<16xi32>
      %lt3A_574 = arith.cmpi slt, %add3A_571, %lt3A_573 : vector<16xi32>
      %add3A_575 = arith.constant 16 : i32
      %add3A_576 = vector.broadcast %add3A_575 : i32 to vector<16xi32>
      %add3A_577 = arith.addi %add3A_571, %add3A_576 : vector<16xi32>
      %select_n3A_578 = arith.select %lt3A_574, %add3A_577, %add3A_571 : vector<16xi1>, vector<16xi32>
      %broadcast_in_dim3A_579 = vector.shape_cast %select_n3A_578 : vector<16xi32> to vector<16x1xi32>
      %gather3A_580 = vector.shape_cast %broadcast_in_dim3A_579 : vector<16x1xi32> to vector<16xi32>
      %gather3A_581 = tpu.dynamic_gather %get3A_126[%gather3A_580] in [0] : vector<16xi32>, vector<16xi32> -> vector<16xi32>
      %ne3A_582 = arith.constant 0 : i32
      %ne3A_583 = vector.broadcast %ne3A_582 : i32 to vector<16xi32>
      %ne3A_584 = arith.cmpi ne, %gather3A_581, %ne3A_583 : vector<16xi32>
      %jit3A_585 = arith.constant 1.000000e+00 : f32
      %jit3A_586 = arith.constant 0.000000e+00 : f32
      %broadcast_in_dim3A_587 = vector.broadcast %jit3A_585 : f32 to vector<16xf32>
      %broadcast_in_dim3A_588 = vector.broadcast %jit3A_586 : f32 to vector<16xf32>
      %select_n3A_589 = arith.select %ne3A_584, %broadcast_in_dim3A_587, %broadcast_in_dim3A_588 : vector<16xi1>, vector<16xf32>
      %parallel_loop3A = arith.constant 0 : i32
      %parallel_loop3A_590 = arith.constant 64 : i32
      %parallel_loop3A_591 = arith.constant 1 : i32
      scf.for %parallel_loop3A_592 = %parallel_loop3A to %parallel_loop3A_590 step %parallel_loop3A_591  : i32 {
        %parallel_loop3A_593 = arith.constant 1024 : i32
        %parallel_loop3A_594 = arith.muli %scan3A_551, %parallel_loop3A_593 : i32
        %parallel_loop3A_595 = arith.constant 16 : i32
        %parallel_loop3A_596 = arith.muli %parallel_loop3A_592, %parallel_loop3A_595 : i32
        %parallel_loop3A_597 = arith.addi %parallel_loop3A_594, %parallel_loop3A_596 : i32
        %parallel_loop3A_598 = arith.index_cast %parallel_loop3A_597 : i32 to index
        %parallel_loop3A_599 = tpu.vector_load %arg12[%parallel_loop3A_598] {strides = array<i32>} : memref<16384xf32, #tpu.memory_space<vmem>>, vector<16xf32>,
        %parallel_loop3A_600 = vector.shape_cast %parallel_loop3A_599 : vector<16xf32> to vector<16xf32>
        %parallel_loop3A_601 = arith.constant 16 : i32
        %parallel_loop3A_602 = arith.muli %parallel_loop3A_592, %parallel_loop3A_601 : i32
        %parallel_loop3A_603 = arith.index_cast %scan3A_551 : i32 to index
        %parallel_loop3A_604 = arith.index_cast %parallel_loop3A_602 : i32 to index
        %parallel_loop3A_605 = tpu.vector_load %arg7[%parallel_loop3A_603, %parallel_loop3A_604] {strides = array<i32>} : memref<16x1024xf32, #tpu.memory_space<vmem>>, vector<1x16xf32>,
        %parallel_loop3A_606 = vector.shape_cast %parallel_loop3A_605 : vector<1x16xf32> to vector<16xf32>
        %parallel_loop3A_607 = arith.mulf %parallel_loop3A_606, %select_n3A_567 : vector<16xf32>
        %parallel_loop3A_608 = arith.addf %parallel_loop3A_607, %parallel_loop3A_600 : vector<16xf32>
        %parallel_loop3A_609 = arith.index_cast %scan3A_551 : i32 to index
        %parallel_loop3A_610 = arith.index_cast %parallel_loop3A_602 : i32 to index
        %parallel_loop3A_611 = tpu.vector_load %arg7[%parallel_loop3A_609, %parallel_loop3A_610] {strides = array<i32>} : memref<16x1024xf32, #tpu.memory_space<vmem>>, vector<1x16xf32>,
        %parallel_loop3A_612 = vector.shape_cast %parallel_loop3A_611 : vector<1x16xf32> to vector<16xf32>
        %parallel_loop3A_613 = vector.shape_cast %parallel_loop3A_608 : vector<16xf32> to vector<1x16xf32>
        tpu.vector_store %arg7[%parallel_loop3A_609, %parallel_loop3A_610], %parallel_loop3A_613 {strides = array<i32>} : memref<16x1024xf32, #tpu.memory_space<vmem>>, vector<1x16xf32>,
        %parallel_loop3A_614 = arith.index_cast %scan3A_551 : i32 to index
        %parallel_loop3A_615 = arith.index_cast %parallel_loop3A_602 : i32 to index
        %parallel_loop3A_616 = tpu.vector_load %arg8[%parallel_loop3A_614, %parallel_loop3A_615] {strides = array<i32>} : memref<16x1024xf32, #tpu.memory_space<vmem>>, vector<1x16xf32>,
        %parallel_loop3A_617 = vector.shape_cast %parallel_loop3A_616 : vector<1x16xf32> to vector<16xf32>
        %parallel_loop3A_618 = arith.mulf %parallel_loop3A_617, %select_n3A_589 : vector<16xf32>
        %parallel_loop3A_619 = arith.addf %parallel_loop3A_618, %parallel_loop3A_600 : vector<16xf32>
        %parallel_loop3A_620 = arith.index_cast %scan3A_551 : i32 to index
        %parallel_loop3A_621 = arith.index_cast %parallel_loop3A_602 : i32 to index
        %parallel_loop3A_622 = tpu.vector_load %arg8[%parallel_loop3A_620, %parallel_loop3A_621] {strides = array<i32>} : memref<16x1024xf32, #tpu.memory_space<vmem>>, vector<1x16xf32>,
        %parallel_loop3A_623 = vector.shape_cast %parallel_loop3A_622 : vector<1x16xf32> to vector<16xf32>
        %parallel_loop3A_624 = vector.shape_cast %parallel_loop3A_619 : vector<16xf32> to vector<1x16xf32>
        tpu.vector_store %arg8[%parallel_loop3A_620, %parallel_loop3A_621], %parallel_loop3A_624 {strides = array<i32>} : memref<16x1024xf32, #tpu.memory_space<vmem>>, vector<1x16xf32>,
      } {sc.loop_unroll_factor = 8 : i64, sc.parallel_access}
    }
    %scan3A_131 = arith.constant 16 : i32
    %add3A_132 = arith.constant 0 : i32
    %add3A_133 = arith.addi %add3A_132, %mul3A_2 : i32
    %add3A_134 = arith.constant 0 : i32
    %add3A_135 = arith.addi %add3A_133, %add3A_134 : i32
    %dma_start3A_136 = arith.constant 0 : i32
    %dma_start3A_137 = tpu.memref_slice %arg5[%add3A_135, %dma_start3A_136] : memref<8192x1024xf32, #tpu.memory_space<hbm>> -> memref<16x1024xf32, #tpu.memory_space<hbm>>
    %dma_start3A_138 = arith.constant 0 : i32
    %dma_start3A_139 = tpu.memref_slice %arg5[%add3A_135, %dma_start3A_138] : memref<8192x1024xf32, #tpu.memory_space<hbm>> -> memref<16x1024xf32, #tpu.memory_space<hbm>>
    tpu.enqueue_dma source(%arg7 : memref<16x1024xf32, #tpu.memory_space<vmem>>) target(%dma_start3A_139 : memref<16x1024xf32, #tpu.memory_space<hbm>>) target_semaphore(%arg19 : memref<!tpu.dma_semaphore, #tpu.memory_space<semaphore_mem>>)
    %add3A_140 = arith.constant 2048 : i32
    %add3A_141 = arith.addi %add3A_140, %mul3A_2 : i32
    %add3A_142 = arith.constant 0 : i32
    %add3A_143 = arith.addi %add3A_141, %add3A_142 : i32
    %dma_start3A_144 = arith.constant 0 : i32
    %dma_start3A_145 = tpu.memref_slice %arg5[%add3A_143, %dma_start3A_144] : memref<8192x1024xf32, #tpu.memory_space<hbm>> -> memref<16x1024xf32, #tpu.memory_space<hbm>>
    %dma_start3A_146 = arith.constant 0 : i32
    %dma_start3A_147 = tpu.memref_slice %arg5[%add3A_143, %dma_start3A_146] : memref<8192x1024xf32, #tpu.memory_space<hbm>> -> memref<16x1024xf32, #tpu.memory_space<hbm>>
    tpu.enqueue_dma source(%arg8 : memref<16x1024xf32, #tpu.memory_space<vmem>>) target(%dma_start3A_147 : memref<16x1024xf32, #tpu.memory_space<hbm>>) target_semaphore(%arg20 : memref<!tpu.dma_semaphore, #tpu.memory_space<semaphore_mem>>)
    %dma_wait3A_148 = arith.constant 0 : i32
    %dma_wait3A_149 = tpu.memref_slice %arg5[%add3A_135, %dma_wait3A_148] : memref<8192x1024xf32, #tpu.memory_space<hbm>> -> memref<16x1024xf32, #tpu.memory_space<hbm>>
    %dma_wait3A_150 = arith.constant 0 : i32
    %dma_wait3A_151 = tpu.memref_slice %arg5[%add3A_135, %dma_wait3A_150] : memref<8192x1024xf32, #tpu.memory_space<hbm>> -> memref<16x1024xf32, #tpu.memory_space<hbm>>
    tpu.wait_dma2 semaphore(%arg19 : memref<!tpu.dma_semaphore, #tpu.memory_space<semaphore_mem>>) src(%arg7 : memref<16x1024xf32, #tpu.memory_space<vmem>>) dst(%dma_wait3A_151 : memref<16x1024xf32, #tpu.memory_space<hbm>>)
    %dma_start3A_152 = arith.constant 80 : i32
    %dma_start3A_153 = tpu.memref_slice %arg6[%dma_start3A_152] : memref<256xi32, #tpu.memory_space<vmem>> -> memref<16xi32, #tpu.memory_space<vmem>>
    %dma_start3A_154 = arith.constant 0 : i32
    %dma_start3A_155 = arith.constant 0 : i32
    %dma_start3A_156 = tpu.memref_slice %arg3[%dma_start3A_154, %dma_start3A_155] : memref<100000x1024xf32, #tpu.memory_space<hbm>> -> memref<100000x1024xf32, #tpu.memory_space<hbm>>
    tpu.enqueue_indirect_dma source(%dma_start3A_156 : memref<100000x1024xf32, #tpu.memory_space<hbm>>) target(%arg7 : memref<16x1024xf32, #tpu.memory_space<vmem>>) offsets(%dma_start3A_153 : memref<16xi32, #tpu.memory_space<vmem>>) semaphore(%arg14 : memref<!tpu.dma_semaphore, #tpu.memory_space<semaphore_mem>>)
    %dma_wait3A_157 = arith.constant 0 : i32
    %dma_wait3A_158 = tpu.memref_slice %arg5[%add3A_143, %dma_wait3A_157] : memref<8192x1024xf32, #tpu.memory_space<hbm>> -> memref<16x1024xf32, #tpu.memory_space<hbm>>
    %dma_wait3A_159 = arith.constant 0 : i32
    %dma_wait3A_160 = tpu.memref_slice %arg5[%add3A_143, %dma_wait3A_159] : memref<8192x1024xf32, #tpu.memory_space<hbm>> -> memref<16x1024xf32, #tpu.memory_space<hbm>>
    tpu.wait_dma2 semaphore(%arg20 : memref<!tpu.dma_semaphore, #tpu.memory_space<semaphore_mem>>) src(%arg8 : memref<16x1024xf32, #tpu.memory_space<vmem>>) dst(%dma_wait3A_160 : memref<16x1024xf32, #tpu.memory_space<hbm>>)
    %dma_start3A_161 = arith.constant 144 : i32
    %dma_start3A_162 = tpu.memref_slice %arg6[%dma_start3A_161] : memref<256xi32, #tpu.memory_space<vmem>> -> memref<16xi32, #tpu.memory_space<vmem>>
    %dma_start3A_163 = arith.constant 0 : i32
    %dma_start3A_164 = arith.constant 0 : i32
    %dma_start3A_165 = tpu.memref_slice %arg3[%dma_start3A_163, %dma_start3A_164] : memref<100000x1024xf32, #tpu.memory_space<hbm>> -> memref<100000x1024xf32, #tpu.memory_space<hbm>>
    tpu.enqueue_indirect_dma source(%dma_start3A_165 : memref<100000x1024xf32, #tpu.memory_space<hbm>>) target(%arg8 : memref<16x1024xf32, #tpu.memory_space<vmem>>) offsets(%dma_start3A_162 : memref<16xi32, #tpu.memory_space<vmem>>) semaphore(%arg15 : memref<!tpu.dma_semaphore, #tpu.memory_space<semaphore_mem>>)
    %dma_wait3A_166 = arith.constant 128 : i32
    %dma_wait3A_167 = tpu.memref_slice %arg6[%dma_wait3A_166] : memref<256xi32, #tpu.memory_space<vmem>> -> memref<16xi32, #tpu.memory_space<vmem>>
    %dma_wait3A_168 = arith.constant 0 : i32
    %dma_wait3A_169 = arith.constant 0 : i32
    %dma_wait3A_170 = tpu.memref_slice %arg3[%dma_wait3A_168, %dma_wait3A_169] : memref<100000x1024xf32, #tpu.memory_space<hbm>> -> memref<100000x1024xf32, #tpu.memory_space<hbm>>
    tpu.wait_indirect_dma semaphore(%arg16 : memref<!tpu.dma_semaphore, #tpu.memory_space<semaphore_mem>>) src(%dma_wait3A_170 : memref<100000x1024xf32, #tpu.memory_space<hbm>>) dst(%arg9 : memref<16x1024xf32, #tpu.memory_space<vmem>>)
    %dma_wait3A_171 = arith.constant 192 : i32
    %dma_wait3A_172 = tpu.memref_slice %arg6[%dma_wait3A_171] : memref<256xi32, #tpu.memory_space<vmem>> -> memref<16xi32, #tpu.memory_space<vmem>>
    %dma_wait3A_173 = arith.constant 0 : i32
    %dma_wait3A_174 = arith.constant 0 : i32
    %dma_wait3A_175 = tpu.memref_slice %arg3[%dma_wait3A_173, %dma_wait3A_174] : memref<100000x1024xf32, #tpu.memory_space<hbm>> -> memref<100000x1024xf32, #tpu.memory_space<hbm>>
    tpu.wait_indirect_dma semaphore(%arg17 : memref<!tpu.dma_semaphore, #tpu.memory_space<semaphore_mem>>) src(%dma_wait3A_175 : memref<100000x1024xf32, #tpu.memory_space<hbm>>) dst(%arg10 : memref<16x1024xf32, #tpu.memory_space<vmem>>)
    %get3A_176 = arith.constant 128 : index
    %get3A_177 = tpu.vector_load %arg6[%get3A_176] {strides = array<i32>} : memref<256xi32, #tpu.memory_space<vmem>>, vector<16xi32>,
    %get3A_178 = vector.shape_cast %get3A_177 : vector<16xi32> to vector<16xi32>
    %get3A_179 = arith.constant 192 : index
    %get3A_180 = tpu.vector_load %arg6[%get3A_179] {strides = array<i32>} : memref<256xi32, #tpu.memory_space<vmem>>, vector<16xi32>,
    %get3A_181 = vector.shape_cast %get3A_180 : vector<16xi32> to vector<16xi32>
    %scan3A_182 = arith.constant 0 : i32
    %scan3A_183 = arith.constant 0 : i32
    %scan3A_184 = arith.constant 16 : i32
    %scan3A_185 = arith.addi %scan3A_183, %scan3A_184 : i32
    %scan3A_186 = arith.constant 1 : i32
    scf.for %scan3A_551 = %scan3A_183 to %scan3A_185 step %scan3A_186  : i32 {
      %broadcast_in_dim3A = arith.constant 0 : i32
      %broadcast_in_dim3A_552 = vector.broadcast %broadcast_in_dim3A : i32 to vector<16xi32>
      %add3A_553 = vector.broadcast %scan3A_551 : i32 to vector<16xi32>
      %add3A_554 = arith.addi %broadcast_in_dim3A_552, %add3A_553 : vector<16xi32>
      %lt3A = arith.constant 0 : i32
      %lt3A_555 = vector.broadcast %lt3A : i32 to vector<16xi32>
      %lt3A_556 = arith.cmpi slt, %add3A_554, %lt3A_555 : vector<16xi32>
      %add3A_557 = arith.constant 16 : i32
      %add3A_558 = vector.broadcast %add3A_557 : i32 to vector<16xi32>
      %add3A_559 = arith.addi %add3A_554, %add3A_558 : vector<16xi32>
      %select_n3A = arith.select %lt3A_556, %add3A_559, %add3A_554 : vector<16xi1>, vector<16xi32>
      %broadcast_in_dim3A_560 = vector.shape_cast %select_n3A : vector<16xi32> to vector<16x1xi32>
      %gather3A = vector.shape_cast %broadcast_in_dim3A_560 : vector<16x1xi32> to vector<16xi32>
      %gather3A_561 = tpu.dynamic_gather %get3A_178[%gather3A] in [0] : vector<16xi32>, vector<16xi32> -> vector<16xi32>
      %ne3A = arith.constant 0 : i32
      %ne3A_562 = vector.broadcast %ne3A : i32 to vector<16xi32>
      %ne3A_563 = arith.cmpi ne, %gather3A_561, %ne3A_562 : vector<16xi32>
      %jit3A = arith.constant 1.000000e+00 : f32
      %jit3A_564 = arith.constant 0.000000e+00 : f32
      %broadcast_in_dim3A_565 = vector.broadcast %jit3A : f32 to vector<16xf32>
      %broadcast_in_dim3A_566 = vector.broadcast %jit3A_564 : f32 to vector<16xf32>
      %select_n3A_567 = arith.select %ne3A_563, %broadcast_in_dim3A_565, %broadcast_in_dim3A_566 : vector<16xi1>, vector<16xf32>
      %broadcast_in_dim3A_568 = arith.constant 0 : i32
      %broadcast_in_dim3A_569 = vector.broadcast %broadcast_in_dim3A_568 : i32 to vector<16xi32>
      %add3A_570 = vector.broadcast %scan3A_551 : i32 to vector<16xi32>
      %add3A_571 = arith.addi %broadcast_in_dim3A_569, %add3A_570 : vector<16xi32>
      %lt3A_572 = arith.constant 0 : i32
      %lt3A_573 = vector.broadcast %lt3A_572 : i32 to vector<16xi32>
      %lt3A_574 = arith.cmpi slt, %add3A_571, %lt3A_573 : vector<16xi32>
      %add3A_575 = arith.constant 16 : i32
      %add3A_576 = vector.broadcast %add3A_575 : i32 to vector<16xi32>
      %add3A_577 = arith.addi %add3A_571, %add3A_576 : vector<16xi32>
      %select_n3A_578 = arith.select %lt3A_574, %add3A_577, %add3A_571 : vector<16xi1>, vector<16xi32>
      %broadcast_in_dim3A_579 = vector.shape_cast %select_n3A_578 : vector<16xi32> to vector<16x1xi32>
      %gather3A_580 = vector.shape_cast %broadcast_in_dim3A_579 : vector<16x1xi32> to vector<16xi32>
      %gather3A_581 = tpu.dynamic_gather %get3A_181[%gather3A_580] in [0] : vector<16xi32>, vector<16xi32> -> vector<16xi32>
      %ne3A_582 = arith.constant 0 : i32
      %ne3A_583 = vector.broadcast %ne3A_582 : i32 to vector<16xi32>
      %ne3A_584 = arith.cmpi ne, %gather3A_581, %ne3A_583 : vector<16xi32>
      %jit3A_585 = arith.constant 1.000000e+00 : f32
      %jit3A_586 = arith.constant 0.000000e+00 : f32
      %broadcast_in_dim3A_587 = vector.broadcast %jit3A_585 : f32 to vector<16xf32>
      %broadcast_in_dim3A_588 = vector.broadcast %jit3A_586 : f32 to vector<16xf32>
      %select_n3A_589 = arith.select %ne3A_584, %broadcast_in_dim3A_587, %broadcast_in_dim3A_588 : vector<16xi1>, vector<16xf32>
      %parallel_loop3A = arith.constant 0 : i32
      %parallel_loop3A_590 = arith.constant 64 : i32
      %parallel_loop3A_591 = arith.constant 1 : i32
      scf.for %parallel_loop3A_592 = %parallel_loop3A to %parallel_loop3A_590 step %parallel_loop3A_591  : i32 {
        %parallel_loop3A_593 = arith.constant 1024 : i32
        %parallel_loop3A_594 = arith.muli %scan3A_551, %parallel_loop3A_593 : i32
        %parallel_loop3A_595 = arith.constant 16 : i32
        %parallel_loop3A_596 = arith.muli %parallel_loop3A_592, %parallel_loop3A_595 : i32
        %parallel_loop3A_597 = arith.addi %parallel_loop3A_594, %parallel_loop3A_596 : i32
        %parallel_loop3A_598 = arith.index_cast %parallel_loop3A_597 : i32 to index
        %parallel_loop3A_599 = tpu.vector_load %arg12[%parallel_loop3A_598] {strides = array<i32>} : memref<16384xf32, #tpu.memory_space<vmem>>, vector<16xf32>,
        %parallel_loop3A_600 = vector.shape_cast %parallel_loop3A_599 : vector<16xf32> to vector<16xf32>
        %parallel_loop3A_601 = arith.constant 16 : i32
        %parallel_loop3A_602 = arith.muli %parallel_loop3A_592, %parallel_loop3A_601 : i32
        %parallel_loop3A_603 = arith.index_cast %scan3A_551 : i32 to index
        %parallel_loop3A_604 = arith.index_cast %parallel_loop3A_602 : i32 to index
        %parallel_loop3A_605 = tpu.vector_load %arg9[%parallel_loop3A_603, %parallel_loop3A_604] {strides = array<i32>} : memref<16x1024xf32, #tpu.memory_space<vmem>>, vector<1x16xf32>,
        %parallel_loop3A_606 = vector.shape_cast %parallel_loop3A_605 : vector<1x16xf32> to vector<16xf32>
        %parallel_loop3A_607 = arith.mulf %parallel_loop3A_606, %select_n3A_567 : vector<16xf32>
        %parallel_loop3A_608 = arith.addf %parallel_loop3A_607, %parallel_loop3A_600 : vector<16xf32>
        %parallel_loop3A_609 = arith.index_cast %scan3A_551 : i32 to index
        %parallel_loop3A_610 = arith.index_cast %parallel_loop3A_602 : i32 to index
        %parallel_loop3A_611 = tpu.vector_load %arg9[%parallel_loop3A_609, %parallel_loop3A_610] {strides = array<i32>} : memref<16x1024xf32, #tpu.memory_space<vmem>>, vector<1x16xf32>,
        %parallel_loop3A_612 = vector.shape_cast %parallel_loop3A_611 : vector<1x16xf32> to vector<16xf32>
        %parallel_loop3A_613 = vector.shape_cast %parallel_loop3A_608 : vector<16xf32> to vector<1x16xf32>
        tpu.vector_store %arg9[%parallel_loop3A_609, %parallel_loop3A_610], %parallel_loop3A_613 {strides = array<i32>} : memref<16x1024xf32, #tpu.memory_space<vmem>>, vector<1x16xf32>,
        %parallel_loop3A_614 = arith.index_cast %scan3A_551 : i32 to index
        %parallel_loop3A_615 = arith.index_cast %parallel_loop3A_602 : i32 to index
        %parallel_loop3A_616 = tpu.vector_load %arg10[%parallel_loop3A_614, %parallel_loop3A_615] {strides = array<i32>} : memref<16x1024xf32, #tpu.memory_space<vmem>>, vector<1x16xf32>,
        %parallel_loop3A_617 = vector.shape_cast %parallel_loop3A_616 : vector<1x16xf32> to vector<16xf32>
        %parallel_loop3A_618 = arith.mulf %parallel_loop3A_617, %select_n3A_589 : vector<16xf32>
        %parallel_loop3A_619 = arith.addf %parallel_loop3A_618, %parallel_loop3A_600 : vector<16xf32>
        %parallel_loop3A_620 = arith.index_cast %scan3A_551 : i32 to index
        %parallel_loop3A_621 = arith.index_cast %parallel_loop3A_602 : i32 to index
        %parallel_loop3A_622 = tpu.vector_load %arg10[%parallel_loop3A_620, %parallel_loop3A_621] {strides = array<i32>} : memref<16x1024xf32, #tpu.memory_space<vmem>>, vector<1x16xf32>,
        %parallel_loop3A_623 = vector.shape_cast %parallel_loop3A_622 : vector<1x16xf32> to vector<16xf32>
        %parallel_loop3A_624 = vector.shape_cast %parallel_loop3A_619 : vector<16xf32> to vector<1x16xf32>
        tpu.vector_store %arg10[%parallel_loop3A_620, %parallel_loop3A_621], %parallel_loop3A_624 {strides = array<i32>} : memref<16x1024xf32, #tpu.memory_space<vmem>>, vector<1x16xf32>,
      } {sc.loop_unroll_factor = 8 : i64, sc.parallel_access}
    }
    %scan3A_187 = arith.constant 16 : i32
    %add3A_188 = arith.constant 4096 : i32
    %add3A_189 = arith.addi %add3A_188, %mul3A_2 : i32
    %add3A_190 = arith.constant 0 : i32
    %add3A_191 = arith.addi %add3A_189, %add3A_190 : i32
    %dma_start3A_192 = arith.constant 0 : i32
    %dma_start3A_193 = tpu.memref_slice %arg5[%add3A_191, %dma_start3A_192] : memref<8192x1024xf32, #tpu.memory_space<hbm>> -> memref<16x1024xf32, #tpu.memory_space<hbm>>
    %dma_start3A_194 = arith.constant 0 : i32
    %dma_start3A_195 = tpu.memref_slice %arg5[%add3A_191, %dma_start3A_194] : memref<8192x1024xf32, #tpu.memory_space<hbm>> -> memref<16x1024xf32, #tpu.memory_space<hbm>>
    tpu.enqueue_dma source(%arg9 : memref<16x1024xf32, #tpu.memory_space<vmem>>) target(%dma_start3A_195 : memref<16x1024xf32, #tpu.memory_space<hbm>>) target_semaphore(%arg21 : memref<!tpu.dma_semaphore, #tpu.memory_space<semaphore_mem>>)
    %add3A_196 = arith.constant 6144 : i32
    %add3A_197 = arith.addi %add3A_196, %mul3A_2 : i32
    %add3A_198 = arith.constant 0 : i32
    %add3A_199 = arith.addi %add3A_197, %add3A_198 : i32
    %dma_start3A_200 = arith.constant 0 : i32
    %dma_start3A_201 = tpu.memref_slice %arg5[%add3A_199, %dma_start3A_200] : memref<8192x1024xf32, #tpu.memory_space<hbm>> -> memref<16x1024xf32, #tpu.memory_space<hbm>>
    %dma_start3A_202 = arith.constant 0 : i32
    %dma_start3A_203 = tpu.memref_slice %arg5[%add3A_199, %dma_start3A_202] : memref<8192x1024xf32, #tpu.memory_space<hbm>> -> memref<16x1024xf32, #tpu.memory_space<hbm>>
    tpu.enqueue_dma source(%arg10 : memref<16x1024xf32, #tpu.memory_space<vmem>>) target(%dma_start3A_203 : memref<16x1024xf32, #tpu.memory_space<hbm>>) target_semaphore(%arg22 : memref<!tpu.dma_semaphore, #tpu.memory_space<semaphore_mem>>)
    %dma_wait3A_204 = arith.constant 0 : i32
    %dma_wait3A_205 = tpu.memref_slice %arg5[%add3A_191, %dma_wait3A_204] : memref<8192x1024xf32, #tpu.memory_space<hbm>> -> memref<16x1024xf32, #tpu.memory_space<hbm>>
    %dma_wait3A_206 = arith.constant 0 : i32
    %dma_wait3A_207 = tpu.memref_slice %arg5[%add3A_191, %dma_wait3A_206] : memref<8192x1024xf32, #tpu.memory_space<hbm>> -> memref<16x1024xf32, #tpu.memory_space<hbm>>
    tpu.wait_dma2 semaphore(%arg21 : memref<!tpu.dma_semaphore, #tpu.memory_space<semaphore_mem>>) src(%arg9 : memref<16x1024xf32, #tpu.memory_space<vmem>>) dst(%dma_wait3A_207 : memref<16x1024xf32, #tpu.memory_space<hbm>>)
    %dma_start3A_208 = arith.constant 208 : i32
    %dma_start3A_209 = tpu.memref_slice %arg6[%dma_start3A_208] : memref<256xi32, #tpu.memory_space<vmem>> -> memref<16xi32, #tpu.memory_space<vmem>>
    %dma_start3A_210 = arith.constant 0 : i32
    %dma_start3A_211 = arith.constant 0 : i32
    %dma_start3A_212 = tpu.memref_slice %arg3[%dma_start3A_210, %dma_start3A_211] : memref<100000x1024xf32, #tpu.memory_space<hbm>> -> memref<100000x1024xf32, #tpu.memory_space<hbm>>
    tpu.enqueue_indirect_dma source(%dma_start3A_212 : memref<100000x1024xf32, #tpu.memory_space<hbm>>) target(%arg9 : memref<16x1024xf32, #tpu.memory_space<vmem>>) offsets(%dma_start3A_209 : memref<16xi32, #tpu.memory_space<vmem>>) semaphore(%arg16 : memref<!tpu.dma_semaphore, #tpu.memory_space<semaphore_mem>>)
    %dma_wait3A_213 = arith.constant 0 : i32
    %dma_wait3A_214 = tpu.memref_slice %arg5[%add3A_199, %dma_wait3A_213] : memref<8192x1024xf32, #tpu.memory_space<hbm>> -> memref<16x1024xf32, #tpu.memory_space<hbm>>
    %dma_wait3A_215 = arith.constant 0 : i32
    %dma_wait3A_216 = tpu.memref_slice %arg5[%add3A_199, %dma_wait3A_215] : memref<8192x1024xf32, #tpu.memory_space<hbm>> -> memref<16x1024xf32, #tpu.memory_space<hbm>>
    tpu.wait_dma2 semaphore(%arg22 : memref<!tpu.dma_semaphore, #tpu.memory_space<semaphore_mem>>) src(%arg10 : memref<16x1024xf32, #tpu.memory_space<vmem>>) dst(%dma_wait3A_216 : memref<16x1024xf32, #tpu.memory_space<hbm>>)
    %dma_start3A_217 = arith.constant 32 : i32
    %dma_start3A_218 = tpu.memref_slice %arg6[%dma_start3A_217] : memref<256xi32, #tpu.memory_space<vmem>> -> memref<16xi32, #tpu.memory_space<vmem>>
    %dma_start3A_219 = arith.constant 0 : i32
    %dma_start3A_220 = arith.constant 0 : i32
    %dma_start3A_221 = tpu.memref_slice %arg3[%dma_start3A_219, %dma_start3A_220] : memref<100000x1024xf32, #tpu.memory_space<hbm>> -> memref<100000x1024xf32, #tpu.memory_space<hbm>>
    tpu.enqueue_indirect_dma source(%dma_start3A_221 : memref<100000x1024xf32, #tpu.memory_space<hbm>>) target(%arg10 : memref<16x1024xf32, #tpu.memory_space<vmem>>) offsets(%dma_start3A_218 : memref<16xi32, #tpu.memory_space<vmem>>) semaphore(%arg17 : memref<!tpu.dma_semaphore, #tpu.memory_space<semaphore_mem>>)
    %dma_wait3A_222 = tpu.memref_slice %arg4[%mul3A_11] : memref<2097152xf32, #tpu.memory_space<hbm>> -> memref<16384xf32, #tpu.memory_space<hbm>>
    %dma_wait3A_223 = tpu.memref_slice %arg4[%mul3A_11] : memref<2097152xf32, #tpu.memory_space<hbm>> -> memref<16384xf32, #tpu.memory_space<hbm>>
    tpu.wait_dma2 semaphore(%arg25 : memref<!tpu.dma_semaphore, #tpu.memory_space<semaphore_mem>>) src(%dma_wait3A_223 : memref<16384xf32, #tpu.memory_space<hbm>>) dst(%arg13 : memref<16384xf32, #tpu.memory_space<vmem>>)
    %add3A_224 = arith.constant 32 : i32
    %add3A_225 = arith.addi %mul3A_2, %add3A_224 : i32
    %mul3A_226 = arith.constant 1024 : i32
    %mul3A_227 = arith.muli %add3A_225, %mul3A_226 : i32
    %dma_start3A_228 = tpu.memref_slice %arg4[%mul3A_227] : memref<2097152xf32, #tpu.memory_space<hbm>> -> memref<16384xf32, #tpu.memory_space<hbm>>
    %dma_start3A_229 = tpu.memref_slice %arg4[%mul3A_227] : memref<2097152xf32, #tpu.memory_space<hbm>> -> memref<16384xf32, #tpu.memory_space<hbm>>
    tpu.enqueue_dma source(%dma_start3A_229 : memref<16384xf32, #tpu.memory_space<hbm>>) target(%arg12 : memref<16384xf32, #tpu.memory_space<vmem>>) target_semaphore(%arg24 : memref<!tpu.dma_semaphore, #tpu.memory_space<semaphore_mem>>)
    %dma_wait3A_230 = arith.constant 16 : i32
    %dma_wait3A_231 = tpu.memref_slice %arg6[%dma_wait3A_230] : memref<256xi32, #tpu.memory_space<vmem>> -> memref<16xi32, #tpu.memory_space<vmem>>
    %dma_wait3A_232 = arith.constant 0 : i32
    %dma_wait3A_233 = arith.constant 0 : i32
    %dma_wait3A_234 = tpu.memref_slice %arg3[%dma_wait3A_232, %dma_wait3A_233] : memref<100000x1024xf32, #tpu.memory_space<hbm>> -> memref<100000x1024xf32, #tpu.memory_space<hbm>>
    tpu.wait_indirect_dma semaphore(%arg18 : memref<!tpu.dma_semaphore, #tpu.memory_space<semaphore_mem>>) src(%dma_wait3A_234 : memref<100000x1024xf32, #tpu.memory_space<hbm>>) dst(%arg11 : memref<16x1024xf32, #tpu.memory_space<vmem>>)
    %dma_wait3A_235 = arith.constant 80 : i32
    %dma_wait3A_236 = tpu.memref_slice %arg6[%dma_wait3A_235] : memref<256xi32, #tpu.memory_space<vmem>> -> memref<16xi32, #tpu.memory_space<vmem>>
    %dma_wait3A_237 = arith.constant 0 : i32
    %dma_wait3A_238 = arith.constant 0 : i32
    %dma_wait3A_239 = tpu.memref_slice %arg3[%dma_wait3A_237, %dma_wait3A_238] : memref<100000x1024xf32, #tpu.memory_space<hbm>> -> memref<100000x1024xf32, #tpu.memory_space<hbm>>
    tpu.wait_indirect_dma semaphore(%arg14 : memref<!tpu.dma_semaphore, #tpu.memory_space<semaphore_mem>>) src(%dma_wait3A_239 : memref<100000x1024xf32, #tpu.memory_space<hbm>>) dst(%arg7 : memref<16x1024xf32, #tpu.memory_space<vmem>>)
    %get3A_240 = arith.constant 16 : index
    %get3A_241 = tpu.vector_load %arg6[%get3A_240] {strides = array<i32>} : memref<256xi32, #tpu.memory_space<vmem>>, vector<16xi32>,
    %get3A_242 = vector.shape_cast %get3A_241 : vector<16xi32> to vector<16xi32>
    %get3A_243 = arith.constant 80 : index
    %get3A_244 = tpu.vector_load %arg6[%get3A_243] {strides = array<i32>} : memref<256xi32, #tpu.memory_space<vmem>>, vector<16xi32>,
    %get3A_245 = vector.shape_cast %get3A_244 : vector<16xi32> to vector<16xi32>
    %scan3A_246 = arith.constant 0 : i32
    %scan3A_247 = arith.constant 0 : i32
    %scan3A_248 = arith.constant 16 : i32
    %scan3A_249 = arith.addi %scan3A_247, %scan3A_248 : i32
    %scan3A_250 = arith.constant 1 : i32
    scf.for %scan3A_551 = %scan3A_247 to %scan3A_249 step %scan3A_250  : i32 {
      %broadcast_in_dim3A = arith.constant 0 : i32
      %broadcast_in_dim3A_552 = vector.broadcast %broadcast_in_dim3A : i32 to vector<16xi32>
      %add3A_553 = vector.broadcast %scan3A_551 : i32 to vector<16xi32>
      %add3A_554 = arith.addi %broadcast_in_dim3A_552, %add3A_553 : vector<16xi32>
      %lt3A = arith.constant 0 : i32
      %lt3A_555 = vector.broadcast %lt3A : i32 to vector<16xi32>
      %lt3A_556 = arith.cmpi slt, %add3A_554, %lt3A_555 : vector<16xi32>
      %add3A_557 = arith.constant 16 : i32
      %add3A_558 = vector.broadcast %add3A_557 : i32 to vector<16xi32>
      %add3A_559 = arith.addi %add3A_554, %add3A_558 : vector<16xi32>
      %select_n3A = arith.select %lt3A_556, %add3A_559, %add3A_554 : vector<16xi1>, vector<16xi32>
      %broadcast_in_dim3A_560 = vector.shape_cast %select_n3A : vector<16xi32> to vector<16x1xi32>
      %gather3A = vector.shape_cast %broadcast_in_dim3A_560 : vector<16x1xi32> to vector<16xi32>
      %gather3A_561 = tpu.dynamic_gather %get3A_242[%gather3A] in [0] : vector<16xi32>, vector<16xi32> -> vector<16xi32>
      %ne3A = arith.constant 0 : i32
      %ne3A_562 = vector.broadcast %ne3A : i32 to vector<16xi32>
      %ne3A_563 = arith.cmpi ne, %gather3A_561, %ne3A_562 : vector<16xi32>
      %jit3A = arith.constant 1.000000e+00 : f32
      %jit3A_564 = arith.constant 0.000000e+00 : f32
      %broadcast_in_dim3A_565 = vector.broadcast %jit3A : f32 to vector<16xf32>
      %broadcast_in_dim3A_566 = vector.broadcast %jit3A_564 : f32 to vector<16xf32>
      %select_n3A_567 = arith.select %ne3A_563, %broadcast_in_dim3A_565, %broadcast_in_dim3A_566 : vector<16xi1>, vector<16xf32>
      %broadcast_in_dim3A_568 = arith.constant 0 : i32
      %broadcast_in_dim3A_569 = vector.broadcast %broadcast_in_dim3A_568 : i32 to vector<16xi32>
      %add3A_570 = vector.broadcast %scan3A_551 : i32 to vector<16xi32>
      %add3A_571 = arith.addi %broadcast_in_dim3A_569, %add3A_570 : vector<16xi32>
      %lt3A_572 = arith.constant 0 : i32
      %lt3A_573 = vector.broadcast %lt3A_572 : i32 to vector<16xi32>
      %lt3A_574 = arith.cmpi slt, %add3A_571, %lt3A_573 : vector<16xi32>
      %add3A_575 = arith.constant 16 : i32
      %add3A_576 = vector.broadcast %add3A_575 : i32 to vector<16xi32>
      %add3A_577 = arith.addi %add3A_571, %add3A_576 : vector<16xi32>
      %select_n3A_578 = arith.select %lt3A_574, %add3A_577, %add3A_571 : vector<16xi1>, vector<16xi32>
      %broadcast_in_dim3A_579 = vector.shape_cast %select_n3A_578 : vector<16xi32> to vector<16x1xi32>
      %gather3A_580 = vector.shape_cast %broadcast_in_dim3A_579 : vector<16x1xi32> to vector<16xi32>
      %gather3A_581 = tpu.dynamic_gather %get3A_245[%gather3A_580] in [0] : vector<16xi32>, vector<16xi32> -> vector<16xi32>
      %ne3A_582 = arith.constant 0 : i32
      %ne3A_583 = vector.broadcast %ne3A_582 : i32 to vector<16xi32>
      %ne3A_584 = arith.cmpi ne, %gather3A_581, %ne3A_583 : vector<16xi32>
      %jit3A_585 = arith.constant 1.000000e+00 : f32
      %jit3A_586 = arith.constant 0.000000e+00 : f32
      %broadcast_in_dim3A_587 = vector.broadcast %jit3A_585 : f32 to vector<16xf32>
      %broadcast_in_dim3A_588 = vector.broadcast %jit3A_586 : f32 to vector<16xf32>
      %select_n3A_589 = arith.select %ne3A_584, %broadcast_in_dim3A_587, %broadcast_in_dim3A_588 : vector<16xi1>, vector<16xf32>
      %parallel_loop3A = arith.constant 0 : i32
      %parallel_loop3A_590 = arith.constant 64 : i32
      %parallel_loop3A_591 = arith.constant 1 : i32
      scf.for %parallel_loop3A_592 = %parallel_loop3A to %parallel_loop3A_590 step %parallel_loop3A_591  : i32 {
        %parallel_loop3A_593 = arith.constant 1024 : i32
        %parallel_loop3A_594 = arith.muli %scan3A_551, %parallel_loop3A_593 : i32
        %parallel_loop3A_595 = arith.constant 16 : i32
        %parallel_loop3A_596 = arith.muli %parallel_loop3A_592, %parallel_loop3A_595 : i32
        %parallel_loop3A_597 = arith.addi %parallel_loop3A_594, %parallel_loop3A_596 : i32
        %parallel_loop3A_598 = arith.index_cast %parallel_loop3A_597 : i32 to index
        %parallel_loop3A_599 = tpu.vector_load %arg13[%parallel_loop3A_598] {strides = array<i32>} : memref<16384xf32, #tpu.memory_space<vmem>>, vector<16xf32>,
        %parallel_loop3A_600 = vector.shape_cast %parallel_loop3A_599 : vector<16xf32> to vector<16xf32>
        %parallel_loop3A_601 = arith.constant 16 : i32
        %parallel_loop3A_602 = arith.muli %parallel_loop3A_592, %parallel_loop3A_601 : i32
        %parallel_loop3A_603 = arith.index_cast %scan3A_551 : i32 to index
        %parallel_loop3A_604 = arith.index_cast %parallel_loop3A_602 : i32 to index
        %parallel_loop3A_605 = tpu.vector_load %arg11[%parallel_loop3A_603, %parallel_loop3A_604] {strides = array<i32>} : memref<16x1024xf32, #tpu.memory_space<vmem>>, vector<1x16xf32>,
        %parallel_loop3A_606 = vector.shape_cast %parallel_loop3A_605 : vector<1x16xf32> to vector<16xf32>
        %parallel_loop3A_607 = arith.mulf %parallel_loop3A_606, %select_n3A_567 : vector<16xf32>
        %parallel_loop3A_608 = arith.addf %parallel_loop3A_607, %parallel_loop3A_600 : vector<16xf32>
        %parallel_loop3A_609 = arith.index_cast %scan3A_551 : i32 to index
        %parallel_loop3A_610 = arith.index_cast %parallel_loop3A_602 : i32 to index
        %parallel_loop3A_611 = tpu.vector_load %arg11[%parallel_loop3A_609, %parallel_loop3A_610] {strides = array<i32>} : memref<16x1024xf32, #tpu.memory_space<vmem>>, vector<1x16xf32>,
        %parallel_loop3A_612 = vector.shape_cast %parallel_loop3A_611 : vector<1x16xf32> to vector<16xf32>
        %parallel_loop3A_613 = vector.shape_cast %parallel_loop3A_608 : vector<16xf32> to vector<1x16xf32>
        tpu.vector_store %arg11[%parallel_loop3A_609, %parallel_loop3A_610], %parallel_loop3A_613 {strides = array<i32>} : memref<16x1024xf32, #tpu.memory_space<vmem>>, vector<1x16xf32>,
        %parallel_loop3A_614 = arith.index_cast %scan3A_551 : i32 to index
        %parallel_loop3A_615 = arith.index_cast %parallel_loop3A_602 : i32 to index
        %parallel_loop3A_616 = tpu.vector_load %arg7[%parallel_loop3A_614, %parallel_loop3A_615] {strides = array<i32>} : memref<16x1024xf32, #tpu.memory_space<vmem>>, vector<1x16xf32>,
        %parallel_loop3A_617 = vector.shape_cast %parallel_loop3A_616 : vector<1x16xf32> to vector<16xf32>
        %parallel_loop3A_618 = arith.mulf %parallel_loop3A_617, %select_n3A_589 : vector<16xf32>
        %parallel_loop3A_619 = arith.addf %parallel_loop3A_618, %parallel_loop3A_600 : vector<16xf32>
        %parallel_loop3A_620 = arith.index_cast %scan3A_551 : i32 to index
        %parallel_loop3A_621 = arith.index_cast %parallel_loop3A_602 : i32 to index
        %parallel_loop3A_622 = tpu.vector_load %arg7[%parallel_loop3A_620, %parallel_loop3A_621] {strides = array<i32>} : memref<16x1024xf32, #tpu.memory_space<vmem>>, vector<1x16xf32>,
        %parallel_loop3A_623 = vector.shape_cast %parallel_loop3A_622 : vector<1x16xf32> to vector<16xf32>
        %parallel_loop3A_624 = vector.shape_cast %parallel_loop3A_619 : vector<16xf32> to vector<1x16xf32>
        tpu.vector_store %arg7[%parallel_loop3A_620, %parallel_loop3A_621], %parallel_loop3A_624 {strides = array<i32>} : memref<16x1024xf32, #tpu.memory_space<vmem>>, vector<1x16xf32>,
      } {sc.loop_unroll_factor = 8 : i64, sc.parallel_access}
    }
    %scan3A_251 = arith.constant 16 : i32
    %add3A_252 = arith.constant 0 : i32
    %add3A_253 = arith.addi %add3A_252, %mul3A_2 : i32
    %add3A_254 = arith.constant 16 : i32
    %add3A_255 = arith.addi %add3A_253, %add3A_254 : i32
    %dma_start3A_256 = arith.constant 0 : i32
    %dma_start3A_257 = tpu.memref_slice %arg5[%add3A_255, %dma_start3A_256] : memref<8192x1024xf32, #tpu.memory_space<hbm>> -> memref<16x1024xf32, #tpu.memory_space<hbm>>
    %dma_start3A_258 = arith.constant 0 : i32
    %dma_start3A_259 = tpu.memref_slice %arg5[%add3A_255, %dma_start3A_258] : memref<8192x1024xf32, #tpu.memory_space<hbm>> -> memref<16x1024xf32, #tpu.memory_space<hbm>>
    tpu.enqueue_dma source(%arg11 : memref<16x1024xf32, #tpu.memory_space<vmem>>) target(%dma_start3A_259 : memref<16x1024xf32, #tpu.memory_space<hbm>>) target_semaphore(%arg23 : memref<!tpu.dma_semaphore, #tpu.memory_space<semaphore_mem>>)
    %add3A_260 = arith.constant 2048 : i32
    %add3A_261 = arith.addi %add3A_260, %mul3A_2 : i32
    %add3A_262 = arith.constant 16 : i32
    %add3A_263 = arith.addi %add3A_261, %add3A_262 : i32
    %dma_start3A_264 = arith.constant 0 : i32
    %dma_start3A_265 = tpu.memref_slice %arg5[%add3A_263, %dma_start3A_264] : memref<8192x1024xf32, #tpu.memory_space<hbm>> -> memref<16x1024xf32, #tpu.memory_space<hbm>>
    %dma_start3A_266 = arith.constant 0 : i32
    %dma_start3A_267 = tpu.memref_slice %arg5[%add3A_263, %dma_start3A_266] : memref<8192x1024xf32, #tpu.memory_space<hbm>> -> memref<16x1024xf32, #tpu.memory_space<hbm>>
    tpu.enqueue_dma source(%arg7 : memref<16x1024xf32, #tpu.memory_space<vmem>>) target(%dma_start3A_267 : memref<16x1024xf32, #tpu.memory_space<hbm>>) target_semaphore(%arg19 : memref<!tpu.dma_semaphore, #tpu.memory_space<semaphore_mem>>)
    %dma_wait3A_268 = arith.constant 0 : i32
    %dma_wait3A_269 = tpu.memref_slice %arg5[%add3A_255, %dma_wait3A_268] : memref<8192x1024xf32, #tpu.memory_space<hbm>> -> memref<16x1024xf32, #tpu.memory_space<hbm>>
    %dma_wait3A_270 = arith.constant 0 : i32
    %dma_wait3A_271 = tpu.memref_slice %arg5[%add3A_255, %dma_wait3A_270] : memref<8192x1024xf32, #tpu.memory_space<hbm>> -> memref<16x1024xf32, #tpu.memory_space<hbm>>
    tpu.wait_dma2 semaphore(%arg23 : memref<!tpu.dma_semaphore, #tpu.memory_space<semaphore_mem>>) src(%arg11 : memref<16x1024xf32, #tpu.memory_space<vmem>>) dst(%dma_wait3A_271 : memref<16x1024xf32, #tpu.memory_space<hbm>>)
    %dma_start3A_272 = arith.constant 96 : i32
    %dma_start3A_273 = tpu.memref_slice %arg6[%dma_start3A_272] : memref<256xi32, #tpu.memory_space<vmem>> -> memref<16xi32, #tpu.memory_space<vmem>>
    %dma_start3A_274 = arith.constant 0 : i32
    %dma_start3A_275 = arith.constant 0 : i32
    %dma_start3A_276 = tpu.memref_slice %arg3[%dma_start3A_274, %dma_start3A_275] : memref<100000x1024xf32, #tpu.memory_space<hbm>> -> memref<100000x1024xf32, #tpu.memory_space<hbm>>
    tpu.enqueue_indirect_dma source(%dma_start3A_276 : memref<100000x1024xf32, #tpu.memory_space<hbm>>) target(%arg11 : memref<16x1024xf32, #tpu.memory_space<vmem>>) offsets(%dma_start3A_273 : memref<16xi32, #tpu.memory_space<vmem>>) semaphore(%arg18 : memref<!tpu.dma_semaphore, #tpu.memory_space<semaphore_mem>>)
    %dma_wait3A_277 = arith.constant 0 : i32
    %dma_wait3A_278 = tpu.memref_slice %arg5[%add3A_263, %dma_wait3A_277] : memref<8192x1024xf32, #tpu.memory_space<hbm>> -> memref<16x1024xf32, #tpu.memory_space<hbm>>
    %dma_wait3A_279 = arith.constant 0 : i32
    %dma_wait3A_280 = tpu.memref_slice %arg5[%add3A_263, %dma_wait3A_279] : memref<8192x1024xf32, #tpu.memory_space<hbm>> -> memref<16x1024xf32, #tpu.memory_space<hbm>>
    tpu.wait_dma2 semaphore(%arg19 : memref<!tpu.dma_semaphore, #tpu.memory_space<semaphore_mem>>) src(%arg7 : memref<16x1024xf32, #tpu.memory_space<vmem>>) dst(%dma_wait3A_280 : memref<16x1024xf32, #tpu.memory_space<hbm>>)
    %dma_start3A_281 = arith.constant 160 : i32
    %dma_start3A_282 = tpu.memref_slice %arg6[%dma_start3A_281] : memref<256xi32, #tpu.memory_space<vmem>> -> memref<16xi32, #tpu.memory_space<vmem>>
    %dma_start3A_283 = arith.constant 0 : i32
    %dma_start3A_284 = arith.constant 0 : i32
    %dma_start3A_285 = tpu.memref_slice %arg3[%dma_start3A_283, %dma_start3A_284] : memref<100000x1024xf32, #tpu.memory_space<hbm>> -> memref<100000x1024xf32, #tpu.memory_space<hbm>>
    tpu.enqueue_indirect_dma source(%dma_start3A_285 : memref<100000x1024xf32, #tpu.memory_space<hbm>>) target(%arg7 : memref<16x1024xf32, #tpu.memory_space<vmem>>) offsets(%dma_start3A_282 : memref<16xi32, #tpu.memory_space<vmem>>) semaphore(%arg14 : memref<!tpu.dma_semaphore, #tpu.memory_space<semaphore_mem>>)
    %dma_wait3A_286 = arith.constant 144 : i32
    %dma_wait3A_287 = tpu.memref_slice %arg6[%dma_wait3A_286] : memref<256xi32, #tpu.memory_space<vmem>> -> memref<16xi32, #tpu.memory_space<vmem>>
    %dma_wait3A_288 = arith.constant 0 : i32
    %dma_wait3A_289 = arith.constant 0 : i32
    %dma_wait3A_290 = tpu.memref_slice %arg3[%dma_wait3A_288, %dma_wait3A_289] : memref<100000x1024xf32, #tpu.memory_space<hbm>> -> memref<100000x1024xf32, #tpu.memory_space<hbm>>
    tpu.wait_indirect_dma semaphore(%arg15 : memref<!tpu.dma_semaphore, #tpu.memory_space<semaphore_mem>>) src(%dma_wait3A_290 : memref<100000x1024xf32, #tpu.memory_space<hbm>>) dst(%arg8 : memref<16x1024xf32, #tpu.memory_space<vmem>>)
    %dma_wait3A_291 = arith.constant 208 : i32
    %dma_wait3A_292 = tpu.memref_slice %arg6[%dma_wait3A_291] : memref<256xi32, #tpu.memory_space<vmem>> -> memref<16xi32, #tpu.memory_space<vmem>>
    %dma_wait3A_293 = arith.constant 0 : i32
    %dma_wait3A_294 = arith.constant 0 : i32
    %dma_wait3A_295 = tpu.memref_slice %arg3[%dma_wait3A_293, %dma_wait3A_294] : memref<100000x1024xf32, #tpu.memory_space<hbm>> -> memref<100000x1024xf32, #tpu.memory_space<hbm>>
    tpu.wait_indirect_dma semaphore(%arg16 : memref<!tpu.dma_semaphore, #tpu.memory_space<semaphore_mem>>) src(%dma_wait3A_295 : memref<100000x1024xf32, #tpu.memory_space<hbm>>) dst(%arg9 : memref<16x1024xf32, #tpu.memory_space<vmem>>)
    %get3A_296 = arith.constant 144 : index
    %get3A_297 = tpu.vector_load %arg6[%get3A_296] {strides = array<i32>} : memref<256xi32, #tpu.memory_space<vmem>>, vector<16xi32>,
    %get3A_298 = vector.shape_cast %get3A_297 : vector<16xi32> to vector<16xi32>
    %get3A_299 = arith.constant 208 : index
    %get3A_300 = tpu.vector_load %arg6[%get3A_299] {strides = array<i32>} : memref<256xi32, #tpu.memory_space<vmem>>, vector<16xi32>,
    %get3A_301 = vector.shape_cast %get3A_300 : vector<16xi32> to vector<16xi32>
    %scan3A_302 = arith.constant 0 : i32
    %scan3A_303 = arith.constant 0 : i32
    %scan3A_304 = arith.constant 16 : i32
    %scan3A_305 = arith.addi %scan3A_303, %scan3A_304 : i32
    %scan3A_306 = arith.constant 1 : i32
    scf.for %scan3A_551 = %scan3A_303 to %scan3A_305 step %scan3A_306  : i32 {
      %broadcast_in_dim3A = arith.constant 0 : i32
      %broadcast_in_dim3A_552 = vector.broadcast %broadcast_in_dim3A : i32 to vector<16xi32>
      %add3A_553 = vector.broadcast %scan3A_551 : i32 to vector<16xi32>
      %add3A_554 = arith.addi %broadcast_in_dim3A_552, %add3A_553 : vector<16xi32>
      %lt3A = arith.constant 0 : i32
      %lt3A_555 = vector.broadcast %lt3A : i32 to vector<16xi32>
      %lt3A_556 = arith.cmpi slt, %add3A_554, %lt3A_555 : vector<16xi32>
      %add3A_557 = arith.constant 16 : i32
      %add3A_558 = vector.broadcast %add3A_557 : i32 to vector<16xi32>
      %add3A_559 = arith.addi %add3A_554, %add3A_558 : vector<16xi32>
      %select_n3A = arith.select %lt3A_556, %add3A_559, %add3A_554 : vector<16xi1>, vector<16xi32>
      %broadcast_in_dim3A_560 = vector.shape_cast %select_n3A : vector<16xi32> to vector<16x1xi32>
      %gather3A = vector.shape_cast %broadcast_in_dim3A_560 : vector<16x1xi32> to vector<16xi32>
      %gather3A_561 = tpu.dynamic_gather %get3A_298[%gather3A] in [0] : vector<16xi32>, vector<16xi32> -> vector<16xi32>
      %ne3A = arith.constant 0 : i32
      %ne3A_562 = vector.broadcast %ne3A : i32 to vector<16xi32>
      %ne3A_563 = arith.cmpi ne, %gather3A_561, %ne3A_562 : vector<16xi32>
      %jit3A = arith.constant 1.000000e+00 : f32
      %jit3A_564 = arith.constant 0.000000e+00 : f32
      %broadcast_in_dim3A_565 = vector.broadcast %jit3A : f32 to vector<16xf32>
      %broadcast_in_dim3A_566 = vector.broadcast %jit3A_564 : f32 to vector<16xf32>
      %select_n3A_567 = arith.select %ne3A_563, %broadcast_in_dim3A_565, %broadcast_in_dim3A_566 : vector<16xi1>, vector<16xf32>
      %broadcast_in_dim3A_568 = arith.constant 0 : i32
      %broadcast_in_dim3A_569 = vector.broadcast %broadcast_in_dim3A_568 : i32 to vector<16xi32>
      %add3A_570 = vector.broadcast %scan3A_551 : i32 to vector<16xi32>
      %add3A_571 = arith.addi %broadcast_in_dim3A_569, %add3A_570 : vector<16xi32>
      %lt3A_572 = arith.constant 0 : i32
      %lt3A_573 = vector.broadcast %lt3A_572 : i32 to vector<16xi32>
      %lt3A_574 = arith.cmpi slt, %add3A_571, %lt3A_573 : vector<16xi32>
      %add3A_575 = arith.constant 16 : i32
      %add3A_576 = vector.broadcast %add3A_575 : i32 to vector<16xi32>
      %add3A_577 = arith.addi %add3A_571, %add3A_576 : vector<16xi32>
      %select_n3A_578 = arith.select %lt3A_574, %add3A_577, %add3A_571 : vector<16xi1>, vector<16xi32>
      %broadcast_in_dim3A_579 = vector.shape_cast %select_n3A_578 : vector<16xi32> to vector<16x1xi32>
      %gather3A_580 = vector.shape_cast %broadcast_in_dim3A_579 : vector<16x1xi32> to vector<16xi32>
      %gather3A_581 = tpu.dynamic_gather %get3A_301[%gather3A_580] in [0] : vector<16xi32>, vector<16xi32> -> vector<16xi32>
      %ne3A_582 = arith.constant 0 : i32
      %ne3A_583 = vector.broadcast %ne3A_582 : i32 to vector<16xi32>
      %ne3A_584 = arith.cmpi ne, %gather3A_581, %ne3A_583 : vector<16xi32>
      %jit3A_585 = arith.constant 1.000000e+00 : f32
      %jit3A_586 = arith.constant 0.000000e+00 : f32
      %broadcast_in_dim3A_587 = vector.broadcast %jit3A_585 : f32 to vector<16xf32>
      %broadcast_in_dim3A_588 = vector.broadcast %jit3A_586 : f32 to vector<16xf32>
      %select_n3A_589 = arith.select %ne3A_584, %broadcast_in_dim3A_587, %broadcast_in_dim3A_588 : vector<16xi1>, vector<16xf32>
      %parallel_loop3A = arith.constant 0 : i32
      %parallel_loop3A_590 = arith.constant 64 : i32
      %parallel_loop3A_591 = arith.constant 1 : i32
      scf.for %parallel_loop3A_592 = %parallel_loop3A to %parallel_loop3A_590 step %parallel_loop3A_591  : i32 {
        %parallel_loop3A_593 = arith.constant 1024 : i32
        %parallel_loop3A_594 = arith.muli %scan3A_551, %parallel_loop3A_593 : i32
        %parallel_loop3A_595 = arith.constant 16 : i32
        %parallel_loop3A_596 = arith.muli %parallel_loop3A_592, %parallel_loop3A_595 : i32
        %parallel_loop3A_597 = arith.addi %parallel_loop3A_594, %parallel_loop3A_596 : i32
        %parallel_loop3A_598 = arith.index_cast %parallel_loop3A_597 : i32 to index
        %parallel_loop3A_599 = tpu.vector_load %arg13[%parallel_loop3A_598] {strides = array<i32>} : memref<16384xf32, #tpu.memory_space<vmem>>, vector<16xf32>,
        %parallel_loop3A_600 = vector.shape_cast %parallel_loop3A_599 : vector<16xf32> to vector<16xf32>
        %parallel_loop3A_601 = arith.constant 16 : i32
        %parallel_loop3A_602 = arith.muli %parallel_loop3A_592, %parallel_loop3A_601 : i32
        %parallel_loop3A_603 = arith.index_cast %scan3A_551 : i32 to index
        %parallel_loop3A_604 = arith.index_cast %parallel_loop3A_602 : i32 to index
        %parallel_loop3A_605 = tpu.vector_load %arg8[%parallel_loop3A_603, %parallel_loop3A_604] {strides = array<i32>} : memref<16x1024xf32, #tpu.memory_space<vmem>>, vector<1x16xf32>,
        %parallel_loop3A_606 = vector.shape_cast %parallel_loop3A_605 : vector<1x16xf32> to vector<16xf32>
        %parallel_loop3A_607 = arith.mulf %parallel_loop3A_606, %select_n3A_567 : vector<16xf32>
        %parallel_loop3A_608 = arith.addf %parallel_loop3A_607, %parallel_loop3A_600 : vector<16xf32>
        %parallel_loop3A_609 = arith.index_cast %scan3A_551 : i32 to index
        %parallel_loop3A_610 = arith.index_cast %parallel_loop3A_602 : i32 to index
        %parallel_loop3A_611 = tpu.vector_load %arg8[%parallel_loop3A_609, %parallel_loop3A_610] {strides = array<i32>} : memref<16x1024xf32, #tpu.memory_space<vmem>>, vector<1x16xf32>,
        %parallel_loop3A_612 = vector.shape_cast %parallel_loop3A_611 : vector<1x16xf32> to vector<16xf32>
        %parallel_loop3A_613 = vector.shape_cast %parallel_loop3A_608 : vector<16xf32> to vector<1x16xf32>
        tpu.vector_store %arg8[%parallel_loop3A_609, %parallel_loop3A_610], %parallel_loop3A_613 {strides = array<i32>} : memref<16x1024xf32, #tpu.memory_space<vmem>>, vector<1x16xf32>,
        %parallel_loop3A_614 = arith.index_cast %scan3A_551 : i32 to index
        %parallel_loop3A_615 = arith.index_cast %parallel_loop3A_602 : i32 to index
        %parallel_loop3A_616 = tpu.vector_load %arg9[%parallel_loop3A_614, %parallel_loop3A_615] {strides = array<i32>} : memref<16x1024xf32, #tpu.memory_space<vmem>>, vector<1x16xf32>,
        %parallel_loop3A_617 = vector.shape_cast %parallel_loop3A_616 : vector<1x16xf32> to vector<16xf32>
        %parallel_loop3A_618 = arith.mulf %parallel_loop3A_617, %select_n3A_589 : vector<16xf32>
        %parallel_loop3A_619 = arith.addf %parallel_loop3A_618, %parallel_loop3A_600 : vector<16xf32>
        %parallel_loop3A_620 = arith.index_cast %scan3A_551 : i32 to index
        %parallel_loop3A_621 = arith.index_cast %parallel_loop3A_602 : i32 to index
        %parallel_loop3A_622 = tpu.vector_load %arg9[%parallel_loop3A_620, %parallel_loop3A_621] {strides = array<i32>} : memref<16x1024xf32, #tpu.memory_space<vmem>>, vector<1x16xf32>,
        %parallel_loop3A_623 = vector.shape_cast %parallel_loop3A_622 : vector<1x16xf32> to vector<16xf32>
        %parallel_loop3A_624 = vector.shape_cast %parallel_loop3A_619 : vector<16xf32> to vector<1x16xf32>
        tpu.vector_store %arg9[%parallel_loop3A_620, %parallel_loop3A_621], %parallel_loop3A_624 {strides = array<i32>} : memref<16x1024xf32, #tpu.memory_space<vmem>>, vector<1x16xf32>,
      } {sc.loop_unroll_factor = 8 : i64, sc.parallel_access}
    }
    %scan3A_307 = arith.constant 16 : i32
    %add3A_308 = arith.constant 4096 : i32
    %add3A_309 = arith.addi %add3A_308, %mul3A_2 : i32
    %add3A_310 = arith.constant 16 : i32
    %add3A_311 = arith.addi %add3A_309, %add3A_310 : i32
    %dma_start3A_312 = arith.constant 0 : i32
    %dma_start3A_313 = tpu.memref_slice %arg5[%add3A_311, %dma_start3A_312] : memref<8192x1024xf32, #tpu.memory_space<hbm>> -> memref<16x1024xf32, #tpu.memory_space<hbm>>
    %dma_start3A_314 = arith.constant 0 : i32
    %dma_start3A_315 = tpu.memref_slice %arg5[%add3A_311, %dma_start3A_314] : memref<8192x1024xf32, #tpu.memory_space<hbm>> -> memref<16x1024xf32, #tpu.memory_space<hbm>>
    tpu.enqueue_dma source(%arg8 : memref<16x1024xf32, #tpu.memory_space<vmem>>) target(%dma_start3A_315 : memref<16x1024xf32, #tpu.memory_space<hbm>>) target_semaphore(%arg20 : memref<!tpu.dma_semaphore, #tpu.memory_space<semaphore_mem>>)
    %add3A_316 = arith.constant 6144 : i32
    %add3A_317 = arith.addi %add3A_316, %mul3A_2 : i32
    %add3A_318 = arith.constant 16 : i32
    %add3A_319 = arith.addi %add3A_317, %add3A_318 : i32
    %dma_start3A_320 = arith.constant 0 : i32
    %dma_start3A_321 = tpu.memref_slice %arg5[%add3A_319, %dma_start3A_320] : memref<8192x1024xf32, #tpu.memory_space<hbm>> -> memref<16x1024xf32, #tpu.memory_space<hbm>>
    %dma_start3A_322 = arith.constant 0 : i32
    %dma_start3A_323 = tpu.memref_slice %arg5[%add3A_319, %dma_start3A_322] : memref<8192x1024xf32, #tpu.memory_space<hbm>> -> memref<16x1024xf32, #tpu.memory_space<hbm>>
    tpu.enqueue_dma source(%arg9 : memref<16x1024xf32, #tpu.memory_space<vmem>>) target(%dma_start3A_323 : memref<16x1024xf32, #tpu.memory_space<hbm>>) target_semaphore(%arg21 : memref<!tpu.dma_semaphore, #tpu.memory_space<semaphore_mem>>)
    %dma_wait3A_324 = arith.constant 0 : i32
    %dma_wait3A_325 = tpu.memref_slice %arg5[%add3A_311, %dma_wait3A_324] : memref<8192x1024xf32, #tpu.memory_space<hbm>> -> memref<16x1024xf32, #tpu.memory_space<hbm>>
    %dma_wait3A_326 = arith.constant 0 : i32
    %dma_wait3A_327 = tpu.memref_slice %arg5[%add3A_311, %dma_wait3A_326] : memref<8192x1024xf32, #tpu.memory_space<hbm>> -> memref<16x1024xf32, #tpu.memory_space<hbm>>
    tpu.wait_dma2 semaphore(%arg20 : memref<!tpu.dma_semaphore, #tpu.memory_space<semaphore_mem>>) src(%arg8 : memref<16x1024xf32, #tpu.memory_space<vmem>>) dst(%dma_wait3A_327 : memref<16x1024xf32, #tpu.memory_space<hbm>>)
    %dma_start3A_328 = arith.constant 224 : i32
    %dma_start3A_329 = tpu.memref_slice %arg6[%dma_start3A_328] : memref<256xi32, #tpu.memory_space<vmem>> -> memref<16xi32, #tpu.memory_space<vmem>>
    %dma_start3A_330 = arith.constant 0 : i32
    %dma_start3A_331 = arith.constant 0 : i32
    %dma_start3A_332 = tpu.memref_slice %arg3[%dma_start3A_330, %dma_start3A_331] : memref<100000x1024xf32, #tpu.memory_space<hbm>> -> memref<100000x1024xf32, #tpu.memory_space<hbm>>
    tpu.enqueue_indirect_dma source(%dma_start3A_332 : memref<100000x1024xf32, #tpu.memory_space<hbm>>) target(%arg8 : memref<16x1024xf32, #tpu.memory_space<vmem>>) offsets(%dma_start3A_329 : memref<16xi32, #tpu.memory_space<vmem>>) semaphore(%arg15 : memref<!tpu.dma_semaphore, #tpu.memory_space<semaphore_mem>>)
    %dma_wait3A_333 = arith.constant 0 : i32
    %dma_wait3A_334 = tpu.memref_slice %arg5[%add3A_319, %dma_wait3A_333] : memref<8192x1024xf32, #tpu.memory_space<hbm>> -> memref<16x1024xf32, #tpu.memory_space<hbm>>
    %dma_wait3A_335 = arith.constant 0 : i32
    %dma_wait3A_336 = tpu.memref_slice %arg5[%add3A_319, %dma_wait3A_335] : memref<8192x1024xf32, #tpu.memory_space<hbm>> -> memref<16x1024xf32, #tpu.memory_space<hbm>>
    tpu.wait_dma2 semaphore(%arg21 : memref<!tpu.dma_semaphore, #tpu.memory_space<semaphore_mem>>) src(%arg9 : memref<16x1024xf32, #tpu.memory_space<vmem>>) dst(%dma_wait3A_336 : memref<16x1024xf32, #tpu.memory_space<hbm>>)
    %dma_start3A_337 = arith.constant 48 : i32
    %dma_start3A_338 = tpu.memref_slice %arg6[%dma_start3A_337] : memref<256xi32, #tpu.memory_space<vmem>> -> memref<16xi32, #tpu.memory_space<vmem>>
    %dma_start3A_339 = arith.constant 0 : i32
    %dma_start3A_340 = arith.constant 0 : i32
    %dma_start3A_341 = tpu.memref_slice %arg3[%dma_start3A_339, %dma_start3A_340] : memref<100000x1024xf32, #tpu.memory_space<hbm>> -> memref<100000x1024xf32, #tpu.memory_space<hbm>>
    tpu.enqueue_indirect_dma source(%dma_start3A_341 : memref<100000x1024xf32, #tpu.memory_space<hbm>>) target(%arg9 : memref<16x1024xf32, #tpu.memory_space<vmem>>) offsets(%dma_start3A_338 : memref<16xi32, #tpu.memory_space<vmem>>) semaphore(%arg16 : memref<!tpu.dma_semaphore, #tpu.memory_space<semaphore_mem>>)
    %dma_wait3A_342 = tpu.memref_slice %arg4[%mul3A_227] : memref<2097152xf32, #tpu.memory_space<hbm>> -> memref<16384xf32, #tpu.memory_space<hbm>>
    %dma_wait3A_343 = tpu.memref_slice %arg4[%mul3A_227] : memref<2097152xf32, #tpu.memory_space<hbm>> -> memref<16384xf32, #tpu.memory_space<hbm>>
    tpu.wait_dma2 semaphore(%arg24 : memref<!tpu.dma_semaphore, #tpu.memory_space<semaphore_mem>>) src(%dma_wait3A_343 : memref<16384xf32, #tpu.memory_space<hbm>>) dst(%arg12 : memref<16384xf32, #tpu.memory_space<vmem>>)
    %add3A_344 = arith.constant 48 : i32
    %add3A_345 = arith.addi %mul3A_2, %add3A_344 : i32
    %mul3A_346 = arith.constant 1024 : i32
    %mul3A_347 = arith.muli %add3A_345, %mul3A_346 : i32
    %dma_start3A_348 = tpu.memref_slice %arg4[%mul3A_347] : memref<2097152xf32, #tpu.memory_space<hbm>> -> memref<16384xf32, #tpu.memory_space<hbm>>
    %dma_start3A_349 = tpu.memref_slice %arg4[%mul3A_347] : memref<2097152xf32, #tpu.memory_space<hbm>> -> memref<16384xf32, #tpu.memory_space<hbm>>
    tpu.enqueue_dma source(%dma_start3A_349 : memref<16384xf32, #tpu.memory_space<hbm>>) target(%arg13 : memref<16384xf32, #tpu.memory_space<vmem>>) target_semaphore(%arg25 : memref<!tpu.dma_semaphore, #tpu.memory_space<semaphore_mem>>)
    %dma_wait3A_350 = arith.constant 32 : i32
    %dma_wait3A_351 = tpu.memref_slice %arg6[%dma_wait3A_350] : memref<256xi32, #tpu.memory_space<vmem>> -> memref<16xi32, #tpu.memory_space<vmem>>
    %dma_wait3A_352 = arith.constant 0 : i32
    %dma_wait3A_353 = arith.constant 0 : i32
    %dma_wait3A_354 = tpu.memref_slice %arg3[%dma_wait3A_352, %dma_wait3A_353] : memref<100000x1024xf32, #tpu.memory_space<hbm>> -> memref<100000x1024xf32, #tpu.memory_space<hbm>>
    tpu.wait_indirect_dma semaphore(%arg17 : memref<!tpu.dma_semaphore, #tpu.memory_space<semaphore_mem>>) src(%dma_wait3A_354 : memref<100000x1024xf32, #tpu.memory_space<hbm>>) dst(%arg10 : memref<16x1024xf32, #tpu.memory_space<vmem>>)
    %dma_wait3A_355 = arith.constant 96 : i32
    %dma_wait3A_356 = tpu.memref_slice %arg6[%dma_wait3A_355] : memref<256xi32, #tpu.memory_space<vmem>> -> memref<16xi32, #tpu.memory_space<vmem>>
    %dma_wait3A_357 = arith.constant 0 : i32
    %dma_wait3A_358 = arith.constant 0 : i32
    %dma_wait3A_359 = tpu.memref_slice %arg3[%dma_wait3A_357, %dma_wait3A_358] : memref<100000x1024xf32, #tpu.memory_space<hbm>> -> memref<100000x1024xf32, #tpu.memory_space<hbm>>
    tpu.wait_indirect_dma semaphore(%arg18 : memref<!tpu.dma_semaphore, #tpu.memory_space<semaphore_mem>>) src(%dma_wait3A_359 : memref<100000x1024xf32, #tpu.memory_space<hbm>>) dst(%arg11 : memref<16x1024xf32, #tpu.memory_space<vmem>>)
    %get3A_360 = arith.constant 32 : index
    %get3A_361 = tpu.vector_load %arg6[%get3A_360] {strides = array<i32>} : memref<256xi32, #tpu.memory_space<vmem>>, vector<16xi32>,
    %get3A_362 = vector.shape_cast %get3A_361 : vector<16xi32> to vector<16xi32>
    %get3A_363 = arith.constant 96 : index
    %get3A_364 = tpu.vector_load %arg6[%get3A_363] {strides = array<i32>} : memref<256xi32, #tpu.memory_space<vmem>>, vector<16xi32>,
    %get3A_365 = vector.shape_cast %get3A_364 : vector<16xi32> to vector<16xi32>
    %scan3A_366 = arith.constant 0 : i32
    %scan3A_367 = arith.constant 0 : i32
    %scan3A_368 = arith.constant 16 : i32
    %scan3A_369 = arith.addi %scan3A_367, %scan3A_368 : i32
    %scan3A_370 = arith.constant 1 : i32
    scf.for %scan3A_551 = %scan3A_367 to %scan3A_369 step %scan3A_370  : i32 {
      %broadcast_in_dim3A = arith.constant 0 : i32
      %broadcast_in_dim3A_552 = vector.broadcast %broadcast_in_dim3A : i32 to vector<16xi32>
      %add3A_553 = vector.broadcast %scan3A_551 : i32 to vector<16xi32>
      %add3A_554 = arith.addi %broadcast_in_dim3A_552, %add3A_553 : vector<16xi32>
      %lt3A = arith.constant 0 : i32
      %lt3A_555 = vector.broadcast %lt3A : i32 to vector<16xi32>
      %lt3A_556 = arith.cmpi slt, %add3A_554, %lt3A_555 : vector<16xi32>
      %add3A_557 = arith.constant 16 : i32
      %add3A_558 = vector.broadcast %add3A_557 : i32 to vector<16xi32>
      %add3A_559 = arith.addi %add3A_554, %add3A_558 : vector<16xi32>
      %select_n3A = arith.select %lt3A_556, %add3A_559, %add3A_554 : vector<16xi1>, vector<16xi32>
      %broadcast_in_dim3A_560 = vector.shape_cast %select_n3A : vector<16xi32> to vector<16x1xi32>
      %gather3A = vector.shape_cast %broadcast_in_dim3A_560 : vector<16x1xi32> to vector<16xi32>
      %gather3A_561 = tpu.dynamic_gather %get3A_362[%gather3A] in [0] : vector<16xi32>, vector<16xi32> -> vector<16xi32>
      %ne3A = arith.constant 0 : i32
      %ne3A_562 = vector.broadcast %ne3A : i32 to vector<16xi32>
      %ne3A_563 = arith.cmpi ne, %gather3A_561, %ne3A_562 : vector<16xi32>
      %jit3A = arith.constant 1.000000e+00 : f32
      %jit3A_564 = arith.constant 0.000000e+00 : f32
      %broadcast_in_dim3A_565 = vector.broadcast %jit3A : f32 to vector<16xf32>
      %broadcast_in_dim3A_566 = vector.broadcast %jit3A_564 : f32 to vector<16xf32>
      %select_n3A_567 = arith.select %ne3A_563, %broadcast_in_dim3A_565, %broadcast_in_dim3A_566 : vector<16xi1>, vector<16xf32>
      %broadcast_in_dim3A_568 = arith.constant 0 : i32
      %broadcast_in_dim3A_569 = vector.broadcast %broadcast_in_dim3A_568 : i32 to vector<16xi32>
      %add3A_570 = vector.broadcast %scan3A_551 : i32 to vector<16xi32>
      %add3A_571 = arith.addi %broadcast_in_dim3A_569, %add3A_570 : vector<16xi32>
      %lt3A_572 = arith.constant 0 : i32
      %lt3A_573 = vector.broadcast %lt3A_572 : i32 to vector<16xi32>
      %lt3A_574 = arith.cmpi slt, %add3A_571, %lt3A_573 : vector<16xi32>
      %add3A_575 = arith.constant 16 : i32
      %add3A_576 = vector.broadcast %add3A_575 : i32 to vector<16xi32>
      %add3A_577 = arith.addi %add3A_571, %add3A_576 : vector<16xi32>
      %select_n3A_578 = arith.select %lt3A_574, %add3A_577, %add3A_571 : vector<16xi1>, vector<16xi32>
      %broadcast_in_dim3A_579 = vector.shape_cast %select_n3A_578 : vector<16xi32> to vector<16x1xi32>
      %gather3A_580 = vector.shape_cast %broadcast_in_dim3A_579 : vector<16x1xi32> to vector<16xi32>
      %gather3A_581 = tpu.dynamic_gather %get3A_365[%gather3A_580] in [0] : vector<16xi32>, vector<16xi32> -> vector<16xi32>
      %ne3A_582 = arith.constant 0 : i32
      %ne3A_583 = vector.broadcast %ne3A_582 : i32 to vector<16xi32>
      %ne3A_584 = arith.cmpi ne, %gather3A_581, %ne3A_583 : vector<16xi32>
      %jit3A_585 = arith.constant 1.000000e+00 : f32
      %jit3A_586 = arith.constant 0.000000e+00 : f32
      %broadcast_in_dim3A_587 = vector.broadcast %jit3A_585 : f32 to vector<16xf32>
      %broadcast_in_dim3A_588 = vector.broadcast %jit3A_586 : f32 to vector<16xf32>
      %select_n3A_589 = arith.select %ne3A_584, %broadcast_in_dim3A_587, %broadcast_in_dim3A_588 : vector<16xi1>, vector<16xf32>
      %parallel_loop3A = arith.constant 0 : i32
      %parallel_loop3A_590 = arith.constant 64 : i32
      %parallel_loop3A_591 = arith.constant 1 : i32
      scf.for %parallel_loop3A_592 = %parallel_loop3A to %parallel_loop3A_590 step %parallel_loop3A_591  : i32 {
        %parallel_loop3A_593 = arith.constant 1024 : i32
        %parallel_loop3A_594 = arith.muli %scan3A_551, %parallel_loop3A_593 : i32
        %parallel_loop3A_595 = arith.constant 16 : i32
        %parallel_loop3A_596 = arith.muli %parallel_loop3A_592, %parallel_loop3A_595 : i32
        %parallel_loop3A_597 = arith.addi %parallel_loop3A_594, %parallel_loop3A_596 : i32
        %parallel_loop3A_598 = arith.index_cast %parallel_loop3A_597 : i32 to index
        %parallel_loop3A_599 = tpu.vector_load %arg12[%parallel_loop3A_598] {strides = array<i32>} : memref<16384xf32, #tpu.memory_space<vmem>>, vector<16xf32>,
        %parallel_loop3A_600 = vector.shape_cast %parallel_loop3A_599 : vector<16xf32> to vector<16xf32>
        %parallel_loop3A_601 = arith.constant 16 : i32
        %parallel_loop3A_602 = arith.muli %parallel_loop3A_592, %parallel_loop3A_601 : i32
        %parallel_loop3A_603 = arith.index_cast %scan3A_551 : i32 to index
        %parallel_loop3A_604 = arith.index_cast %parallel_loop3A_602 : i32 to index
        %parallel_loop3A_605 = tpu.vector_load %arg10[%parallel_loop3A_603, %parallel_loop3A_604] {strides = array<i32>} : memref<16x1024xf32, #tpu.memory_space<vmem>>, vector<1x16xf32>,
        %parallel_loop3A_606 = vector.shape_cast %parallel_loop3A_605 : vector<1x16xf32> to vector<16xf32>
        %parallel_loop3A_607 = arith.mulf %parallel_loop3A_606, %select_n3A_567 : vector<16xf32>
        %parallel_loop3A_608 = arith.addf %parallel_loop3A_607, %parallel_loop3A_600 : vector<16xf32>
        %parallel_loop3A_609 = arith.index_cast %scan3A_551 : i32 to index
        %parallel_loop3A_610 = arith.index_cast %parallel_loop3A_602 : i32 to index
        %parallel_loop3A_611 = tpu.vector_load %arg10[%parallel_loop3A_609, %parallel_loop3A_610] {strides = array<i32>} : memref<16x1024xf32, #tpu.memory_space<vmem>>, vector<1x16xf32>,
        %parallel_loop3A_612 = vector.shape_cast %parallel_loop3A_611 : vector<1x16xf32> to vector<16xf32>
        %parallel_loop3A_613 = vector.shape_cast %parallel_loop3A_608 : vector<16xf32> to vector<1x16xf32>
        tpu.vector_store %arg10[%parallel_loop3A_609, %parallel_loop3A_610], %parallel_loop3A_613 {strides = array<i32>} : memref<16x1024xf32, #tpu.memory_space<vmem>>, vector<1x16xf32>,
        %parallel_loop3A_614 = arith.index_cast %scan3A_551 : i32 to index
        %parallel_loop3A_615 = arith.index_cast %parallel_loop3A_602 : i32 to index
        %parallel_loop3A_616 = tpu.vector_load %arg11[%parallel_loop3A_614, %parallel_loop3A_615] {strides = array<i32>} : memref<16x1024xf32, #tpu.memory_space<vmem>>, vector<1x16xf32>,
        %parallel_loop3A_617 = vector.shape_cast %parallel_loop3A_616 : vector<1x16xf32> to vector<16xf32>
        %parallel_loop3A_618 = arith.mulf %parallel_loop3A_617, %select_n3A_589 : vector<16xf32>
        %parallel_loop3A_619 = arith.addf %parallel_loop3A_618, %parallel_loop3A_600 : vector<16xf32>
        %parallel_loop3A_620 = arith.index_cast %scan3A_551 : i32 to index
        %parallel_loop3A_621 = arith.index_cast %parallel_loop3A_602 : i32 to index
        %parallel_loop3A_622 = tpu.vector_load %arg11[%parallel_loop3A_620, %parallel_loop3A_621] {strides = array<i32>} : memref<16x1024xf32, #tpu.memory_space<vmem>>, vector<1x16xf32>,
        %parallel_loop3A_623 = vector.shape_cast %parallel_loop3A_622 : vector<1x16xf32> to vector<16xf32>
        %parallel_loop3A_624 = vector.shape_cast %parallel_loop3A_619 : vector<16xf32> to vector<1x16xf32>
        tpu.vector_store %arg11[%parallel_loop3A_620, %parallel_loop3A_621], %parallel_loop3A_624 {strides = array<i32>} : memref<16x1024xf32, #tpu.memory_space<vmem>>, vector<1x16xf32>,
      } {sc.loop_unroll_factor = 8 : i64, sc.parallel_access}
    }
    %scan3A_371 = arith.constant 16 : i32
    %add3A_372 = arith.constant 0 : i32
    %add3A_373 = arith.addi %add3A_372, %mul3A_2 : i32
    %add3A_374 = arith.constant 32 : i32
    %add3A_375 = arith.addi %add3A_373, %add3A_374 : i32
    %dma_start3A_376 = arith.constant 0 : i32
    %dma_start3A_377 = tpu.memref_slice %arg5[%add3A_375, %dma_start3A_376] : memref<8192x1024xf32, #tpu.memory_space<hbm>> -> memref<16x1024xf32, #tpu.memory_space<hbm>>
    %dma_start3A_378 = arith.constant 0 : i32
    %dma_start3A_379 = tpu.memref_slice %arg5[%add3A_375, %dma_start3A_378] : memref<8192x1024xf32, #tpu.memory_space<hbm>> -> memref<16x1024xf32, #tpu.memory_space<hbm>>
    tpu.enqueue_dma source(%arg10 : memref<16x1024xf32, #tpu.memory_space<vmem>>) target(%dma_start3A_379 : memref<16x1024xf32, #tpu.memory_space<hbm>>) target_semaphore(%arg22 : memref<!tpu.dma_semaphore, #tpu.memory_space<semaphore_mem>>)
    %add3A_380 = arith.constant 2048 : i32
    %add3A_381 = arith.addi %add3A_380, %mul3A_2 : i32
    %add3A_382 = arith.constant 32 : i32
    %add3A_383 = arith.addi %add3A_381, %add3A_382 : i32
    %dma_start3A_384 = arith.constant 0 : i32
    %dma_start3A_385 = tpu.memref_slice %arg5[%add3A_383, %dma_start3A_384] : memref<8192x1024xf32, #tpu.memory_space<hbm>> -> memref<16x1024xf32, #tpu.memory_space<hbm>>
    %dma_start3A_386 = arith.constant 0 : i32
    %dma_start3A_387 = tpu.memref_slice %arg5[%add3A_383, %dma_start3A_386] : memref<8192x1024xf32, #tpu.memory_space<hbm>> -> memref<16x1024xf32, #tpu.memory_space<hbm>>
    tpu.enqueue_dma source(%arg11 : memref<16x1024xf32, #tpu.memory_space<vmem>>) target(%dma_start3A_387 : memref<16x1024xf32, #tpu.memory_space<hbm>>) target_semaphore(%arg23 : memref<!tpu.dma_semaphore, #tpu.memory_space<semaphore_mem>>)
    %dma_wait3A_388 = arith.constant 0 : i32
    %dma_wait3A_389 = tpu.memref_slice %arg5[%add3A_375, %dma_wait3A_388] : memref<8192x1024xf32, #tpu.memory_space<hbm>> -> memref<16x1024xf32, #tpu.memory_space<hbm>>
    %dma_wait3A_390 = arith.constant 0 : i32
    %dma_wait3A_391 = tpu.memref_slice %arg5[%add3A_375, %dma_wait3A_390] : memref<8192x1024xf32, #tpu.memory_space<hbm>> -> memref<16x1024xf32, #tpu.memory_space<hbm>>
    tpu.wait_dma2 semaphore(%arg22 : memref<!tpu.dma_semaphore, #tpu.memory_space<semaphore_mem>>) src(%arg10 : memref<16x1024xf32, #tpu.memory_space<vmem>>) dst(%dma_wait3A_391 : memref<16x1024xf32, #tpu.memory_space<hbm>>)
    %dma_start3A_392 = arith.constant 112 : i32
    %dma_start3A_393 = tpu.memref_slice %arg6[%dma_start3A_392] : memref<256xi32, #tpu.memory_space<vmem>> -> memref<16xi32, #tpu.memory_space<vmem>>
    %dma_start3A_394 = arith.constant 0 : i32
    %dma_start3A_395 = arith.constant 0 : i32
    %dma_start3A_396 = tpu.memref_slice %arg3[%dma_start3A_394, %dma_start3A_395] : memref<100000x1024xf32, #tpu.memory_space<hbm>> -> memref<100000x1024xf32, #tpu.memory_space<hbm>>
    tpu.enqueue_indirect_dma source(%dma_start3A_396 : memref<100000x1024xf32, #tpu.memory_space<hbm>>) target(%arg10 : memref<16x1024xf32, #tpu.memory_space<vmem>>) offsets(%dma_start3A_393 : memref<16xi32, #tpu.memory_space<vmem>>) semaphore(%arg17 : memref<!tpu.dma_semaphore, #tpu.memory_space<semaphore_mem>>)
    %dma_wait3A_397 = arith.constant 0 : i32
    %dma_wait3A_398 = tpu.memref_slice %arg5[%add3A_383, %dma_wait3A_397] : memref<8192x1024xf32, #tpu.memory_space<hbm>> -> memref<16x1024xf32, #tpu.memory_space<hbm>>
    %dma_wait3A_399 = arith.constant 0 : i32
    %dma_wait3A_400 = tpu.memref_slice %arg5[%add3A_383, %dma_wait3A_399] : memref<8192x1024xf32, #tpu.memory_space<hbm>> -> memref<16x1024xf32, #tpu.memory_space<hbm>>
    tpu.wait_dma2 semaphore(%arg23 : memref<!tpu.dma_semaphore, #tpu.memory_space<semaphore_mem>>) src(%arg11 : memref<16x1024xf32, #tpu.memory_space<vmem>>) dst(%dma_wait3A_400 : memref<16x1024xf32, #tpu.memory_space<hbm>>)
    %dma_start3A_401 = arith.constant 176 : i32
    %dma_start3A_402 = tpu.memref_slice %arg6[%dma_start3A_401] : memref<256xi32, #tpu.memory_space<vmem>> -> memref<16xi32, #tpu.memory_space<vmem>>
    %dma_start3A_403 = arith.constant 0 : i32
    %dma_start3A_404 = arith.constant 0 : i32
    %dma_start3A_405 = tpu.memref_slice %arg3[%dma_start3A_403, %dma_start3A_404] : memref<100000x1024xf32, #tpu.memory_space<hbm>> -> memref<100000x1024xf32, #tpu.memory_space<hbm>>
    tpu.enqueue_indirect_dma source(%dma_start3A_405 : memref<100000x1024xf32, #tpu.memory_space<hbm>>) target(%arg11 : memref<16x1024xf32, #tpu.memory_space<vmem>>) offsets(%dma_start3A_402 : memref<16xi32, #tpu.memory_space<vmem>>) semaphore(%arg18 : memref<!tpu.dma_semaphore, #tpu.memory_space<semaphore_mem>>)
    %dma_wait3A_406 = arith.constant 160 : i32
    %dma_wait3A_407 = tpu.memref_slice %arg6[%dma_wait3A_406] : memref<256xi32, #tpu.memory_space<vmem>> -> memref<16xi32, #tpu.memory_space<vmem>>
    %dma_wait3A_408 = arith.constant 0 : i32
    %dma_wait3A_409 = arith.constant 0 : i32
    %dma_wait3A_410 = tpu.memref_slice %arg3[%dma_wait3A_408, %dma_wait3A_409] : memref<100000x1024xf32, #tpu.memory_space<hbm>> -> memref<100000x1024xf32, #tpu.memory_space<hbm>>
    tpu.wait_indirect_dma semaphore(%arg14 : memref<!tpu.dma_semaphore, #tpu.memory_space<semaphore_mem>>) src(%dma_wait3A_410 : memref<100000x1024xf32, #tpu.memory_space<hbm>>) dst(%arg7 : memref<16x1024xf32, #tpu.memory_space<vmem>>)
    %dma_wait3A_411 = arith.constant 224 : i32
    %dma_wait3A_412 = tpu.memref_slice %arg6[%dma_wait3A_411] : memref<256xi32, #tpu.memory_space<vmem>> -> memref<16xi32, #tpu.memory_space<vmem>>
    %dma_wait3A_413 = arith.constant 0 : i32
    %dma_wait3A_414 = arith.constant 0 : i32
    %dma_wait3A_415 = tpu.memref_slice %arg3[%dma_wait3A_413, %dma_wait3A_414] : memref<100000x1024xf32, #tpu.memory_space<hbm>> -> memref<100000x1024xf32, #tpu.memory_space<hbm>>
    tpu.wait_indirect_dma semaphore(%arg15 : memref<!tpu.dma_semaphore, #tpu.memory_space<semaphore_mem>>) src(%dma_wait3A_415 : memref<100000x1024xf32, #tpu.memory_space<hbm>>) dst(%arg8 : memref<16x1024xf32, #tpu.memory_space<vmem>>)
    %get3A_416 = arith.constant 160 : index
    %get3A_417 = tpu.vector_load %arg6[%get3A_416] {strides = array<i32>} : memref<256xi32, #tpu.memory_space<vmem>>, vector<16xi32>,
    %get3A_418 = vector.shape_cast %get3A_417 : vector<16xi32> to vector<16xi32>
    %get3A_419 = arith.constant 224 : index
    %get3A_420 = tpu.vector_load %arg6[%get3A_419] {strides = array<i32>} : memref<256xi32, #tpu.memory_space<vmem>>, vector<16xi32>,
    %get3A_421 = vector.shape_cast %get3A_420 : vector<16xi32> to vector<16xi32>
    %scan3A_422 = arith.constant 0 : i32
    %scan3A_423 = arith.constant 0 : i32
    %scan3A_424 = arith.constant 16 : i32
    %scan3A_425 = arith.addi %scan3A_423, %scan3A_424 : i32
    %scan3A_426 = arith.constant 1 : i32
    scf.for %scan3A_551 = %scan3A_423 to %scan3A_425 step %scan3A_426  : i32 {
      %broadcast_in_dim3A = arith.constant 0 : i32
      %broadcast_in_dim3A_552 = vector.broadcast %broadcast_in_dim3A : i32 to vector<16xi32>
      %add3A_553 = vector.broadcast %scan3A_551 : i32 to vector<16xi32>
      %add3A_554 = arith.addi %broadcast_in_dim3A_552, %add3A_553 : vector<16xi32>
      %lt3A = arith.constant 0 : i32
      %lt3A_555 = vector.broadcast %lt3A : i32 to vector<16xi32>
      %lt3A_556 = arith.cmpi slt, %add3A_554, %lt3A_555 : vector<16xi32>
      %add3A_557 = arith.constant 16 : i32
      %add3A_558 = vector.broadcast %add3A_557 : i32 to vector<16xi32>
      %add3A_559 = arith.addi %add3A_554, %add3A_558 : vector<16xi32>
      %select_n3A = arith.select %lt3A_556, %add3A_559, %add3A_554 : vector<16xi1>, vector<16xi32>
      %broadcast_in_dim3A_560 = vector.shape_cast %select_n3A : vector<16xi32> to vector<16x1xi32>
      %gather3A = vector.shape_cast %broadcast_in_dim3A_560 : vector<16x1xi32> to vector<16xi32>
      %gather3A_561 = tpu.dynamic_gather %get3A_418[%gather3A] in [0] : vector<16xi32>, vector<16xi32> -> vector<16xi32>
      %ne3A = arith.constant 0 : i32
      %ne3A_562 = vector.broadcast %ne3A : i32 to vector<16xi32>
      %ne3A_563 = arith.cmpi ne, %gather3A_561, %ne3A_562 : vector<16xi32>
      %jit3A = arith.constant 1.000000e+00 : f32
      %jit3A_564 = arith.constant 0.000000e+00 : f32
      %broadcast_in_dim3A_565 = vector.broadcast %jit3A : f32 to vector<16xf32>
      %broadcast_in_dim3A_566 = vector.broadcast %jit3A_564 : f32 to vector<16xf32>
      %select_n3A_567 = arith.select %ne3A_563, %broadcast_in_dim3A_565, %broadcast_in_dim3A_566 : vector<16xi1>, vector<16xf32>
      %broadcast_in_dim3A_568 = arith.constant 0 : i32
      %broadcast_in_dim3A_569 = vector.broadcast %broadcast_in_dim3A_568 : i32 to vector<16xi32>
      %add3A_570 = vector.broadcast %scan3A_551 : i32 to vector<16xi32>
      %add3A_571 = arith.addi %broadcast_in_dim3A_569, %add3A_570 : vector<16xi32>
      %lt3A_572 = arith.constant 0 : i32
      %lt3A_573 = vector.broadcast %lt3A_572 : i32 to vector<16xi32>
      %lt3A_574 = arith.cmpi slt, %add3A_571, %lt3A_573 : vector<16xi32>
      %add3A_575 = arith.constant 16 : i32
      %add3A_576 = vector.broadcast %add3A_575 : i32 to vector<16xi32>
      %add3A_577 = arith.addi %add3A_571, %add3A_576 : vector<16xi32>
      %select_n3A_578 = arith.select %lt3A_574, %add3A_577, %add3A_571 : vector<16xi1>, vector<16xi32>
      %broadcast_in_dim3A_579 = vector.shape_cast %select_n3A_578 : vector<16xi32> to vector<16x1xi32>
      %gather3A_580 = vector.shape_cast %broadcast_in_dim3A_579 : vector<16x1xi32> to vector<16xi32>
      %gather3A_581 = tpu.dynamic_gather %get3A_421[%gather3A_580] in [0] : vector<16xi32>, vector<16xi32> -> vector<16xi32>
      %ne3A_582 = arith.constant 0 : i32
      %ne3A_583 = vector.broadcast %ne3A_582 : i32 to vector<16xi32>
      %ne3A_584 = arith.cmpi ne, %gather3A_581, %ne3A_583 : vector<16xi32>
      %jit3A_585 = arith.constant 1.000000e+00 : f32
      %jit3A_586 = arith.constant 0.000000e+00 : f32
      %broadcast_in_dim3A_587 = vector.broadcast %jit3A_585 : f32 to vector<16xf32>
      %broadcast_in_dim3A_588 = vector.broadcast %jit3A_586 : f32 to vector<16xf32>
      %select_n3A_589 = arith.select %ne3A_584, %broadcast_in_dim3A_587, %broadcast_in_dim3A_588 : vector<16xi1>, vector<16xf32>
      %parallel_loop3A = arith.constant 0 : i32
      %parallel_loop3A_590 = arith.constant 64 : i32
      %parallel_loop3A_591 = arith.constant 1 : i32
      scf.for %parallel_loop3A_592 = %parallel_loop3A to %parallel_loop3A_590 step %parallel_loop3A_591  : i32 {
        %parallel_loop3A_593 = arith.constant 1024 : i32
        %parallel_loop3A_594 = arith.muli %scan3A_551, %parallel_loop3A_593 : i32
        %parallel_loop3A_595 = arith.constant 16 : i32
        %parallel_loop3A_596 = arith.muli %parallel_loop3A_592, %parallel_loop3A_595 : i32
        %parallel_loop3A_597 = arith.addi %parallel_loop3A_594, %parallel_loop3A_596 : i32
        %parallel_loop3A_598 = arith.index_cast %parallel_loop3A_597 : i32 to index
        %parallel_loop3A_599 = tpu.vector_load %arg12[%parallel_loop3A_598] {strides = array<i32>} : memref<16384xf32, #tpu.memory_space<vmem>>, vector<16xf32>,
        %parallel_loop3A_600 = vector.shape_cast %parallel_loop3A_599 : vector<16xf32> to vector<16xf32>
        %parallel_loop3A_601 = arith.constant 16 : i32
        %parallel_loop3A_602 = arith.muli %parallel_loop3A_592, %parallel_loop3A_601 : i32
        %parallel_loop3A_603 = arith.index_cast %scan3A_551 : i32 to index
        %parallel_loop3A_604 = arith.index_cast %parallel_loop3A_602 : i32 to index
        %parallel_loop3A_605 = tpu.vector_load %arg7[%parallel_loop3A_603, %parallel_loop3A_604] {strides = array<i32>} : memref<16x1024xf32, #tpu.memory_space<vmem>>, vector<1x16xf32>,
        %parallel_loop3A_606 = vector.shape_cast %parallel_loop3A_605 : vector<1x16xf32> to vector<16xf32>
        %parallel_loop3A_607 = arith.mulf %parallel_loop3A_606, %select_n3A_567 : vector<16xf32>
        %parallel_loop3A_608 = arith.addf %parallel_loop3A_607, %parallel_loop3A_600 : vector<16xf32>
        %parallel_loop3A_609 = arith.index_cast %scan3A_551 : i32 to index
        %parallel_loop3A_610 = arith.index_cast %parallel_loop3A_602 : i32 to index
        %parallel_loop3A_611 = tpu.vector_load %arg7[%parallel_loop3A_609, %parallel_loop3A_610] {strides = array<i32>} : memref<16x1024xf32, #tpu.memory_space<vmem>>, vector<1x16xf32>,
        %parallel_loop3A_612 = vector.shape_cast %parallel_loop3A_611 : vector<1x16xf32> to vector<16xf32>
        %parallel_loop3A_613 = vector.shape_cast %parallel_loop3A_608 : vector<16xf32> to vector<1x16xf32>
        tpu.vector_store %arg7[%parallel_loop3A_609, %parallel_loop3A_610], %parallel_loop3A_613 {strides = array<i32>} : memref<16x1024xf32, #tpu.memory_space<vmem>>, vector<1x16xf32>,
        %parallel_loop3A_614 = arith.index_cast %scan3A_551 : i32 to index
        %parallel_loop3A_615 = arith.index_cast %parallel_loop3A_602 : i32 to index
        %parallel_loop3A_616 = tpu.vector_load %arg8[%parallel_loop3A_614, %parallel_loop3A_615] {strides = array<i32>} : memref<16x1024xf32, #tpu.memory_space<vmem>>, vector<1x16xf32>,
        %parallel_loop3A_617 = vector.shape_cast %parallel_loop3A_616 : vector<1x16xf32> to vector<16xf32>
        %parallel_loop3A_618 = arith.mulf %parallel_loop3A_617, %select_n3A_589 : vector<16xf32>
        %parallel_loop3A_619 = arith.addf %parallel_loop3A_618, %parallel_loop3A_600 : vector<16xf32>
        %parallel_loop3A_620 = arith.index_cast %scan3A_551 : i32 to index
        %parallel_loop3A_621 = arith.index_cast %parallel_loop3A_602 : i32 to index
        %parallel_loop3A_622 = tpu.vector_load %arg8[%parallel_loop3A_620, %parallel_loop3A_621] {strides = array<i32>} : memref<16x1024xf32, #tpu.memory_space<vmem>>, vector<1x16xf32>,
        %parallel_loop3A_623 = vector.shape_cast %parallel_loop3A_622 : vector<1x16xf32> to vector<16xf32>
        %parallel_loop3A_624 = vector.shape_cast %parallel_loop3A_619 : vector<16xf32> to vector<1x16xf32>
        tpu.vector_store %arg8[%parallel_loop3A_620, %parallel_loop3A_621], %parallel_loop3A_624 {strides = array<i32>} : memref<16x1024xf32, #tpu.memory_space<vmem>>, vector<1x16xf32>,
      } {sc.loop_unroll_factor = 8 : i64, sc.parallel_access}
    }
    %scan3A_427 = arith.constant 16 : i32
    %add3A_428 = arith.constant 4096 : i32
    %add3A_429 = arith.addi %add3A_428, %mul3A_2 : i32
    %add3A_430 = arith.constant 32 : i32
    %add3A_431 = arith.addi %add3A_429, %add3A_430 : i32
    %dma_start3A_432 = arith.constant 0 : i32
    %dma_start3A_433 = tpu.memref_slice %arg5[%add3A_431, %dma_start3A_432] : memref<8192x1024xf32, #tpu.memory_space<hbm>> -> memref<16x1024xf32, #tpu.memory_space<hbm>>
    %dma_start3A_434 = arith.constant 0 : i32
    %dma_start3A_435 = tpu.memref_slice %arg5[%add3A_431, %dma_start3A_434] : memref<8192x1024xf32, #tpu.memory_space<hbm>> -> memref<16x1024xf32, #tpu.memory_space<hbm>>
    tpu.enqueue_dma source(%arg7 : memref<16x1024xf32, #tpu.memory_space<vmem>>) target(%dma_start3A_435 : memref<16x1024xf32, #tpu.memory_space<hbm>>) target_semaphore(%arg19 : memref<!tpu.dma_semaphore, #tpu.memory_space<semaphore_mem>>)
    %add3A_436 = arith.constant 6144 : i32
    %add3A_437 = arith.addi %add3A_436, %mul3A_2 : i32
    %add3A_438 = arith.constant 32 : i32
    %add3A_439 = arith.addi %add3A_437, %add3A_438 : i32
    %dma_start3A_440 = arith.constant 0 : i32
    %dma_start3A_441 = tpu.memref_slice %arg5[%add3A_439, %dma_start3A_440] : memref<8192x1024xf32, #tpu.memory_space<hbm>> -> memref<16x1024xf32, #tpu.memory_space<hbm>>
    %dma_start3A_442 = arith.constant 0 : i32
    %dma_start3A_443 = tpu.memref_slice %arg5[%add3A_439, %dma_start3A_442] : memref<8192x1024xf32, #tpu.memory_space<hbm>> -> memref<16x1024xf32, #tpu.memory_space<hbm>>
    tpu.enqueue_dma source(%arg8 : memref<16x1024xf32, #tpu.memory_space<vmem>>) target(%dma_start3A_443 : memref<16x1024xf32, #tpu.memory_space<hbm>>) target_semaphore(%arg20 : memref<!tpu.dma_semaphore, #tpu.memory_space<semaphore_mem>>)
    %dma_wait3A_444 = arith.constant 0 : i32
    %dma_wait3A_445 = tpu.memref_slice %arg5[%add3A_431, %dma_wait3A_444] : memref<8192x1024xf32, #tpu.memory_space<hbm>> -> memref<16x1024xf32, #tpu.memory_space<hbm>>
    %dma_wait3A_446 = arith.constant 0 : i32
    %dma_wait3A_447 = tpu.memref_slice %arg5[%add3A_431, %dma_wait3A_446] : memref<8192x1024xf32, #tpu.memory_space<hbm>> -> memref<16x1024xf32, #tpu.memory_space<hbm>>
    tpu.wait_dma2 semaphore(%arg19 : memref<!tpu.dma_semaphore, #tpu.memory_space<semaphore_mem>>) src(%arg7 : memref<16x1024xf32, #tpu.memory_space<vmem>>) dst(%dma_wait3A_447 : memref<16x1024xf32, #tpu.memory_space<hbm>>)
    %dma_start3A_448 = arith.constant 240 : i32
    %dma_start3A_449 = tpu.memref_slice %arg6[%dma_start3A_448] : memref<256xi32, #tpu.memory_space<vmem>> -> memref<16xi32, #tpu.memory_space<vmem>>
    %dma_start3A_450 = arith.constant 0 : i32
    %dma_start3A_451 = arith.constant 0 : i32
    %dma_start3A_452 = tpu.memref_slice %arg3[%dma_start3A_450, %dma_start3A_451] : memref<100000x1024xf32, #tpu.memory_space<hbm>> -> memref<100000x1024xf32, #tpu.memory_space<hbm>>
    tpu.enqueue_indirect_dma source(%dma_start3A_452 : memref<100000x1024xf32, #tpu.memory_space<hbm>>) target(%arg7 : memref<16x1024xf32, #tpu.memory_space<vmem>>) offsets(%dma_start3A_449 : memref<16xi32, #tpu.memory_space<vmem>>) semaphore(%arg14 : memref<!tpu.dma_semaphore, #tpu.memory_space<semaphore_mem>>)
    %dma_wait3A_453 = tpu.memref_slice %arg4[%mul3A_347] : memref<2097152xf32, #tpu.memory_space<hbm>> -> memref<16384xf32, #tpu.memory_space<hbm>>
    %dma_wait3A_454 = tpu.memref_slice %arg4[%mul3A_347] : memref<2097152xf32, #tpu.memory_space<hbm>> -> memref<16384xf32, #tpu.memory_space<hbm>>
    tpu.wait_dma2 semaphore(%arg25 : memref<!tpu.dma_semaphore, #tpu.memory_space<semaphore_mem>>) src(%dma_wait3A_454 : memref<16384xf32, #tpu.memory_space<hbm>>) dst(%arg13 : memref<16384xf32, #tpu.memory_space<vmem>>)
    %dma_wait3A_455 = arith.constant 48 : i32
    %dma_wait3A_456 = tpu.memref_slice %arg6[%dma_wait3A_455] : memref<256xi32, #tpu.memory_space<vmem>> -> memref<16xi32, #tpu.memory_space<vmem>>
    %dma_wait3A_457 = arith.constant 0 : i32
    %dma_wait3A_458 = arith.constant 0 : i32
    %dma_wait3A_459 = tpu.memref_slice %arg3[%dma_wait3A_457, %dma_wait3A_458] : memref<100000x1024xf32, #tpu.memory_space<hbm>> -> memref<100000x1024xf32, #tpu.memory_space<hbm>>
    tpu.wait_indirect_dma semaphore(%arg16 : memref<!tpu.dma_semaphore, #tpu.memory_space<semaphore_mem>>) src(%dma_wait3A_459 : memref<100000x1024xf32, #tpu.memory_space<hbm>>) dst(%arg9 : memref<16x1024xf32, #tpu.memory_space<vmem>>)
    %dma_wait3A_460 = arith.constant 112 : i32
    %dma_wait3A_461 = tpu.memref_slice %arg6[%dma_wait3A_460] : memref<256xi32, #tpu.memory_space<vmem>> -> memref<16xi32, #tpu.memory_space<vmem>>
    %dma_wait3A_462 = arith.constant 0 : i32
    %dma_wait3A_463 = arith.constant 0 : i32
    %dma_wait3A_464 = tpu.memref_slice %arg3[%dma_wait3A_462, %dma_wait3A_463] : memref<100000x1024xf32, #tpu.memory_space<hbm>> -> memref<100000x1024xf32, #tpu.memory_space<hbm>>
    tpu.wait_indirect_dma semaphore(%arg17 : memref<!tpu.dma_semaphore, #tpu.memory_space<semaphore_mem>>) src(%dma_wait3A_464 : memref<100000x1024xf32, #tpu.memory_space<hbm>>) dst(%arg10 : memref<16x1024xf32, #tpu.memory_space<vmem>>)
    %get3A_465 = arith.constant 48 : index
    %get3A_466 = tpu.vector_load %arg6[%get3A_465] {strides = array<i32>} : memref<256xi32, #tpu.memory_space<vmem>>, vector<16xi32>,
    %get3A_467 = vector.shape_cast %get3A_466 : vector<16xi32> to vector<16xi32>
    %get3A_468 = arith.constant 112 : index
    %get3A_469 = tpu.vector_load %arg6[%get3A_468] {strides = array<i32>} : memref<256xi32, #tpu.memory_space<vmem>>, vector<16xi32>,
    %get3A_470 = vector.shape_cast %get3A_469 : vector<16xi32> to vector<16xi32>
    %scan3A_471 = arith.constant 0 : i32
    %scan3A_472 = arith.constant 0 : i32
    %scan3A_473 = arith.constant 16 : i32
    %scan3A_474 = arith.addi %scan3A_472, %scan3A_473 : i32
    %scan3A_475 = arith.constant 1 : i32
    scf.for %scan3A_551 = %scan3A_472 to %scan3A_474 step %scan3A_475  : i32 {
      %broadcast_in_dim3A = arith.constant 0 : i32
      %broadcast_in_dim3A_552 = vector.broadcast %broadcast_in_dim3A : i32 to vector<16xi32>
      %add3A_553 = vector.broadcast %scan3A_551 : i32 to vector<16xi32>
      %add3A_554 = arith.addi %broadcast_in_dim3A_552, %add3A_553 : vector<16xi32>
      %lt3A = arith.constant 0 : i32
      %lt3A_555 = vector.broadcast %lt3A : i32 to vector<16xi32>
      %lt3A_556 = arith.cmpi slt, %add3A_554, %lt3A_555 : vector<16xi32>
      %add3A_557 = arith.constant 16 : i32
      %add3A_558 = vector.broadcast %add3A_557 : i32 to vector<16xi32>
      %add3A_559 = arith.addi %add3A_554, %add3A_558 : vector<16xi32>
      %select_n3A = arith.select %lt3A_556, %add3A_559, %add3A_554 : vector<16xi1>, vector<16xi32>
      %broadcast_in_dim3A_560 = vector.shape_cast %select_n3A : vector<16xi32> to vector<16x1xi32>
      %gather3A = vector.shape_cast %broadcast_in_dim3A_560 : vector<16x1xi32> to vector<16xi32>
      %gather3A_561 = tpu.dynamic_gather %get3A_467[%gather3A] in [0] : vector<16xi32>, vector<16xi32> -> vector<16xi32>
      %ne3A = arith.constant 0 : i32
      %ne3A_562 = vector.broadcast %ne3A : i32 to vector<16xi32>
      %ne3A_563 = arith.cmpi ne, %gather3A_561, %ne3A_562 : vector<16xi32>
      %jit3A = arith.constant 1.000000e+00 : f32
      %jit3A_564 = arith.constant 0.000000e+00 : f32
      %broadcast_in_dim3A_565 = vector.broadcast %jit3A : f32 to vector<16xf32>
      %broadcast_in_dim3A_566 = vector.broadcast %jit3A_564 : f32 to vector<16xf32>
      %select_n3A_567 = arith.select %ne3A_563, %broadcast_in_dim3A_565, %broadcast_in_dim3A_566 : vector<16xi1>, vector<16xf32>
      %broadcast_in_dim3A_568 = arith.constant 0 : i32
      %broadcast_in_dim3A_569 = vector.broadcast %broadcast_in_dim3A_568 : i32 to vector<16xi32>
      %add3A_570 = vector.broadcast %scan3A_551 : i32 to vector<16xi32>
      %add3A_571 = arith.addi %broadcast_in_dim3A_569, %add3A_570 : vector<16xi32>
      %lt3A_572 = arith.constant 0 : i32
      %lt3A_573 = vector.broadcast %lt3A_572 : i32 to vector<16xi32>
      %lt3A_574 = arith.cmpi slt, %add3A_571, %lt3A_573 : vector<16xi32>
      %add3A_575 = arith.constant 16 : i32
      %add3A_576 = vector.broadcast %add3A_575 : i32 to vector<16xi32>
      %add3A_577 = arith.addi %add3A_571, %add3A_576 : vector<16xi32>
      %select_n3A_578 = arith.select %lt3A_574, %add3A_577, %add3A_571 : vector<16xi1>, vector<16xi32>
      %broadcast_in_dim3A_579 = vector.shape_cast %select_n3A_578 : vector<16xi32> to vector<16x1xi32>
      %gather3A_580 = vector.shape_cast %broadcast_in_dim3A_579 : vector<16x1xi32> to vector<16xi32>
      %gather3A_581 = tpu.dynamic_gather %get3A_470[%gather3A_580] in [0] : vector<16xi32>, vector<16xi32> -> vector<16xi32>
      %ne3A_582 = arith.constant 0 : i32
      %ne3A_583 = vector.broadcast %ne3A_582 : i32 to vector<16xi32>
      %ne3A_584 = arith.cmpi ne, %gather3A_581, %ne3A_583 : vector<16xi32>
      %jit3A_585 = arith.constant 1.000000e+00 : f32
      %jit3A_586 = arith.constant 0.000000e+00 : f32
      %broadcast_in_dim3A_587 = vector.broadcast %jit3A_585 : f32 to vector<16xf32>
      %broadcast_in_dim3A_588 = vector.broadcast %jit3A_586 : f32 to vector<16xf32>
      %select_n3A_589 = arith.select %ne3A_584, %broadcast_in_dim3A_587, %broadcast_in_dim3A_588 : vector<16xi1>, vector<16xf32>
      %parallel_loop3A = arith.constant 0 : i32
      %parallel_loop3A_590 = arith.constant 64 : i32
      %parallel_loop3A_591 = arith.constant 1 : i32
      scf.for %parallel_loop3A_592 = %parallel_loop3A to %parallel_loop3A_590 step %parallel_loop3A_591  : i32 {
        %parallel_loop3A_593 = arith.constant 1024 : i32
        %parallel_loop3A_594 = arith.muli %scan3A_551, %parallel_loop3A_593 : i32
        %parallel_loop3A_595 = arith.constant 16 : i32
        %parallel_loop3A_596 = arith.muli %parallel_loop3A_592, %parallel_loop3A_595 : i32
        %parallel_loop3A_597 = arith.addi %parallel_loop3A_594, %parallel_loop3A_596 : i32
        %parallel_loop3A_598 = arith.index_cast %parallel_loop3A_597 : i32 to index
        %parallel_loop3A_599 = tpu.vector_load %arg13[%parallel_loop3A_598] {strides = array<i32>} : memref<16384xf32, #tpu.memory_space<vmem>>, vector<16xf32>,
        %parallel_loop3A_600 = vector.shape_cast %parallel_loop3A_599 : vector<16xf32> to vector<16xf32>
        %parallel_loop3A_601 = arith.constant 16 : i32
        %parallel_loop3A_602 = arith.muli %parallel_loop3A_592, %parallel_loop3A_601 : i32
        %parallel_loop3A_603 = arith.index_cast %scan3A_551 : i32 to index
        %parallel_loop3A_604 = arith.index_cast %parallel_loop3A_602 : i32 to index
        %parallel_loop3A_605 = tpu.vector_load %arg9[%parallel_loop3A_603, %parallel_loop3A_604] {strides = array<i32>} : memref<16x1024xf32, #tpu.memory_space<vmem>>, vector<1x16xf32>,
        %parallel_loop3A_606 = vector.shape_cast %parallel_loop3A_605 : vector<1x16xf32> to vector<16xf32>
        %parallel_loop3A_607 = arith.mulf %parallel_loop3A_606, %select_n3A_567 : vector<16xf32>
        %parallel_loop3A_608 = arith.addf %parallel_loop3A_607, %parallel_loop3A_600 : vector<16xf32>
        %parallel_loop3A_609 = arith.index_cast %scan3A_551 : i32 to index
        %parallel_loop3A_610 = arith.index_cast %parallel_loop3A_602 : i32 to index
        %parallel_loop3A_611 = tpu.vector_load %arg9[%parallel_loop3A_609, %parallel_loop3A_610] {strides = array<i32>} : memref<16x1024xf32, #tpu.memory_space<vmem>>, vector<1x16xf32>,
        %parallel_loop3A_612 = vector.shape_cast %parallel_loop3A_611 : vector<1x16xf32> to vector<16xf32>
        %parallel_loop3A_613 = vector.shape_cast %parallel_loop3A_608 : vector<16xf32> to vector<1x16xf32>
        tpu.vector_store %arg9[%parallel_loop3A_609, %parallel_loop3A_610], %parallel_loop3A_613 {strides = array<i32>} : memref<16x1024xf32, #tpu.memory_space<vmem>>, vector<1x16xf32>,
        %parallel_loop3A_614 = arith.index_cast %scan3A_551 : i32 to index
        %parallel_loop3A_615 = arith.index_cast %parallel_loop3A_602 : i32 to index
        %parallel_loop3A_616 = tpu.vector_load %arg10[%parallel_loop3A_614, %parallel_loop3A_615] {strides = array<i32>} : memref<16x1024xf32, #tpu.memory_space<vmem>>, vector<1x16xf32>,
        %parallel_loop3A_617 = vector.shape_cast %parallel_loop3A_616 : vector<1x16xf32> to vector<16xf32>
        %parallel_loop3A_618 = arith.mulf %parallel_loop3A_617, %select_n3A_589 : vector<16xf32>
        %parallel_loop3A_619 = arith.addf %parallel_loop3A_618, %parallel_loop3A_600 : vector<16xf32>
        %parallel_loop3A_620 = arith.index_cast %scan3A_551 : i32 to index
        %parallel_loop3A_621 = arith.index_cast %parallel_loop3A_602 : i32 to index
        %parallel_loop3A_622 = tpu.vector_load %arg10[%parallel_loop3A_620, %parallel_loop3A_621] {strides = array<i32>} : memref<16x1024xf32, #tpu.memory_space<vmem>>, vector<1x16xf32>,
        %parallel_loop3A_623 = vector.shape_cast %parallel_loop3A_622 : vector<1x16xf32> to vector<16xf32>
        %parallel_loop3A_624 = vector.shape_cast %parallel_loop3A_619 : vector<16xf32> to vector<1x16xf32>
        tpu.vector_store %arg10[%parallel_loop3A_620, %parallel_loop3A_621], %parallel_loop3A_624 {strides = array<i32>} : memref<16x1024xf32, #tpu.memory_space<vmem>>, vector<1x16xf32>,
      } {sc.loop_unroll_factor = 8 : i64, sc.parallel_access}
    }
    %scan3A_476 = arith.constant 16 : i32
    %add3A_477 = arith.constant 0 : i32
    %add3A_478 = arith.addi %add3A_477, %mul3A_2 : i32
    %add3A_479 = arith.constant 48 : i32
    %add3A_480 = arith.addi %add3A_478, %add3A_479 : i32
    %dma_start3A_481 = arith.constant 0 : i32
    %dma_start3A_482 = tpu.memref_slice %arg5[%add3A_480, %dma_start3A_481] : memref<8192x1024xf32, #tpu.memory_space<hbm>> -> memref<16x1024xf32, #tpu.memory_space<hbm>>
    %dma_start3A_483 = arith.constant 0 : i32
    %dma_start3A_484 = tpu.memref_slice %arg5[%add3A_480, %dma_start3A_483] : memref<8192x1024xf32, #tpu.memory_space<hbm>> -> memref<16x1024xf32, #tpu.memory_space<hbm>>
    tpu.enqueue_dma source(%arg9 : memref<16x1024xf32, #tpu.memory_space<vmem>>) target(%dma_start3A_484 : memref<16x1024xf32, #tpu.memory_space<hbm>>) target_semaphore(%arg21 : memref<!tpu.dma_semaphore, #tpu.memory_space<semaphore_mem>>)
    %add3A_485 = arith.constant 2048 : i32
    %add3A_486 = arith.addi %add3A_485, %mul3A_2 : i32
    %add3A_487 = arith.constant 48 : i32
    %add3A_488 = arith.addi %add3A_486, %add3A_487 : i32
    %dma_start3A_489 = arith.constant 0 : i32
    %dma_start3A_490 = tpu.memref_slice %arg5[%add3A_488, %dma_start3A_489] : memref<8192x1024xf32, #tpu.memory_space<hbm>> -> memref<16x1024xf32, #tpu.memory_space<hbm>>
    %dma_start3A_491 = arith.constant 0 : i32
    %dma_start3A_492 = tpu.memref_slice %arg5[%add3A_488, %dma_start3A_491] : memref<8192x1024xf32, #tpu.memory_space<hbm>> -> memref<16x1024xf32, #tpu.memory_space<hbm>>
    tpu.enqueue_dma source(%arg10 : memref<16x1024xf32, #tpu.memory_space<vmem>>) target(%dma_start3A_492 : memref<16x1024xf32, #tpu.memory_space<hbm>>) target_semaphore(%arg22 : memref<!tpu.dma_semaphore, #tpu.memory_space<semaphore_mem>>)
    %dma_wait3A_493 = arith.constant 176 : i32
    %dma_wait3A_494 = tpu.memref_slice %arg6[%dma_wait3A_493] : memref<256xi32, #tpu.memory_space<vmem>> -> memref<16xi32, #tpu.memory_space<vmem>>
    %dma_wait3A_495 = arith.constant 0 : i32
    %dma_wait3A_496 = arith.constant 0 : i32
    %dma_wait3A_497 = tpu.memref_slice %arg3[%dma_wait3A_495, %dma_wait3A_496] : memref<100000x1024xf32, #tpu.memory_space<hbm>> -> memref<100000x1024xf32, #tpu.memory_space<hbm>>
    tpu.wait_indirect_dma semaphore(%arg18 : memref<!tpu.dma_semaphore, #tpu.memory_space<semaphore_mem>>) src(%dma_wait3A_497 : memref<100000x1024xf32, #tpu.memory_space<hbm>>) dst(%arg11 : memref<16x1024xf32, #tpu.memory_space<vmem>>)
    %dma_wait3A_498 = arith.constant 240 : i32
    %dma_wait3A_499 = tpu.memref_slice %arg6[%dma_wait3A_498] : memref<256xi32, #tpu.memory_space<vmem>> -> memref<16xi32, #tpu.memory_space<vmem>>
    %dma_wait3A_500 = arith.constant 0 : i32
    %dma_wait3A_501 = arith.constant 0 : i32
    %dma_wait3A_502 = tpu.memref_slice %arg3[%dma_wait3A_500, %dma_wait3A_501] : memref<100000x1024xf32, #tpu.memory_space<hbm>> -> memref<100000x1024xf32, #tpu.memory_space<hbm>>
    tpu.wait_indirect_dma semaphore(%arg14 : memref<!tpu.dma_semaphore, #tpu.memory_space<semaphore_mem>>) src(%dma_wait3A_502 : memref<100000x1024xf32, #tpu.memory_space<hbm>>) dst(%arg7 : memref<16x1024xf32, #tpu.memory_space<vmem>>)
    %get3A_503 = arith.constant 176 : index
    %get3A_504 = tpu.vector_load %arg6[%get3A_503] {strides = array<i32>} : memref<256xi32, #tpu.memory_space<vmem>>, vector<16xi32>,
    %get3A_505 = vector.shape_cast %get3A_504 : vector<16xi32> to vector<16xi32>
    %get3A_506 = arith.constant 240 : index
    %get3A_507 = tpu.vector_load %arg6[%get3A_506] {strides = array<i32>} : memref<256xi32, #tpu.memory_space<vmem>>, vector<16xi32>,
    %get3A_508 = vector.shape_cast %get3A_507 : vector<16xi32> to vector<16xi32>
    %scan3A_509 = arith.constant 0 : i32
    %scan3A_510 = arith.constant 0 : i32
    %scan3A_511 = arith.constant 16 : i32
    %scan3A_512 = arith.addi %scan3A_510, %scan3A_511 : i32
    %scan3A_513 = arith.constant 1 : i32
    scf.for %scan3A_551 = %scan3A_510 to %scan3A_512 step %scan3A_513  : i32 {
      %broadcast_in_dim3A = arith.constant 0 : i32
      %broadcast_in_dim3A_552 = vector.broadcast %broadcast_in_dim3A : i32 to vector<16xi32>
      %add3A_553 = vector.broadcast %scan3A_551 : i32 to vector<16xi32>
      %add3A_554 = arith.addi %broadcast_in_dim3A_552, %add3A_553 : vector<16xi32>
      %lt3A = arith.constant 0 : i32
      %lt3A_555 = vector.broadcast %lt3A : i32 to vector<16xi32>
      %lt3A_556 = arith.cmpi slt, %add3A_554, %lt3A_555 : vector<16xi32>
      %add3A_557 = arith.constant 16 : i32
      %add3A_558 = vector.broadcast %add3A_557 : i32 to vector<16xi32>
      %add3A_559 = arith.addi %add3A_554, %add3A_558 : vector<16xi32>
      %select_n3A = arith.select %lt3A_556, %add3A_559, %add3A_554 : vector<16xi1>, vector<16xi32>
      %broadcast_in_dim3A_560 = vector.shape_cast %select_n3A : vector<16xi32> to vector<16x1xi32>
      %gather3A = vector.shape_cast %broadcast_in_dim3A_560 : vector<16x1xi32> to vector<16xi32>
      %gather3A_561 = tpu.dynamic_gather %get3A_505[%gather3A] in [0] : vector<16xi32>, vector<16xi32> -> vector<16xi32>
      %ne3A = arith.constant 0 : i32
      %ne3A_562 = vector.broadcast %ne3A : i32 to vector<16xi32>
      %ne3A_563 = arith.cmpi ne, %gather3A_561, %ne3A_562 : vector<16xi32>
      %jit3A = arith.constant 1.000000e+00 : f32
      %jit3A_564 = arith.constant 0.000000e+00 : f32
      %broadcast_in_dim3A_565 = vector.broadcast %jit3A : f32 to vector<16xf32>
      %broadcast_in_dim3A_566 = vector.broadcast %jit3A_564 : f32 to vector<16xf32>
      %select_n3A_567 = arith.select %ne3A_563, %broadcast_in_dim3A_565, %broadcast_in_dim3A_566 : vector<16xi1>, vector<16xf32>
      %broadcast_in_dim3A_568 = arith.constant 0 : i32
      %broadcast_in_dim3A_569 = vector.broadcast %broadcast_in_dim3A_568 : i32 to vector<16xi32>
      %add3A_570 = vector.broadcast %scan3A_551 : i32 to vector<16xi32>
      %add3A_571 = arith.addi %broadcast_in_dim3A_569, %add3A_570 : vector<16xi32>
      %lt3A_572 = arith.constant 0 : i32
      %lt3A_573 = vector.broadcast %lt3A_572 : i32 to vector<16xi32>
      %lt3A_574 = arith.cmpi slt, %add3A_571, %lt3A_573 : vector<16xi32>
      %add3A_575 = arith.constant 16 : i32
      %add3A_576 = vector.broadcast %add3A_575 : i32 to vector<16xi32>
      %add3A_577 = arith.addi %add3A_571, %add3A_576 : vector<16xi32>
      %select_n3A_578 = arith.select %lt3A_574, %add3A_577, %add3A_571 : vector<16xi1>, vector<16xi32>
      %broadcast_in_dim3A_579 = vector.shape_cast %select_n3A_578 : vector<16xi32> to vector<16x1xi32>
      %gather3A_580 = vector.shape_cast %broadcast_in_dim3A_579 : vector<16x1xi32> to vector<16xi32>
      %gather3A_581 = tpu.dynamic_gather %get3A_508[%gather3A_580] in [0] : vector<16xi32>, vector<16xi32> -> vector<16xi32>
      %ne3A_582 = arith.constant 0 : i32
      %ne3A_583 = vector.broadcast %ne3A_582 : i32 to vector<16xi32>
      %ne3A_584 = arith.cmpi ne, %gather3A_581, %ne3A_583 : vector<16xi32>
      %jit3A_585 = arith.constant 1.000000e+00 : f32
      %jit3A_586 = arith.constant 0.000000e+00 : f32
      %broadcast_in_dim3A_587 = vector.broadcast %jit3A_585 : f32 to vector<16xf32>
      %broadcast_in_dim3A_588 = vector.broadcast %jit3A_586 : f32 to vector<16xf32>
      %select_n3A_589 = arith.select %ne3A_584, %broadcast_in_dim3A_587, %broadcast_in_dim3A_588 : vector<16xi1>, vector<16xf32>
      %parallel_loop3A = arith.constant 0 : i32
      %parallel_loop3A_590 = arith.constant 64 : i32
      %parallel_loop3A_591 = arith.constant 1 : i32
      scf.for %parallel_loop3A_592 = %parallel_loop3A to %parallel_loop3A_590 step %parallel_loop3A_591  : i32 {
        %parallel_loop3A_593 = arith.constant 1024 : i32
        %parallel_loop3A_594 = arith.muli %scan3A_551, %parallel_loop3A_593 : i32
        %parallel_loop3A_595 = arith.constant 16 : i32
        %parallel_loop3A_596 = arith.muli %parallel_loop3A_592, %parallel_loop3A_595 : i32
        %parallel_loop3A_597 = arith.addi %parallel_loop3A_594, %parallel_loop3A_596 : i32
        %parallel_loop3A_598 = arith.index_cast %parallel_loop3A_597 : i32 to index
        %parallel_loop3A_599 = tpu.vector_load %arg13[%parallel_loop3A_598] {strides = array<i32>} : memref<16384xf32, #tpu.memory_space<vmem>>, vector<16xf32>,
        %parallel_loop3A_600 = vector.shape_cast %parallel_loop3A_599 : vector<16xf32> to vector<16xf32>
        %parallel_loop3A_601 = arith.constant 16 : i32
        %parallel_loop3A_602 = arith.muli %parallel_loop3A_592, %parallel_loop3A_601 : i32
        %parallel_loop3A_603 = arith.index_cast %scan3A_551 : i32 to index
        %parallel_loop3A_604 = arith.index_cast %parallel_loop3A_602 : i32 to index
        %parallel_loop3A_605 = tpu.vector_load %arg11[%parallel_loop3A_603, %parallel_loop3A_604] {strides = array<i32>} : memref<16x1024xf32, #tpu.memory_space<vmem>>, vector<1x16xf32>,
        %parallel_loop3A_606 = vector.shape_cast %parallel_loop3A_605 : vector<1x16xf32> to vector<16xf32>
        %parallel_loop3A_607 = arith.mulf %parallel_loop3A_606, %select_n3A_567 : vector<16xf32>
        %parallel_loop3A_608 = arith.addf %parallel_loop3A_607, %parallel_loop3A_600 : vector<16xf32>
        %parallel_loop3A_609 = arith.index_cast %scan3A_551 : i32 to index
        %parallel_loop3A_610 = arith.index_cast %parallel_loop3A_602 : i32 to index
        %parallel_loop3A_611 = tpu.vector_load %arg11[%parallel_loop3A_609, %parallel_loop3A_610] {strides = array<i32>} : memref<16x1024xf32, #tpu.memory_space<vmem>>, vector<1x16xf32>,
        %parallel_loop3A_612 = vector.shape_cast %parallel_loop3A_611 : vector<1x16xf32> to vector<16xf32>
        %parallel_loop3A_613 = vector.shape_cast %parallel_loop3A_608 : vector<16xf32> to vector<1x16xf32>
        tpu.vector_store %arg11[%parallel_loop3A_609, %parallel_loop3A_610], %parallel_loop3A_613 {strides = array<i32>} : memref<16x1024xf32, #tpu.memory_space<vmem>>, vector<1x16xf32>,
        %parallel_loop3A_614 = arith.index_cast %scan3A_551 : i32 to index
        %parallel_loop3A_615 = arith.index_cast %parallel_loop3A_602 : i32 to index
        %parallel_loop3A_616 = tpu.vector_load %arg7[%parallel_loop3A_614, %parallel_loop3A_615] {strides = array<i32>} : memref<16x1024xf32, #tpu.memory_space<vmem>>, vector<1x16xf32>,
        %parallel_loop3A_617 = vector.shape_cast %parallel_loop3A_616 : vector<1x16xf32> to vector<16xf32>
        %parallel_loop3A_618 = arith.mulf %parallel_loop3A_617, %select_n3A_589 : vector<16xf32>
        %parallel_loop3A_619 = arith.addf %parallel_loop3A_618, %parallel_loop3A_600 : vector<16xf32>
        %parallel_loop3A_620 = arith.index_cast %scan3A_551 : i32 to index
        %parallel_loop3A_621 = arith.index_cast %parallel_loop3A_602 : i32 to index
        %parallel_loop3A_622 = tpu.vector_load %arg7[%parallel_loop3A_620, %parallel_loop3A_621] {strides = array<i32>} : memref<16x1024xf32, #tpu.memory_space<vmem>>, vector<1x16xf32>,
        %parallel_loop3A_623 = vector.shape_cast %parallel_loop3A_622 : vector<1x16xf32> to vector<16xf32>
        %parallel_loop3A_624 = vector.shape_cast %parallel_loop3A_619 : vector<16xf32> to vector<1x16xf32>
        tpu.vector_store %arg7[%parallel_loop3A_620, %parallel_loop3A_621], %parallel_loop3A_624 {strides = array<i32>} : memref<16x1024xf32, #tpu.memory_space<vmem>>, vector<1x16xf32>,
      } {sc.loop_unroll_factor = 8 : i64, sc.parallel_access}
    }
    %scan3A_514 = arith.constant 16 : i32
    %add3A_515 = arith.constant 4096 : i32
    %add3A_516 = arith.addi %add3A_515, %mul3A_2 : i32
    %add3A_517 = arith.constant 48 : i32
    %add3A_518 = arith.addi %add3A_516, %add3A_517 : i32
    %dma_start3A_519 = arith.constant 0 : i32
    %dma_start3A_520 = tpu.memref_slice %arg5[%add3A_518, %dma_start3A_519] : memref<8192x1024xf32, #tpu.memory_space<hbm>> -> memref<16x1024xf32, #tpu.memory_space<hbm>>
    %dma_start3A_521 = arith.constant 0 : i32
    %dma_start3A_522 = tpu.memref_slice %arg5[%add3A_518, %dma_start3A_521] : memref<8192x1024xf32, #tpu.memory_space<hbm>> -> memref<16x1024xf32, #tpu.memory_space<hbm>>
    tpu.enqueue_dma source(%arg11 : memref<16x1024xf32, #tpu.memory_space<vmem>>) target(%dma_start3A_522 : memref<16x1024xf32, #tpu.memory_space<hbm>>) target_semaphore(%arg23 : memref<!tpu.dma_semaphore, #tpu.memory_space<semaphore_mem>>)
    %add3A_523 = arith.constant 6144 : i32
    %add3A_524 = arith.addi %add3A_523, %mul3A_2 : i32
    %add3A_525 = arith.constant 48 : i32
    %add3A_526 = arith.addi %add3A_524, %add3A_525 : i32
    %dma_start3A_527 = arith.constant 0 : i32
    %dma_start3A_528 = tpu.memref_slice %arg5[%add3A_526, %dma_start3A_527] : memref<8192x1024xf32, #tpu.memory_space<hbm>> -> memref<16x1024xf32, #tpu.memory_space<hbm>>
    %dma_start3A_529 = arith.constant 0 : i32
    %dma_start3A_530 = tpu.memref_slice %arg5[%add3A_526, %dma_start3A_529] : memref<8192x1024xf32, #tpu.memory_space<hbm>> -> memref<16x1024xf32, #tpu.memory_space<hbm>>
    tpu.enqueue_dma source(%arg7 : memref<16x1024xf32, #tpu.memory_space<vmem>>) target(%dma_start3A_530 : memref<16x1024xf32, #tpu.memory_space<hbm>>) target_semaphore(%arg19 : memref<!tpu.dma_semaphore, #tpu.memory_space<semaphore_mem>>)
    %dma_wait3A_531 = arith.constant 0 : i32
    %dma_wait3A_532 = tpu.memref_slice %arg5[%add3A_439, %dma_wait3A_531] : memref<8192x1024xf32, #tpu.memory_space<hbm>> -> memref<16x1024xf32, #tpu.memory_space<hbm>>
    %dma_wait3A_533 = arith.constant 0 : i32
    %dma_wait3A_534 = tpu.memref_slice %arg5[%add3A_439, %dma_wait3A_533] : memref<8192x1024xf32, #tpu.memory_space<hbm>> -> memref<16x1024xf32, #tpu.memory_space<hbm>>
    tpu.wait_dma2 semaphore(%arg20 : memref<!tpu.dma_semaphore, #tpu.memory_space<semaphore_mem>>) src(%arg8 : memref<16x1024xf32, #tpu.memory_space<vmem>>) dst(%dma_wait3A_534 : memref<16x1024xf32, #tpu.memory_space<hbm>>)
    %dma_wait3A_535 = arith.constant 0 : i32
    %dma_wait3A_536 = tpu.memref_slice %arg5[%add3A_480, %dma_wait3A_535] : memref<8192x1024xf32, #tpu.memory_space<hbm>> -> memref<16x1024xf32, #tpu.memory_space<hbm>>
    %dma_wait3A_537 = arith.constant 0 : i32
    %dma_wait3A_538 = tpu.memref_slice %arg5[%add3A_480, %dma_wait3A_537] : memref<8192x1024xf32, #tpu.memory_space<hbm>> -> memref<16x1024xf32, #tpu.memory_space<hbm>>
    tpu.wait_dma2 semaphore(%arg21 : memref<!tpu.dma_semaphore, #tpu.memory_space<semaphore_mem>>) src(%arg9 : memref<16x1024xf32, #tpu.memory_space<vmem>>) dst(%dma_wait3A_538 : memref<16x1024xf32, #tpu.memory_space<hbm>>)
    %dma_wait3A_539 = arith.constant 0 : i32
    %dma_wait3A_540 = tpu.memref_slice %arg5[%add3A_488, %dma_wait3A_539] : memref<8192x1024xf32, #tpu.memory_space<hbm>> -> memref<16x1024xf32, #tpu.memory_space<hbm>>
    %dma_wait3A_541 = arith.constant 0 : i32
    %dma_wait3A_542 = tpu.memref_slice %arg5[%add3A_488, %dma_wait3A_541] : memref<8192x1024xf32, #tpu.memory_space<hbm>> -> memref<16x1024xf32, #tpu.memory_space<hbm>>
    tpu.wait_dma2 semaphore(%arg22 : memref<!tpu.dma_semaphore, #tpu.memory_space<semaphore_mem>>) src(%arg10 : memref<16x1024xf32, #tpu.memory_space<vmem>>) dst(%dma_wait3A_542 : memref<16x1024xf32, #tpu.memory_space<hbm>>)
    %dma_wait3A_543 = arith.constant 0 : i32
    %dma_wait3A_544 = tpu.memref_slice %arg5[%add3A_518, %dma_wait3A_543] : memref<8192x1024xf32, #tpu.memory_space<hbm>> -> memref<16x1024xf32, #tpu.memory_space<hbm>>
    %dma_wait3A_545 = arith.constant 0 : i32
    %dma_wait3A_546 = tpu.memref_slice %arg5[%add3A_518, %dma_wait3A_545] : memref<8192x1024xf32, #tpu.memory_space<hbm>> -> memref<16x1024xf32, #tpu.memory_space<hbm>>
    tpu.wait_dma2 semaphore(%arg23 : memref<!tpu.dma_semaphore, #tpu.memory_space<semaphore_mem>>) src(%arg11 : memref<16x1024xf32, #tpu.memory_space<vmem>>) dst(%dma_wait3A_546 : memref<16x1024xf32, #tpu.memory_space<hbm>>)
    %dma_wait3A_547 = arith.constant 0 : i32
    %dma_wait3A_548 = tpu.memref_slice %arg5[%add3A_526, %dma_wait3A_547] : memref<8192x1024xf32, #tpu.memory_space<hbm>> -> memref<16x1024xf32, #tpu.memory_space<hbm>>
    %dma_wait3A_549 = arith.constant 0 : i32
    %dma_wait3A_550 = tpu.memref_slice %arg5[%add3A_526, %dma_wait3A_549] : memref<8192x1024xf32, #tpu.memory_space<hbm>> -> memref<16x1024xf32, #tpu.memory_space<hbm>>
    tpu.wait_dma2 semaphore(%arg19 : memref<!tpu.dma_semaphore, #tpu.memory_space<semaphore_mem>>) src(%arg7 : memref<16x1024xf32, #tpu.memory_space<vmem>>) dst(%dma_wait3A_550 : memref<16x1024xf32, #tpu.memory_space<hbm>>)
    return
  }
}

</mosaic_0001>

<sc_bundles>
// kernel: kernel.3.cloned.1.call-start
scs
__scs_entry_jumppad:
0x0: {  	(pc) =	sbr.rel $0x88, $3  }
0x1: {  	(tag) =	ssettag $0x0;
	lr =	simm.s32 $0x1  }
0x2: {  	[smem:$0x3F9F] =	sst lr;
	_ =	strace $0xD0000000  }
0x3: {  	_ = 	snop  }
0x4: {  	_ = 	snop  }
0x5: {  	_ = 	snop  }
0x6: {  	_ = 	snop  }
0x7: {  	_ = 	snop  }
__scs_overlays_trampoline_lowered:
0x8: {  	[smem:$0x3FAE] =	sst s0  }
0x9: {  	[smem:$0x3FAF] =	sst s1  }
0xa: {  	[smem:$0x3FB0] =	sst s2  }
0xb: {  	[smem:$0x3FB1] =	sst s3  }
0xc: {  	[smem:$0x3FB2] =	sst s4  }
0xd: {  	[smem:$0x3FB3] =	sst s5  }
0xe: {  	[smem:$0x3FB4] =	sst s6  }
0xf: {  	[smem:$0x3FB5] =	sst s7  }
0x10: {  	[smem:$0x3FB6] =	sst s8  }
0x11: {  	[smem:$0x3FB7] =	sst s9;
	s0 =	simm.s32 @!p0 $0x0  }
0x12: {  	s1 =	sld [smem:$0x3F9D];
	s0 =	simm.s32 @p0 $0x1  }
0x13: {  	[smem:$0x3FB8] =	sst s0;
	s0 =	simm.s32 @!p1 $0x0  }
0x14: {  	s2 =	sld [smem:$0x3F9C];
	s0 =	simm.s32 @p1 $0x1  }
0x15: {  	[smem:$0x3FB9] =	sst s0;
	s0 =	simm.s32 @!p2 $0x0  }
0x16: {  	s3 =	sld [smem:$0x3FDB];
	s0 =	simm.s32 @p2 $0x1  }
0x17: {  	s4 =	simm.s32 $0x1BF5;
	[smem:$0x3FBB] =	sst s0  }
0x18: {  	s0 =	sld [smem:$0x3F9E];
	_ =	swait.ge [sflag:s4], $0x0  }
0x19: {  	s7 =	sld [smem:$0x3F9F]  }
0x1a: {  	s8 =	sadd.s32 $0xFFFFE003, lr  }
0x1b: {  	s9 =	sadd.s32 $0xFFFFFEF7, lr;
	s5 =	simm.s32 $0xFFFFFFFF;
	p2 =	slt.u32 s8, $0xFFFFF086  }
0x1c: {  	p1 =	slt.u32 s9, $0xF7A;
	s5 =	simm.s32 @!p2 $0x0  }
0x1d: {  	s5 =	simm.s32 @p1 $0x1;
	p0 =	seq.s32 s7, s2  }
0x1e: {  	s7 =	smul.u32 @!p0 $0xF7A, s2;
	p2 =	seq.s32 @!p0 s5, $0x0  }
0x1f: {  	s9 =	smul.u32 $0xF7A, s1;
	s8 =	simm.s32 @!p0 $0x1BF5;
	p2 =	por !p2, p0  }
0x20: {  	[sflag:s8] =	ssyncset.s32 @!p0 $0xFFFFF086;
	s6 =	sadd.s32 @!p0 s3, s7;
	s7 =	simm.s32 @!p0 $0x108  }
0x21: {  	s3 =	sadd.s32 s3, s9;
	s6 =	sadd.s32 @!p0 $0x88, s6;
	s7 =	simm.s32 @p2 $0x1082  }
0x22: {  	[simem:s7], [sflag:s8] =	dma.local @!p0 [hbm:s6], $0xF7A  }
0x23: {  	s9 =	sor.u32 $0xD0000000, s2;
	s6 =	simm.s32 $0x108;
	_ =	swait.ge @!p0 [sflag:s8], $0x0  }
0x24: {  	s3 =	sadd.s32 $0x88, s3;
	s6 =	simm.s32 @!p1 $0x1082;
	[sflag:s4] =	ssyncset.s32 $0xFFFFF086  }
0x25: {  	[simem:s6], [sflag:s4] =	dma.local [hbm:s3], $0xF7A  }
0x26: {  	[smem:$0x3F9F] =	sst s1;
	(tag) =	ssettag s2;
	_ =	strace s9  }
0x27: {  	s1 =	sld [smem:$0x3FAF]  }
0x28: {  	s2 =	sld [smem:$0x3FB0]  }
0x29: {  	s4 =	sld [smem:$0x3FB2]  }
0x2a: {  	p0 =	seq.s32 s5, $0x0;
	s5 =	sld [smem:$0x3FB3]  }
0x2b: {  	s6 =	sld [smem:$0x3FB4]  }
0x2c: {  	s7 =	sld [smem:$0x3FB5]  }
0x2d: {  	s3 =	simm.s32 $0x108;
	s8 =	sld [smem:$0x3FB6]  }
0x2e: {  	s3 =	simm.s32 @!p0 $0x1082;
	s9 =	sld [smem:$0x3FB7]  }
0x2f: {  	lr =	sadd.s32 s0, s3;
	s0 =	sld [smem:$0x3FAE]  }
0x30: {  	s3 =	sld [smem:$0x3FB1]  }
0x31: {  	[smem:$0x3FBA] =	sst s10  }
0x32: {  	s10 =	sld [smem:$0x3FB8];
	_ =	sdelay $0x3  }
0x33: {  	p0 =	seq.s32 s10, $0x1;
	s10 =	sld [smem:$0x3FBA];
	_ =	sdelay $0x3  }
0x34: {  	[smem:$0x3FBA] =	sst s10  }
0x35: {  	s10 =	sld [smem:$0x3FB9];
	_ =	sdelay $0x3  }
0x36: {  	p1 =	seq.s32 s10, $0x1;
	s10 =	sld [smem:$0x3FBA];
	_ =	sdelay $0x3  }
0x37: {  	[smem:$0x3FBA] =	sst s10  }
0x38: {  	s10 =	sld [smem:$0x3FBB]  }
0x39: {  	_ = 	snop;
	(pc) =	sbr.ind lr, $3  }
0x3a: {  	_ = 	snop  }
0x3b: {  	_ = 	snop  }
0x3c: {  	p2 =	seq.s32 s10, $0x1;
	s10 =	sld [smem:$0x3FBA]  }
0x3d: {  	_ =	shalt  }
0x3e: {  	_ =	shalt  }
0x3f: {  	_ =	shalt  }
0x40: {  	_ =	shalt  }
0x41: {  	_ =	shalt  }
0x42: {  	_ =	shalt  }
0x43: {  	_ =	shalt  }
0x44: {  	_ =	shalt  }
0x45: {  	_ =	shalt  }
0x46: {  	_ =	shalt  }
0x47: {  	_ =	shalt  }
0x48: {  	_ =	shalt  }
0x49: {  	_ =	shalt  }
0x4a: {  	_ =	shalt  }
0x4b: {  	_ =	shalt  }
0x4c: {  	_ =	shalt  }
0x4d: {  	_ =	shalt  }
0x4e: {  	_ =	shalt  }
0x4f: {  	_ =	shalt  }
0x50: {  	_ =	shalt  }
0x51: {  	_ =	shalt  }
0x52: {  	_ =	shalt  }
0x53: {  	_ =	shalt  }
0x54: {  	_ =	shalt  }
0x55: {  	_ =	shalt  }
0x56: {  	_ =	shalt  }
0x57: {  	_ =	shalt  }
0x58: {  	_ =	shalt  }
0x59: {  	_ =	shalt  }
0x5a: {  	_ =	shalt  }
0x5b: {  	_ =	shalt  }
0x5c: {  	_ =	shalt  }
0x5d: {  	_ =	shalt  }
0x5e: {  	_ =	shalt  }
0x5f: {  	_ =	shalt  }
0x60: {  	_ =	shalt  }
0x61: {  	_ =	shalt  }
0x62: {  	_ =	shalt  }
0x63: {  	_ =	shalt  }
0x64: {  	_ =	shalt  }
0x65: {  	_ =	shalt  }
0x66: {  	_ =	shalt  }
0x67: {  	_ =	shalt  }
0x68: {  	_ =	shalt  }
0x69: {  	_ =	shalt  }
0x6a: {  	_ =	shalt  }
0x6b: {  	_ =	shalt  }
0x6c: {  	_ =	shalt  }
0x6d: {  	_ =	shalt  }
0x6e: {  	_ =	shalt  }
0x6f: {  	_ =	shalt  }
0x70: {  	_ =	shalt  }
0x71: {  	_ =	shalt  }
0x72: {  	_ =	shalt  }
0x73: {  	_ =	shalt  }
0x74: {  	_ =	shalt  }
0x75: {  	_ =	shalt  }
0x76: {  	_ =	shalt  }
0x77: {  	_ =	shalt  }
0x78: {  	_ =	shalt  }
0x79: {  	_ =	shalt  }
0x7a: {  	_ =	shalt  }
0x7b: {  	_ =	shalt  }
0x7c: {  	_ =	shalt  }
0x7d: {  	_ =	shalt  }
0x7e: {  	_ =	shalt  }
0x7f: {  	_ =	shalt  }
0x80: {  	_ =	shalt  }
0x81: {  	_ =	shalt  }
0x82: {  	_ =	shalt  }
0x83: {  	_ =	shalt  }
0x84: {  	_ =	shalt  }
0x85: {  	_ =	shalt  }
0x86: {  	_ =	shalt  }
0x87: {  	_ =	shalt  }
.Lfunc_end0:
.L_simem_size_0:
called_computation_lowered:
.L_overlay_start_0:
0x88: {  	s2 =	sld [smem:$0x3FD9]  }
0x89: {  	s3 =	sld [smem:$0x3FFE];
	_ =	sdelay $0x1  }
0x8a: {  	s1 =	srdreg.scid  }
0x8b: {  	s0 =	sand.u32 $0x1, s1  }
0x8c: {  	s17 =	sshll.u32 s0, $0xA;
	s2 =	sadd.s32 s3, s2  }
0x8d: {  	s2 =	sadd.s32 s2, s17  }
0x8e: {  	[smem:$0x3FC6] =	sst s2  }
0x8f: {  	_ = 	snop  }
0x90: {  	s2 =	sld [smem:$0x3FC9]  }
0x91: {  	s18 =	sld [smem:$0x3FC8]  }
0x92: {  	s4 =	sld [smem:$0x3FD0];
	(tm) =	ssettm $0x1  }
0x93: {  	s5 =	sld [smem:$0x3FFB];
	_ =	sdelay $0x3  }
0x94: {  	_ =	strace s5  }
0x95: {  	s5 =	sld [smem:$0x3FFC];
	_ =	sdelay $0x3  }
0x96: {  	_ =	strace s5  }
0x97: {  	s5 =	sld [smem:$0x3FFD];
	_ =	sdelay $0x3  }
0x98: {  	_ =	strace s5  }
0x99: {  	_ =	strace $0x8FFFFFFF  }
0x9a: {  	s19 =	sld [smem:$0x3FDB];
	_ =	sdelay $0x1  }
0x9b: {  	s6 =	simm.s32 $_scs_section_size  }
0x9c: {  	s7 =	simm.s32 $_size__tile_overlayer_lowered;
	s8 =	simm.s32 $_tile_overlayer_lowered  }
0x9d: {  	s22 =	simm.s32 $0x1BFF;
	s21 =	sshll.u32 s8, $0x1;
	s5 =	sadd.s32 s6, s19  }
0x9e: {  	s9 =	simm.s32 $0x0;
	s20 =	sshll.u32 s7, $0x1;
	s7 =	sadd.s32 s21, s5  }
0x9f: {  	[timem:s9], [sflag:s22] =	dma.local [hbm:s7], s20  }
0xa0: {  	_ =	swait.ge [sflag:s22], s20  }
0xa1: {  	s6 =	ssub.s32 $0x0, s20;
	[sflag:s22] =	ssyncset.done $0x0  }
0xa2: {  	[sflag:s22] =	ssyncadd.s32 s6;
	_ =	sdelay $0x1  }
0xa3: {  	s23 =	simm.s32 $0x1B8B  }
0xa4: {  	_ =	swait.ge [sflag:s23], $0x1  }
0xa5: {  	[sflag:s23] =	ssyncset.done $0x0  }
0xa6: {  	s25 =	simm.s32 $0x1B8E;
	s24 =	sld [smem:$0x3FFE];
	[sflag:s23] =	ssyncadd.s32 $0xFFFFFFFF  }
0xa7: {  	s26 =	simm.s32 $execute0_lowered;
	[smem:$0x3FD2] =	sst s25  }
0xa8: {  	s7 =	sshll.u32 s26, $0x1;
	_ =	strace $0x80000046;
	[dreg:$0x1] =	wrdreg $0xFFFFFFFF  }
0xa9: {  	s28 =	simm.s32 $_size_execute0_lowered;
	s5 =	sadd.s32 s5, s7;
	[dreg:$0x0] =	wrdreg $0x0  }
0xaa: {  	s7 =	sshll.u32 s28, $0x1;
	[dreg:$0x2] =	wrdreg s5  }
0xab: {  	[dreg:$0x3] =	wrdreg s7  }
0xac: {  	[dreg:$0x4] =	wrdreg $0xC0  }
0xad: {  	_ =	task [dreg:s9], $0x5FFFF  }
0xae: {  	[dreg:$0x1] =	wrdreg $0xFFFFFFFF  }
0xaf: {  	[dreg:$0x0] =	wrdreg $0x60  }
0xb0: {  	[dreg:$0x2] =	wrdreg s2  }
0xb1: {  	[dreg:$0x3] =	wrdreg s18  }
0xb2: {  	[dreg:$0x4] =	wrdreg s24  }
0xb3: {  	[dreg:$0x5] =	wrdreg s4  }
0xb4: {  	[dreg:$0x6] =	wrdreg $0x9  }
0xb5: {  	_ =	task.clear_ibuf [dreg:s9], $0x7FFFF;
	_ =	strace $0x90000046  }
0xb6: {  	s29 =	simm.s32 $0x9;
	_ =	strace $0x80000048  }
0xb7: {  	_ =	swait.ge [sflag:s29], $0x1  }
0xb8: {  	[sflag:s29] =	ssyncadd.s32 $0xFFFFFFFF  }
0xb9: {  	_ =	strace $0x90000048  }
0xba: {  	_ =	sfence  }
0xbb: {  	s30 =	sld [smem:$0x0];
	_ =	sdelay $0x2  }
0xbc: {  	s31 =	sshll.u32 s1, $0xD;
	s1 =	sshrl.u32 s1, $0x2  }
0xbd: {  	s3 =	sand.u32 $0x4000, s31;
	s1 =	sadd.s32 s1, s30  }
0xbe: {  	s0 =	sor.u32 s3, s0;
	s1 =	sshll.u32 s1, $0x11  }
0xbf: {  	s0 =	sor.u32 s1, s0  }
0xc0: {  	s0 =	sadd.s32 $0x8F2B, s0  }
0xc1: {  	[sflag:s0] =	ssyncadd.remote.s32 $0x1  }
0xc2: {  	_ =	sfence.sel $0xFFFF  }
0xc3: {  	[dreg:$0x0] =	wrdreg $0xFFFFFFFF;
	(pc) =	sbr.abs _section_cstart, $3  }
0xc4: {  	[dreg:$0x1] =	wrdreg $0xFFFFFFFF  }
0xc5: {  	_ =	task.clear_ibuf [dreg:s9], $0x2FFFF;
	_ =	strace $0x9FFFFFFF  }
0xc6: {  	(tm) =	ssettm $0x7FFFFFFF  }
0xc7: {  	_ =	shalt  }
tec
execute0_lowered:
.L_overlay_start_1:
0x0: {  	(tag) =	ssettag $0x1  }
0x1: {  	s0 =	rddreg [dreg:$0x0]  }
0x2: {  	s1 =	rddreg [dreg:$0x1]  }
0x3: {  	s2 =	rddreg [dreg:$0x2]  }
0x4: {  	s4 =	rddreg [dreg:$0x3]  }
0x5: {  	s3 =	simm.s32 $0x0;
	s5 =	srdreg.scid;
	s6 =	stileid.u32  }
0x6: {  	[smem:$0x7FF] =	sst s3;
	s5 =	sand.u32 $0x1, s5;
	s6 =	sshll.u32 s6, $0x1  }
0x7: {  	s2 =	sadd.s32 $0x400, s2;
	_ =	strace $0x80000047;
	s6 =	sor.u32 s5, s6  }
0x8: {  	s7 =	ssub.s32 $0x2, s5;
	s5 =	sshll.u32 s5, $0x6;
	s9 =	sshll.u32 s6, $0x8  }
0x9: {  	s8 =	sshrl.u32 s7, $0x1;
	s6 =	sshll.u32 s6, $0xD;
	s10 =	sand.u32 $0x1E00, s9  }
0xa: {  	s7 =	ssub.s32 s7, s8;
	s24 =	sadd.s32 s2, s6;
	s13 =	sor.u32 $0x800, s6  }
0xb: {  	s19 =	sor.u32 $0x1800, s6;
	[dreg:$0x5] =	wrdreg s24;
	s26 =	sadd.s32 s2, s13  }
0xc: {  	s25 =	sor.u32 s5, s10;
	s16 =	sadd.s32 s4, s13;
	[dreg:$0x6] =	wrdreg s26  }
0xd: {  	s5 =	sor.u32 s5, s9;
	s20 =	sadd.s32 s4, s19;
	[dreg:$0x10] =	wrdreg s16  }
0xe: {  	s9 =	sor.u32 $0x1000, s6;
	s22 =	smax.u32 s7, $0x1;
	[dreg:$0x15] =	wrdreg s20  }
0xf: {  	s15 =	sadd.s32 s2, s9;
	[dreg:$0x17] =	wrdreg s22  }
0x10: {  	s8 =	sshrl.u32 s25, $0x3;
	s2 =	sadd.s32 s2, s19;
	[dreg:$0xf] =	wrdreg s15  }
0x11: {  	s5 =	sshrl.u32 s5, $0x3;
	s8 =	sadd.s32 s0, s8;
	[dreg:$0x13] =	wrdreg s2  }
0x12: {  	s28 =	sor.u32 $0x20, s5;
	[dreg:$0x7] =	wrdreg s8;
	s8 =	sadd.s32 $0x10, s8  }
0x13: {  	s5 =	sor.u32 $0x30, s5;
	[dreg:$0x8] =	wrdreg s8;
	s8 =	sadd.s32 s0, s28  }
0x14: {  	s0 =	sadd.s32 s0, s5;
	[dreg:$0x9] =	wrdreg s8  }
0x15: {  	[dreg:$0xa] =	wrdreg s0;
	s0 =	sadd.s32 s4, s9  }
0x16: {  	s8 =	sadd.s32 s4, s6;
	[dreg:$0x14] =	wrdreg s0  }
0x17: {  	s30 =	simm.s32 $0xC100;
	s29 =	sadd.s32 $0x40000, s8;
	[dreg:$0xb] =	wrdreg s8  }
0x18: {  	s31 =	simm.s32 $0x6;
	s5 =	sadd.s32 $0x80000, s8;
	[dreg:$0xc] =	wrdreg s29  }
0x19: {  	s11 =	sadd.s32 $0x200, s1;
	s14 =	sadd.s32 $0xC0000, s8;
	[dreg:$0xd] =	wrdreg s5  }
0x1a: {  	s12 =	sadd.s32 $0x300, s1;
	s17 =	sadd.s32 $0x40800, s8;
	[dreg:$0xe] =	wrdreg s14  }
0x1b: {  	s10 =	sadd.s32 $0x100, s1;
	s18 =	sadd.s32 $0x80800, s8;
	[dreg:$0x11] =	wrdreg s17  }
0x1c: {  	s7 =	simm.s32 $0x4;
	s21 =	sadd.s32 $0xC0800, s8;
	[dreg:$0x12] =	wrdreg s18  }
0x1d: {  	s13 =	simm.s32 $0x8;
	s23 =	sadd.s32 $0x41000, s8;
	[dreg:$0x16] =	wrdreg s21  }
0x1e: {  	s22 =	simm.s32 $0xC;
	s24 =	sadd.s32 $0x81000, s8;
	[dreg:$0x18] =	wrdreg s23  }
0x1f: {  	s2 =	simm.s32 $0x1;
	s25 =	sadd.s32 $0xC1000, s8;
	[dreg:$0x19] =	wrdreg s24  }
0x20: {  	s15 =	simm.s32 $0x10100;
	s26 =	sadd.s32 $0x41800, s8;
	[dreg:$0x1a] =	wrdreg s25  }
0x21: {  	s4 =	simm.s32 $0x2;
	s28 =	sadd.s32 $0x81800, s8;
	[dreg:$0x1b] =	wrdreg s26  }
0x22: {  	s6 =	simm.s32 $0x8100;
	s0 =	simm.s32 $0x7;
	[dreg:$0x1c] =	wrdreg s28  }
0x23: {  	v2 =	vlaneseq.u32;
	s29 =	sadd.s32 $0xC1800, s8;
	s5 =	simm.s32 $0x3;
	s8 =	simm.s32 $0x100  }
0x24: {  	vm0 =	vmmov $0xffff;
	v3 =	vimm.f32 $1.000000000e+00;
	v1 =	vshrl.u32 v2, $0x3;
	s23 =	simm.s32 $0x4100;
	s21 =	simm.s32 $0x9;
	s24 =	simm.s32 $0x5  }
0x25: {  	v0 =	vand.u32 $0x7, v2;
	v2 =	vor.u32 $0x8, v2;
	v1 =	vmul.u32 $0x8, v1;
	s25 =	simm.s32 $0xA;
	s26 =	simm.s32 $0x0;
	[dreg:$0x1d] =	wrdreg s29  }
.LBB2_1:
0x26: {  	s9 =	rddreg [dreg:$0x5];
	s14 =	simm.s32 $0x14100  }
0x27: {  	[tilespmem:s14], [sflag:$0xB] =	stream.linear.gather [hbm4b:s9+s3], $0x4000, $0x38;
	[tilespmem:$0x1C100] =	vst v63  }
0x28: {  	s19 =	rddreg [dreg:$0x6];
	s20 =	simm.s32 $0x18100  }
0x29: {  	[tilespmem:s20], [sflag:$0xC] =	stream.linear.gather [hbm4b:s19+s3], $0x4000, $0x38;
	[tilespmem:$0x1C100] =	vst v63  }
0x2a: {  	s29 =	rddreg [dreg:$0x7]  }
0x2b: {  	[tilespmem:s3], [sflag:$0x1] =	stream.linear.gather [hbm4b:s29+s3], $0x40, $0x38;
	[tilespmem:$0x1C100] =	vst v63  }
0x2c: {  	s16 =	simm.s32 $0x40;
	s14 =	rddreg [dreg:$0x8]  }
0x2d: {  	[tilespmem:s16], [sflag:$0x2] =	stream.linear.gather [hbm4b:s14+s3], $0x40, $0x38;
	[tilespmem:$0x1C100] =	vst v63  }
0x2e: {  	s17 =	rddreg [dreg:$0x9];
	s18 =	simm.s32 $0x80  }
0x2f: {  	[tilespmem:s18], [sflag:$0x3] =	stream.linear.gather [hbm4b:s17+s3], $0x40, $0x38;
	[tilespmem:$0x1C100] =	vst v63  }
0x30: {  	s19 =	rddreg [dreg:$0xa];
	s20 =	simm.s32 $0xC0  }
0x31: {  	[tilespmem:s20], [sflag:$0x4] =	stream.linear.gather [hbm4b:s19+s3], $0x40, $0x38;
	[tilespmem:$0x1C100] =	vst v63  }
0x32: {  	_ =	swait.ge [sflag:s2], $0x40  }
0x33: {  	[sflag:s2] =	ssyncset.done $0x0  }
0x34: {  	[sflag:s2] =	ssyncadd.s32 $0xFFFFFFC0  }
0x35: {  	_ =	swait.ge [sflag:s4], $0x40  }
0x36: {  	[sflag:s4] =	ssyncset.done $0x0  }
0x37: {  	[sflag:s4] =	ssyncadd.s32 $0xFFFFFFC0  }
0x38: {  	_ =	swait.ge [sflag:s5], $0x40  }
0x39: {  	[sflag:s5] =	ssyncset.done $0x0  }
0x3a: {  	[sflag:s5] =	ssyncadd.s32 $0xFFFFFFC0  }
0x3b: {  	_ =	swait.ge [sflag:s7], $0x40  }
0x3c: {  	[sflag:s7] =	ssyncset.done $0x0  }
0x3d: {  	[sflag:s7] =	ssyncadd.s32 $0xFFFFFFC0  }
0x3e: {  	v4 =	vld [tilespmem:$0x0];
	_ =	sdelay $0x4  }
0x3f: {  	v5 =	vshll.u32 v4, $0x3  }
0x40: {  	v4 =	vand.u32 $0x7, v4;
	v5 =	vand.u32 $0xFFFFFFC0, v5  }
0x41: {  	v4 =	vor.u32 v4, v5  }
0x42: {  	v5 =	vperm.xlane v4, v0;
	_ =	sdelay $0x1  }
0x43: {  	v5 =	vadd.s32 v1, v5;
	_ =	sdelay $0x4  }
0x44: {  	[tilespmem:s8], [sflag:$0x1] =	stream.indirect_vreg.gather [hbm4b:s1+s3], $0x80, v5, vm0, $0xb8;
	[tilespmem:$0x1C100] =	vst v63  }
0x45: {  	s29 =	simm.s32 $0x900;
	v4 =	vperm.xlane v4, v2  }
0x46: {  	[tilespmem:s29], [sflag:$0x1] =	stream.indirect_vreg.gather [hbm4b:s10+s3], $0x80, v5, vm0, $0xb8;
	[tilespmem:$0x1C100] =	vst v63  }
0x47: {  	s14 =	simm.s32 $0x1100;
	v4 =	vadd.s32 v1, v4  }
0x48: {  	[tilespmem:s14], [sflag:$0x1] =	stream.indirect_vreg.gather [hbm4b:s11+s3], $0x80, v5, vm0, $0xb8;
	[tilespmem:$0x1C100] =	vst v63  }
0x49: {  	s16 =	simm.s32 $0x1900  }
0x4a: {  	[tilespmem:s16], [sflag:$0x1] =	stream.indirect_vreg.gather [hbm4b:s12+s3], $0x80, v5, vm0, $0xb8;
	[tilespmem:$0x1C100] =	vst v63  }
0x4b: {  	s17 =	simm.s32 $0x2100  }
0x4c: {  	[tilespmem:s17], [sflag:$0x1] =	stream.indirect_vreg.gather [hbm4b:s1+s3], $0x80, v4, vm0, $0xb8;
	[tilespmem:$0x1C100] =	vst v63  }
0x4d: {  	s18 =	simm.s32 $0x2900  }
0x4e: {  	[tilespmem:s18], [sflag:$0x1] =	stream.indirect_vreg.gather [hbm4b:s10+s3], $0x80, v4, vm0, $0xb8;
	[tilespmem:$0x1C100] =	vst v63  }
0x4f: {  	s19 =	simm.s32 $0x3100  }
0x50: {  	[tilespmem:s19], [sflag:$0x1] =	stream.indirect_vreg.gather [hbm4b:s11+s3], $0x80, v4, vm0, $0xb8;
	[tilespmem:$0x1C100] =	vst v63  }
0x51: {  	s20 =	simm.s32 $0x3900  }
0x52: {  	[tilespmem:s20], [sflag:$0x1] =	stream.indirect_vreg.gather [hbm4b:s12+s3], $0x80, v4, vm0, $0xb8;
	[tilespmem:$0x1C100] =	vst v63  }
0x53: {  	v4 =	vld [tilespmem:$0x40];
	_ =	sdelay $0x4  }
0x54: {  	v5 =	vshll.u32 v4, $0x3  }
0x55: {  	v4 =	vand.u32 $0x7, v4;
	v5 =	vand.u32 $0xFFFFFFC0, v5  }
0x56: {  	v4 =	vor.u32 v4, v5  }
0x57: {  	v5 =	vperm.xlane v4, v0;
	_ =	sdelay $0x1  }
0x58: {  	v5 =	vadd.s32 v1, v5;
	_ =	sdelay $0x4  }
0x59: {  	[tilespmem:s23], [sflag:$0x2] =	stream.indirect_vreg.gather [hbm4b:s1+s3], $0x80, v5, vm0, $0xb8;
	[tilespmem:$0x1C100] =	vst v63  }
0x5a: {  	v4 =	vperm.xlane v4, v2;
	s23 =	simm.s32 $0x4900  }
0x5b: {  	[tilespmem:s23], [sflag:$0x2] =	stream.indirect_vreg.gather [hbm4b:s10+s3], $0x80, v5, vm0, $0xb8;
	[tilespmem:$0x1C100] =	vst v63  }
0x5c: {  	s29 =	simm.s32 $0x5100;
	v4 =	vadd.s32 v1, v4  }
0x5d: {  	[tilespmem:s29], [sflag:$0x2] =	stream.indirect_vreg.gather [hbm4b:s11+s3], $0x80, v5, vm0, $0xb8;
	[tilespmem:$0x1C100] =	vst v63  }
0x5e: {  	s14 =	simm.s32 $0x5900  }
0x5f: {  	[tilespmem:s14], [sflag:$0x2] =	stream.indirect_vreg.gather [hbm4b:s12+s3], $0x80, v5, vm0, $0xb8;
	[tilespmem:$0x1C100] =	vst v63  }
0x60: {  	s16 =	simm.s32 $0x6100  }
0x61: {  	[tilespmem:s16], [sflag:$0x2] =	stream.indirect_vreg.gather [hbm4b:s1+s3], $0x80, v4, vm0, $0xb8;
	[tilespmem:$0x1C100] =	vst v63  }
0x62: {  	s17 =	simm.s32 $0x6900  }
0x63: {  	[tilespmem:s17], [sflag:$0x2] =	stream.indirect_vreg.gather [hbm4b:s10+s3], $0x80, v4, vm0, $0xb8;
	[tilespmem:$0x1C100] =	vst v63  }
0x64: {  	s18 =	simm.s32 $0x7100  }
0x65: {  	[tilespmem:s18], [sflag:$0x2] =	stream.indirect_vreg.gather [hbm4b:s11+s3], $0x80, v4, vm0, $0xb8;
	[tilespmem:$0x1C100] =	vst v63  }
0x66: {  	s19 =	simm.s32 $0x7900  }
0x67: {  	[tilespmem:s19], [sflag:$0x2] =	stream.indirect_vreg.gather [hbm4b:s12+s3], $0x80, v4, vm0, $0xb8;
	[tilespmem:$0x1C100] =	vst v63  }
0x68: {  	v4 =	vld [tilespmem:$0x80];
	_ =	sdelay $0x4  }
0x69: {  	v5 =	vshll.u32 v4, $0x3  }
0x6a: {  	v4 =	vand.u32 $0x7, v4;
	v5 =	vand.u32 $0xFFFFFFC0, v5  }
0x6b: {  	v4 =	vor.u32 v4, v5  }
0x6c: {  	v5 =	vperm.xlane v4, v0;
	_ =	sdelay $0x1  }
0x6d: {  	v5 =	vadd.s32 v1, v5;
	_ =	sdelay $0x4  }
0x6e: {  	[tilespmem:s6], [sflag:$0x3] =	stream.indirect_vreg.gather [hbm4b:s1+s3], $0x80, v5, vm0, $0xb8;
	[tilespmem:$0x1C100] =	vst v63  }
0x6f: {  	s20 =	simm.s32 $0x8900;
	v4 =	vperm.xlane v4, v2  }
0x70: {  	[tilespmem:s20], [sflag:$0x3] =	stream.indirect_vreg.gather [hbm4b:s10+s3], $0x80, v5, vm0, $0xb8;
	[tilespmem:$0x1C100] =	vst v63  }
0x71: {  	s23 =	simm.s32 $0x9100;
	v4 =	vadd.s32 v1, v4  }
0x72: {  	[tilespmem:s23], [sflag:$0x3] =	stream.indirect_vreg.gather [hbm4b:s11+s3], $0x80, v5, vm0, $0xb8;
	[tilespmem:$0x1C100] =	vst v63  }
0x73: {  	s29 =	simm.s32 $0x9900  }
0x74: {  	[tilespmem:s29], [sflag:$0x3] =	stream.indirect_vreg.gather [hbm4b:s12+s3], $0x80, v5, vm0, $0xb8;
	[tilespmem:$0x1C100] =	vst v63  }
0x75: {  	s9 =	simm.s32 $0xA100  }
0x76: {  	[tilespmem:s9], [sflag:$0x3] =	stream.indirect_vreg.gather [hbm4b:s1+s3], $0x80, v4, vm0, $0xb8;
	[tilespmem:$0x1C100] =	vst v63  }
0x77: {  	s14 =	simm.s32 $0xA900  }
0x78: {  	[tilespmem:s14], [sflag:$0x3] =	stream.indirect_vreg.gather [hbm4b:s10+s3], $0x80, v4, vm0, $0xb8;
	[tilespmem:$0x1C100] =	vst v63  }
0x79: {  	s16 =	simm.s32 $0xB100  }
0x7a: {  	[tilespmem:s16], [sflag:$0x3] =	stream.indirect_vreg.gather [hbm4b:s11+s3], $0x80, v4, vm0, $0xb8;
	[tilespmem:$0x1C100] =	vst v63  }
0x7b: {  	s17 =	simm.s32 $0xB900  }
0x7c: {  	[tilespmem:s17], [sflag:$0x3] =	stream.indirect_vreg.gather [hbm4b:s12+s3], $0x80, v4, vm0, $0xb8;
	[tilespmem:$0x1C100] =	vst v63  }
0x7d: {  	v4 =	vld [tilespmem:$0xC0];
	_ =	sdelay $0x4  }
0x7e: {  	v5 =	vshll.u32 v4, $0x3  }
0x7f: {  	v4 =	vand.u32 $0x7, v4;
	v5 =	vand.u32 $0xFFFFFFC0, v5  }
0x80: {  	v4 =	vor.u32 v4, v5  }
0x81: {  	v5 =	vperm.xlane v4, v0;
	_ =	sdelay $0x1  }
0x82: {  	v5 =	vadd.s32 v1, v5;
	_ =	sdelay $0x4  }
0x83: {  	[tilespmem:s30], [sflag:$0x4] =	stream.indirect_vreg.gather [hbm4b:s1+s3], $0x80, v5, vm0, $0xb8;
	[tilespmem:$0x1C100] =	vst v63  }
0x84: {  	s18 =	simm.s32 $0xC900;
	v4 =	vperm.xlane v4, v2  }
0x85: {  	[tilespmem:s18], [sflag:$0x4] =	stream.indirect_vreg.gather [hbm4b:s10+s3], $0x80, v5, vm0, $0xb8;
	[tilespmem:$0x1C100] =	vst v63  }
0x86: {  	s19 =	simm.s32 $0xD100;
	v4 =	vadd.s32 v1, v4  }
0x87: {  	[tilespmem:s19], [sflag:$0x4] =	stream.indirect_vreg.gather [hbm4b:s11+s3], $0x80, v5, vm0, $0xb8;
	[tilespmem:$0x1C100] =	vst v63  }
0x88: {  	s20 =	simm.s32 $0xD900  }
0x89: {  	[tilespmem:s20], [sflag:$0x4] =	stream.indirect_vreg.gather [hbm4b:s12+s3], $0x80, v5, vm0, $0xb8;
	[tilespmem:$0x1C100] =	vst v63  }
0x8a: {  	s23 =	simm.s32 $0xE100  }
0x8b: {  	[tilespmem:s23], [sflag:$0x4] =	stream.indirect_vreg.gather [hbm4b:s1+s3], $0x80, v4, vm0, $0xb8;
	[tilespmem:$0x1C100] =	vst v63  }
0x8c: {  	s29 =	simm.s32 $0xE900  }
0x8d: {  	[tilespmem:s29], [sflag:$0x4] =	stream.indirect_vreg.gather [hbm4b:s10+s3], $0x80, v4, vm0, $0xb8;
	[tilespmem:$0x1C100] =	vst v63  }
0x8e: {  	s9 =	simm.s32 $0xF100  }
0x8f: {  	[tilespmem:s9], [sflag:$0x4] =	stream.indirect_vreg.gather [hbm4b:s11+s3], $0x80, v4, vm0, $0xb8;
	[tilespmem:$0x1C100] =	vst v63  }
0x90: {  	s14 =	simm.s32 $0xF900  }
0x91: {  	[tilespmem:s14], [sflag:$0x4] =	stream.indirect_vreg.gather [hbm4b:s12+s3], $0x80, v4, vm0, $0xb8;
	[tilespmem:$0x1C100] =	vst v63  }
0x92: {  	v4 =	vld [tilespmem:$0x10];
	_ =	sdelay $0x4  }
0x93: {  	v5 =	vshll.u32 v4, $0x3  }
0x94: {  	v4 =	vand.u32 $0x7, v4;
	v5 =	vand.u32 $0xFFFFFFC0, v5  }
0x95: {  	v4 =	vor.u32 v4, v5  }
0x96: {  	v5 =	vperm.xlane v4, v0;
	_ =	sdelay $0x1  }
0x97: {  	v5 =	vadd.s32 v1, v5;
	_ =	sdelay $0x4  }
0x98: {  	[tilespmem:s15], [sflag:$0x5] =	stream.indirect_vreg.gather [hbm4b:s1+s3], $0x80, v5, vm0, $0xb8;
	[tilespmem:$0x1C100] =	vst v63  }
0x99: {  	v4 =	vperm.xlane v4, v2;
	s15 =	simm.s32 $0x10900  }
0x9a: {  	[tilespmem:s15], [sflag:$0x5] =	stream.indirect_vreg.gather [hbm4b:s10+s3], $0x80, v5, vm0, $0xb8;
	[tilespmem:$0x1C100] =	vst v63  }
0x9b: {  	s16 =	simm.s32 $0x11100;
	v4 =	vadd.s32 v1, v4  }
0x9c: {  	[tilespmem:s16], [sflag:$0x5] =	stream.indirect_vreg.gather [hbm4b:s11+s3], $0x80, v5, vm0, $0xb8;
	[tilespmem:$0x1C100] =	vst v63  }
0x9d: {  	s17 =	simm.s32 $0x11900  }
0x9e: {  	[tilespmem:s17], [sflag:$0x5] =	stream.indirect_vreg.gather [hbm4b:s12+s3], $0x80, v5, vm0, $0xb8;
	[tilespmem:$0x1C100] =	vst v63  }
0x9f: {  	s18 =	simm.s32 $0x12100  }
0xa0: {  	[tilespmem:s18], [sflag:$0x5] =	stream.indirect_vreg.gather [hbm4b:s1+s3], $0x80, v4, vm0, $0xb8;
	[tilespmem:$0x1C100] =	vst v63  }
0xa1: {  	s19 =	simm.s32 $0x12900  }
0xa2: {  	[tilespmem:s19], [sflag:$0x5] =	stream.indirect_vreg.gather [hbm4b:s10+s3], $0x80, v4, vm0, $0xb8;
	[tilespmem:$0x1C100] =	vst v63  }
0xa3: {  	s20 =	simm.s32 $0x13100  }
0xa4: {  	[tilespmem:s20], [sflag:$0x5] =	stream.indirect_vreg.gather [hbm4b:s11+s3], $0x80, v4, vm0, $0xb8;
	[tilespmem:$0x1C100] =	vst v63  }
0xa5: {  	s23 =	simm.s32 $0x13900;
	s29 =	simm.s32 $0xB  }
0xa6: {  	[tilespmem:s23], [sflag:$0x5] =	stream.indirect_vreg.gather [hbm4b:s12+s3], $0x80, v4, vm0, $0xb8;
	[tilespmem:$0x1C100] =	vst v63  }
0xa7: {  	_ =	swait.ge [sflag:s29], $0x4000  }
0xa8: {  	[sflag:s29] =	ssyncset.done $0x0  }
0xa9: {  	[sflag:s29] =	ssyncadd.s32 $0xFFFFC000  }
0xaa: {  	_ =	swait.ge [sflag:s2], $0x4000  }
0xab: {  	[sflag:s2] =	ssyncset.done $0x0  }
0xac: {  	[sflag:s2] =	ssyncadd.s32 $0xFFFFC000  }
0xad: {  	_ =	swait.ge [sflag:s4], $0x4000  }
0xae: {  	[sflag:s4] =	ssyncset.done $0x0  }
0xaf: {  	[sflag:s4] =	ssyncadd.s32 $0xFFFFC000  }
0xb0: {  	s28 =	simm.s32 $0x14140;
	s30 =	simm.s32 $0x10100;
	v4 =	vld [tilespmem:$0x0]  }
0xb1: {  	s9 =	simm.s32 $0x0;
	s14 =	simm.s32 $0x0;
	s15 =	simm.s32 $0x0;
	v5 =	vld [tilespmem:$0x40]  }
.LBB2_2:
0xb2: {  	v11 =	vld [tilespmem:s28+$0x30]  }
0xb3: {  	v17 =	vld [tilespmem:s28+$0xFFFFFFD0]  }
0xb4: {  	s16 =	sshll.u32 s14, $0x2;
	s17 =	sand.u32 $0x7, s9;
	v18 =	vld [tilespmem:s28+$0xFFFFFFE0]  }
0xb5: {  	v19 =	vld [tilespmem:s28+$0xFFFFFFF0];
	s16 =	sand.u32 $0xFFFF8000, s16;
	s17 =	sshll.u32 s17, $0x9  }
0xb6: {  	v20 =	vld [tilespmem:s28+$0x0];
	s16 =	sor.u32 s17, s16  }
0xb7: {  	v21 =	vld [tilespmem:s28+$0x10];
	s19 =	sadd.s32 $0x80, s28;
	s16 =	sshrl.u32 s16, $0x2  }
0xb8: {  	v26 =	vld [tilespmem:s19+$0x30];
	s20 =	sadd.s32 $0x140, s16  }
0xb9: {  	v7 =	vld [tilespmem:s20+$0x30]  }
0xba: {  	v6 =	vmov s15;
	v10 =	vld [tilespmem:s20+$0xFFFFFFC0]  }
0xbb: {  	v6 =	vand.u32 $0xF, v6;
	v8 =	vld [tilespmem:s20+$0xFFFFFFD0]  }
0xbc: {  	v9 =	vbroadcast v6, $0x0;
	v12 =	vld [tilespmem:s20+$0xFFFFFFE0]  }
0xbd: {  	v13 =	vld [tilespmem:s20+$0xFFFFFFF0]  }
0xbe: {  	v6 =	vperm.xlane v4, v9;
	v14 =	vld [tilespmem:s20+$0x0]  }
0xbf: {  	v15 =	vld [tilespmem:s20+$0x10]  }
0xc0: {  	v16 =	vld [tilespmem:s20+$0x20];
	s18 =	sadd.s32 $0x400, s20;
	vm1 =	veq.s32 v6, $0x0  }
0xc1: {  	v25 =	vld [tilespmem:s18+$0xFFFFFFC0];
	v6 =	vsel vm1, $0x0, v3  }
0xc2: {  	v27 =	vld [tilespmem:s18+$0xFFFFFFD0];
	v7 =	vmul.f32 v7, v6  }
0xc3: {  	v28 =	vld [tilespmem:s18+$0xFFFFFFE0];
	v13 =	vmul.f32 v13, v6  }
0xc4: {  	v29 =	vld [tilespmem:s18+$0xFFFFFFF0];
	v12 =	vmul.f32 v12, v6;
	v7 =	vadd.f32 v7, v11  }
0xc5: {  	v30 =	vld [tilespmem:s18+$0x10];
	v13 =	vadd.f32 v13, v19  }
0xc6: {  	v8 =	vmul.f32 v8, v6;
	v12 =	vadd.f32 v12, v18;
	[tilespmem:s20+$0x30] =	vst v7;
	v7 =	vld [tilespmem:s28+$0x20]  }
0xc7: {  	s16 =	sadd.s32 $0x4140, s16;
	v14 =	vmul.f32 v14, v6;
	[tilespmem:s20+$0xFFFFFFF0] =	vst v13;
	v13 =	vld [tilespmem:s18+$0x30]  }
0xc8: {  	v23 =	vadd.f32 v8, v17;
	[tilespmem:s20+$0xFFFFFFE0] =	vst v12;
	v22 =	vld [tilespmem:s16+$0x30]  }
0xc9: {  	v9 =	vperm.xlane v5, v9;
	v15 =	vmul.f32 v15, v6;
	v12 =	vadd.f32 v14, v20;
	v14 =	vld [tilespmem:s16+$0xFFFFFFE0]  }
0xca: {  	v8 =	vld [tilespmem:s28+$0xFFFFFFC0];
	[tilespmem:s20+$0xFFFFFFD0] =	vst v23  }
0xcb: {  	vm1 =	veq.s32 v9, $0x0;
	v16 =	vmul.f32 v16, v6;
	v15 =	vadd.f32 v15, v21;
	v23 =	vld [tilespmem:s16+$0xFFFFFFD0]  }
0xcc: {  	v9 =	vsel vm1, $0x0, v3;
	v24 =	vld [tilespmem:s16+$0xFFFFFFF0];
	[tilespmem:s20+$0x0] =	vst v12;
	v13 =	vmul.f32 v13, v6  }
0xcd: {  	[tilespmem:s20+$0x10] =	vst v15;
	v12 =	vld [tilespmem:s16+$0x0];
	v16 =	vadd.f32 v16, v7;
	v22 =	vmul.f32 v22, v9  }
0xce: {  	v15 =	vld [tilespmem:s16+$0x10];
	v14 =	vmul.f32 v14, v9;
	v13 =	vadd.f32 v13, v26  }
0xcf: {  	v10 =	vmul.f32 v10, v6;
	[tilespmem:s20+$0x20] =	vst v16;
	v11 =	vadd.f32 v22, v11;
	v22 =	vld [tilespmem:s18+$0x0]  }
0xd0: {  	v16 =	vadd.f32 v14, v18;
	v14 =	vld [tilespmem:s19+$0xFFFFFFE0];
	[tilespmem:s18+$0x30] =	vst v13  }
0xd1: {  	v10 =	vadd.f32 v10, v8;
	v13 =	vld [tilespmem:s19+$0xFFFFFFD0];
	[tilespmem:s16+$0x30] =	vst v11;
	v11 =	vmul.f32 v23, v9  }
0xd2: {  	s17 =	sadd.s32 $0x400, s16;
	v12 =	vmul.f32 v12, v9;
	v23 =	vld [tilespmem:s18+$0x20]  }
0xd3: {  	[tilespmem:s20+$0xFFFFFFC0] =	vst v10;
	v10 =	vadd.f32 v11, v17;
	v11 =	vmul.f32 v24, v9;
	v17 =	vld [tilespmem:s17+$0x30]  }
0xd4: {  	v15 =	vmul.f32 v15, v9;
	[tilespmem:s16+$0xFFFFFFE0] =	vst v16;
	v16 =	vadd.f32 v12, v20;
	v12 =	vld [tilespmem:s19+$0x0]  }
0xd5: {  	v18 =	vmul.f32 v27, v6;
	[tilespmem:s16+$0xFFFFFFD0] =	vst v10;
	v10 =	vadd.f32 v11, v19;
	v11 =	vld [tilespmem:s19+$0xFFFFFFF0]  }
0xd6: {  	v20 =	vmul.f32 v28, v6;
	[tilespmem:s16+$0x0] =	vst v16;
	v16 =	vld [tilespmem:s19+$0xFFFFFFC0];
	v19 =	vadd.f32 v15, v21  }
0xd7: {  	v18 =	vadd.f32 v18, v13;
	v21 =	vmul.f32 v22, v6;
	[tilespmem:s16+$0xFFFFFFF0] =	vst v10;
	v10 =	vld [tilespmem:s19+$0x10]  }
0xd8: {  	v20 =	vadd.f32 v20, v14;
	v15 =	vld [tilespmem:s19+$0x20];
	[tilespmem:s16+$0x10] =	vst v19;
	v19 =	vmul.f32 v29, v6;
	v17 =	vmul.f32 v17, v9  }
0xd9: {  	v24 =	vmul.f32 v25, v6;
	[tilespmem:s18+$0xFFFFFFD0] =	vst v18;
	v18 =	vld [tilespmem:s16+$0xFFFFFFC0];
	v25 =	vadd.f32 v21, v12  }
0xda: {  	v22 =	vmul.f32 v30, v6;
	[tilespmem:s18+$0xFFFFFFE0] =	vst v20;
	v17 =	vadd.f32 v17, v26;
	v19 =	vadd.f32 v19, v11;
	v26 =	vld [tilespmem:s17+$0xFFFFFFD0]  }
0xdb: {  	v21 =	vld [tilespmem:s17+$0xFFFFFFE0];
	[tilespmem:s18+$0x0] =	vst v25  }
0xdc: {  	v20 =	vld [tilespmem:s16+$0x20];
	v23 =	vmul.f32 v23, v6;
	v22 =	vadd.f32 v22, v10;
	[tilespmem:s18+$0xFFFFFFF0] =	vst v19  }
0xdd: {  	v27 =	vadd.f32 v24, v16;
	[tilespmem:s17+$0x30] =	vst v17;
	v19 =	vld [tilespmem:s17+$0xFFFFFFF0]  }
0xde: {  	v17 =	vld [tilespmem:s17+$0x0];
	v24 =	vmul.f32 v18, v9;
	[tilespmem:s18+$0x10] =	vst v22;
	v22 =	vadd.f32 v23, v15  }
0xdf: {  	s29 =	sadd.s32 $0x400, s18;
	s20 =	simm.s32 $0x8;
	[tilespmem:s18+$0xFFFFFFC0] =	vst v27;
	v23 =	vmul.f32 v26, v9;
	v18 =	vld [tilespmem:s17+$0x10]  }
.LBB2_3:
0xe0: {  	v25 =	vld [tilespmem:s29+$0x30];
	s20 =	sadd.s32 $0x8, s20;
	v21 =	vmul.f32 v21, v9;
	[tilespmem:s18+$0x20] =	vst v22;
	v22 =	vadd.f32 v24, v8;
	v8 =	vmov v16;
	s18 =	smov.u32 s29  }
0xe1: {  	s19 =	sadd.s32 $0x80, s19;
	v16 =	vld [tilespmem:s29+$0xFFFFFFC0];
	p0 =	slt.u32 s20, $0x38;
	v13 =	vadd.f32 v23, v13;
	v20 =	vmul.f32 v20, v9  }
0xe2: {  	v23 =	vld [tilespmem:s19+$0x30];
	v14 =	vadd.f32 v21, v14;
	v19 =	vmul.f32 v19, v9;
	[tilespmem:s16+$0xFFFFFFC0] =	vst v22  }
0xe3: {  	v21 =	vld [tilespmem:s29+$0xFFFFFFD0];
	[tilespmem:s17+$0xFFFFFFD0] =	vst v13;
	v13 =	vmul.f32 v17, v9;
	v17 =	vadd.f32 v20, v7;
	v7 =	vmov v15  }
0xe4: {  	v15 =	vld [tilespmem:s29+$0xFFFFFFE0];
	[tilespmem:s17+$0xFFFFFFE0] =	vst v14;
	v11 =	vadd.f32 v19, v11;
	v14 =	vmul.f32 v18, v9  }
0xe5: {  	v18 =	vld [tilespmem:s29+$0xFFFFFFF0];
	v19 =	vmul.f32 v25, v6;
	v12 =	vadd.f32 v13, v12;
	[tilespmem:s16+$0x20] =	vst v17;
	s16 =	smov.u32 s17  }
0xe6: {  	v17 =	vmul.f32 v16, v6;
	v16 =	vld [tilespmem:s29+$0x0];
	[tilespmem:s17+$0xFFFFFFF0] =	vst v11;
	v10 =	vadd.f32 v14, v10  }
0xe7: {  	v20 =	vld [tilespmem:s29+$0x10];
	v11 =	vadd.f32 v19, v23;
	[tilespmem:s17+$0x0] =	vst v12  }
0xe8: {  	v19 =	vmul.f32 v21, v6;
	v21 =	vld [tilespmem:s29+$0x20];
	[tilespmem:s17+$0x10] =	vst v10  }
0xe9: {  	s17 =	sadd.s32 $0x400, s17;
	v13 =	vld [tilespmem:s19+$0xFFFFFFD0];
	v22 =	vmul.f32 v15, v6;
	[tilespmem:s29+$0x30] =	vst v11  }
0xea: {  	v18 =	vmul.f32 v18, v6;
	v24 =	vld [tilespmem:s17+$0x30]  }
0xeb: {  	v14 =	vld [tilespmem:s19+$0xFFFFFFE0];
	v25 =	vmul.f32 v16, v6  }
0xec: {  	v11 =	vld [tilespmem:s19+$0xFFFFFFF0];
	v20 =	vmul.f32 v20, v6  }
0xed: {  	v12 =	vld [tilespmem:s19+$0x0];
	v26 =	vmul.f32 v21, v6  }
0xee: {  	v19 =	vadd.f32 v19, v13;
	v10 =	vld [tilespmem:s19+$0x10]  }
0xef: {  	v15 =	vld [tilespmem:s19+$0x20];
	v21 =	vmul.f32 v24, v9  }
0xf0: {  	v16 =	vld [tilespmem:s19+$0xFFFFFFC0];
	[tilespmem:s29+$0xFFFFFFD0] =	vst v19;
	v19 =	vadd.f32 v22, v14  }
0xf1: {  	v18 =	vadd.f32 v18, v11;
	v22 =	vadd.f32 v21, v23;
	v23 =	vld [tilespmem:s16+$0xFFFFFFC0]  }
0xf2: {  	v27 =	vld [tilespmem:s17+$0xFFFFFFD0];
	[tilespmem:s29+$0xFFFFFFE0] =	vst v19;
	v24 =	vadd.f32 v25, v12  }
.Ltmp0:
0xf3: {  	v21 =	vld [tilespmem:s17+$0xFFFFFFE0];
	v25 =	vadd.f32 v20, v10;
	[tilespmem:s17+$0x30] =	vst v22;
	(pc) =	sbr.rel @p0 .LBB2_3-.Ltmp0, $4  }
0xf4: {  	[tilespmem:s29+$0xFFFFFFF0] =	vst v18;
	v22 =	vadd.f32 v26, v15;
	v20 =	vld [tilespmem:s16+$0x20]  }
0xf5: {  	v18 =	vadd.f32 v17, v16;
	v19 =	vld [tilespmem:s17+$0xFFFFFFF0];
	[tilespmem:s29+$0x0] =	vst v24  }
0xf6: {  	v17 =	vld [tilespmem:s17+$0x0];
	[tilespmem:s29+$0x10] =	vst v25;
	v24 =	vmul.f32 v23, v9  }
0xf7: {  	s29 =	sadd.s32 $0x400, s29;
	[tilespmem:s18+$0xFFFFFFC0] =	vst v18;
	v23 =	vmul.f32 v27, v9;
	v18 =	vld [tilespmem:s17+$0x10]  }
0xf8: {  	v6 =	vmul.f32 v21, v9;
	[tilespmem:s18+$0x20] =	vst v22;
	v8 =	vadd.f32 v24, v8;
	v59 =	vld [tilespmem:s17+$0xFFFFFFC0]  }
0xf9: {  	v13 =	vadd.f32 v23, v13;
	v20 =	vmul.f32 v20, v9;
	v22 =	vld [tilespmem:s17+$0x20]  }
0xfa: {  	v6 =	vadd.f32 v6, v14;
	v60 =	vmul.f32 v19, v9;
	[tilespmem:s16+$0xFFFFFFC0] =	vst v8  }
0xfb: {  	[tilespmem:s17+$0xFFFFFFD0] =	vst v13;
	v61 =	vmul.f32 v17, v9;
	v7 =	vadd.f32 v20, v7  }
0xfc: {  	s15 =	sadd.s32 $0x1, s15;
	[tilespmem:s17+$0xFFFFFFE0] =	vst v6;
	v6 =	vadd.f32 v60, v11;
	v62 =	vmul.f32 v18, v9  }
0xfd: {  	p0 =	sne.s32 s15, $0x10;
	v8 =	vadd.f32 v61, v12;
	[tilespmem:s16+$0x20] =	vst v7;
	v7 =	vmul.f32 v59, v9  }
.Ltmp1:
0xfe: {  	[tilespmem:s17+$0xFFFFFFF0] =	vst v6;
	v6 =	vadd.f32 v62, v10;
	v63 =	vmul.f32 v22, v9;
	(pc) =	sbr.rel @p0 .LBB2_2-.Ltmp1, $4  }
0xff: {  	[tilespmem:s17+$0x0] =	vst v8;
	v7 =	vadd.f32 v7, v16  }
0x100: {  	[tilespmem:s17+$0x10] =	vst v6;
	v6 =	vadd.f32 v63, v15  }
0x101: {  	[tilespmem:s17+$0xFFFFFFC0] =	vst v7  }
0x102: {  	s28 =	sadd.s32 $0x400, s28;
	s14 =	sadd.s32 $0x400, s14;
	s9 =	sadd.s32 $0x1, s9;
	[tilespmem:s17+$0x20] =	vst v6  }
0x103: {  	s28 =	simm.s32 $0x0;
	s9 =	rddreg [dreg:$0xb]  }
0x104: {  	[hbm4b:s9+s28] =	stream.linear.scatter [tilespmem:s8], [sflag:$0x6], $0x4000, $0x38;
	[tilespmem:$0x1C100] =	vst v63  }
0x105: {  	s17 =	rddreg [dreg:$0xc];
	s14 =	simm.s32 $0x4100  }
0x106: {  	[hbm4b:s17+s28] =	stream.linear.scatter [tilespmem:s14], [sflag:$0x7], $0x4000, $0x38;
	[tilespmem:$0x1C100] =	vst v63  }
0x107: {  	_ =	swait.ge [sflag:s31], $0x4000  }
0x108: {  	[sflag:s31] =	ssyncset.done $0x0  }
0x109: {  	[sflag:s31] =	ssyncadd.s32 $0xFFFFC000  }
0x10a: {  	v4 =	vld [tilespmem:$0x50];
	_ =	sdelay $0x4  }
0x10b: {  	v5 =	vshll.u32 v4, $0x3  }
0x10c: {  	v4 =	vand.u32 $0x7, v4;
	v5 =	vand.u32 $0xFFFFFFC0, v5  }
0x10d: {  	v4 =	vor.u32 v4, v5  }
0x10e: {  	v5 =	vperm.xlane v4, v0;
	_ =	sdelay $0x1  }
0x10f: {  	v5 =	vadd.s32 v1, v5;
	_ =	sdelay $0x4  }
0x110: {  	[tilespmem:s8], [sflag:$0x1] =	stream.indirect_vreg.gather [hbm4b:s1+s28], $0x80, v5, vm0, $0xb8;
	[tilespmem:$0x1C100] =	vst v63  }
0x111: {  	s18 =	simm.s32 $0x900;
	v4 =	vperm.xlane v4, v2  }
0x112: {  	[tilespmem:s18], [sflag:$0x1] =	stream.indirect_vreg.gather [hbm4b:s10+s28], $0x80, v5, vm0, $0xb8;
	[tilespmem:$0x1C100] =	vst v63  }
0x113: {  	s19 =	simm.s32 $0x1100;
	v4 =	vadd.s32 v1, v4  }
0x114: {  	[tilespmem:s19], [sflag:$0x1] =	stream.indirect_vreg.gather [hbm4b:s11+s28], $0x80, v5, vm0, $0xb8;
	[tilespmem:$0x1C100] =	vst v63  }
0x115: {  	s20 =	simm.s32 $0x1900  }
0x116: {  	[tilespmem:s20], [sflag:$0x1] =	stream.indirect_vreg.gather [hbm4b:s12+s28], $0x80, v5, vm0, $0xb8;
	[tilespmem:$0x1C100] =	vst v63  }
0x117: {  	s23 =	simm.s32 $0x2100  }
0x118: {  	[tilespmem:s23], [sflag:$0x1] =	stream.indirect_vreg.gather [hbm4b:s1+s28], $0x80, v4, vm0, $0xb8;
	[tilespmem:$0x1C100] =	vst v63  }
0x119: {  	s29 =	simm.s32 $0x2900  }
0x11a: {  	[tilespmem:s29], [sflag:$0x1] =	stream.indirect_vreg.gather [hbm4b:s10+s28], $0x80, v4, vm0, $0xb8;
	[tilespmem:$0x1C100] =	vst v63  }
0x11b: {  	s6 =	simm.s32 $0x3100  }
0x11c: {  	[tilespmem:s6], [sflag:$0x1] =	stream.indirect_vreg.gather [hbm4b:s11+s28], $0x80, v4, vm0, $0xb8;
	[tilespmem:$0x1C100] =	vst v63  }
0x11d: {  	s15 =	simm.s32 $0x3900  }
0x11e: {  	[tilespmem:s15], [sflag:$0x1] =	stream.indirect_vreg.gather [hbm4b:s12+s28], $0x80, v4, vm0, $0xb8;
	[tilespmem:$0x1C100] =	vst v63  }
0x11f: {  	_ =	swait.ge [sflag:s0], $0x4000  }
0x120: {  	[sflag:s0] =	ssyncset.done $0x0  }
0x121: {  	[sflag:s0] =	ssyncadd.s32 $0xFFFFC000  }
0x122: {  	v4 =	vld [tilespmem:$0x90];
	_ =	sdelay $0x4  }
0x123: {  	v5 =	vshll.u32 v4, $0x3  }
0x124: {  	v4 =	vand.u32 $0x7, v4;
	v5 =	vand.u32 $0xFFFFFFC0, v5  }
0x125: {  	v4 =	vor.u32 v4, v5  }
0x126: {  	v5 =	vperm.xlane v4, v0;
	_ =	sdelay $0x1  }
0x127: {  	v5 =	vadd.s32 v1, v5;
	_ =	sdelay $0x4  }
0x128: {  	[tilespmem:s14], [sflag:$0x2] =	stream.indirect_vreg.gather [hbm4b:s1+s28], $0x80, v5, vm0, $0xb8;
	[tilespmem:$0x1C100] =	vst v63  }
0x129: {  	s16 =	simm.s32 $0x4900;
	v4 =	vperm.xlane v4, v2  }
0x12a: {  	[tilespmem:s16], [sflag:$0x2] =	stream.indirect_vreg.gather [hbm4b:s10+s28], $0x80, v5, vm0, $0xb8;
	[tilespmem:$0x1C100] =	vst v63  }
0x12b: {  	s17 =	simm.s32 $0x5100;
	v4 =	vadd.s32 v1, v4  }
0x12c: {  	[tilespmem:s17], [sflag:$0x2] =	stream.indirect_vreg.gather [hbm4b:s11+s28], $0x80, v5, vm0, $0xb8;
	[tilespmem:$0x1C100] =	vst v63  }
0x12d: {  	s18 =	simm.s32 $0x5900  }
0x12e: {  	[tilespmem:s18], [sflag:$0x2] =	stream.indirect_vreg.gather [hbm4b:s12+s28], $0x80, v5, vm0, $0xb8;
	[tilespmem:$0x1C100] =	vst v63  }
0x12f: {  	s19 =	simm.s32 $0x6100  }
0x130: {  	[tilespmem:s19], [sflag:$0x2] =	stream.indirect_vreg.gather [hbm4b:s1+s28], $0x80, v4, vm0, $0xb8;
	[tilespmem:$0x1C100] =	vst v63  }
0x131: {  	s20 =	simm.s32 $0x6900  }
0x132: {  	[tilespmem:s20], [sflag:$0x2] =	stream.indirect_vreg.gather [hbm4b:s10+s28], $0x80, v4, vm0, $0xb8;
	[tilespmem:$0x1C100] =	vst v63  }
0x133: {  	s23 =	simm.s32 $0x7100  }
0x134: {  	[tilespmem:s23], [sflag:$0x2] =	stream.indirect_vreg.gather [hbm4b:s11+s28], $0x80, v4, vm0, $0xb8;
	[tilespmem:$0x1C100] =	vst v63  }
0x135: {  	s29 =	simm.s32 $0x7900  }
0x136: {  	[tilespmem:s29], [sflag:$0x2] =	stream.indirect_vreg.gather [hbm4b:s12+s28], $0x80, v4, vm0, $0xb8;
	[tilespmem:$0x1C100] =	vst v63  }
0x137: {  	_ =	swait.ge [sflag:s5], $0x4000  }
0x138: {  	[sflag:s5] =	ssyncset.done $0x0  }
0x139: {  	[sflag:s5] =	ssyncadd.s32 $0xFFFFC000  }
0x13a: {  	_ =	swait.ge [sflag:s7], $0x4000  }
0x13b: {  	[sflag:s7] =	ssyncset.done $0x0  }
0x13c: {  	[sflag:s7] =	ssyncadd.s32 $0xFFFFC000  }
0x13d: {  	v4 =	vld [tilespmem:$0x80]  }
0x13e: {  	s9 =	simm.s32 $0x14140;
	s15 =	simm.s32 $0x0;
	s14 =	simm.s32 $0x0;
	v5 =	vld [tilespmem:$0xC0]  }
.LBB2_6:
0x13f: {  	v11 =	vld [tilespmem:s9+$0x30]  }
0x140: {  	v17 =	vld [tilespmem:s9+$0xFFFFFFD0]  }
0x141: {  	s16 =	sshll.u32 s14, $0x2;
	s17 =	sand.u32 $0x7, s28;
	v18 =	vld [tilespmem:s9+$0xFFFFFFE0]  }
0x142: {  	v19 =	vld [tilespmem:s9+$0xFFFFFFF0];
	s16 =	sand.u32 $0xFFFF8000, s16;
	s17 =	sshll.u32 s17, $0x9  }
0x143: {  	v20 =	vld [tilespmem:s9+$0x0];
	s16 =	sor.u32 s17, s16  }
0x144: {  	v21 =	vld [tilespmem:s9+$0x10];
	s19 =	sadd.s32 $0x80, s9;
	s16 =	sshrl.u32 s16, $0x2  }
0x145: {  	v26 =	vld [tilespmem:s19+$0x30];
	s20 =	sadd.s32 $0x8140, s16  }
0x146: {  	v7 =	vld [tilespmem:s20+$0x30]  }
0x147: {  	v6 =	vmov s15;
	v10 =	vld [tilespmem:s20+$0xFFFFFFC0]  }
0x148: {  	v6 =	vand.u32 $0xF, v6;
	v8 =	vld [tilespmem:s20+$0xFFFFFFD0]  }
0x149: {  	v9 =	vbroadcast v6, $0x0;
	v12 =	vld [tilespmem:s20+$0xFFFFFFE0]  }
0x14a: {  	v13 =	vld [tilespmem:s20+$0xFFFFFFF0]  }
0x14b: {  	v6 =	vperm.xlane v4, v9;
	v14 =	vld [tilespmem:s20+$0x0]  }
0x14c: {  	v15 =	vld [tilespmem:s20+$0x10]  }
0x14d: {  	v16 =	vld [tilespmem:s20+$0x20];
	s18 =	sadd.s32 $0x400, s20;
	vm1 =	veq.s32 v6, $0x0  }
0x14e: {  	v25 =	vld [tilespmem:s18+$0xFFFFFFC0];
	v6 =	vsel vm1, $0x0, v3  }
0x14f: {  	v27 =	vld [tilespmem:s18+$0xFFFFFFD0];
	v7 =	vmul.f32 v7, v6  }
0x150: {  	v28 =	vld [tilespmem:s18+$0xFFFFFFE0];
	v13 =	vmul.f32 v13, v6  }
0x151: {  	v29 =	vld [tilespmem:s18+$0xFFFFFFF0];
	v12 =	vmul.f32 v12, v6;
	v7 =	vadd.f32 v7, v11  }
0x152: {  	v30 =	vld [tilespmem:s18+$0x10];
	v13 =	vadd.f32 v13, v19  }
0x153: {  	v8 =	vmul.f32 v8, v6;
	v12 =	vadd.f32 v12, v18;
	[tilespmem:s20+$0x30] =	vst v7;
	v7 =	vld [tilespmem:s9+$0x20]  }
0x154: {  	s16 =	sadd.s32 $0xC140, s16;
	v14 =	vmul.f32 v14, v6;
	[tilespmem:s20+$0xFFFFFFF0] =	vst v13;
	v13 =	vld [tilespmem:s18+$0x30]  }
0x155: {  	v23 =	vadd.f32 v8, v17;
	[tilespmem:s20+$0xFFFFFFE0] =	vst v12;
	v22 =	vld [tilespmem:s16+$0x30]  }
0x156: {  	v9 =	vperm.xlane v5, v9;
	v15 =	vmul.f32 v15, v6;
	v12 =	vadd.f32 v14, v20;
	v14 =	vld [tilespmem:s16+$0xFFFFFFE0]  }
0x157: {  	v8 =	vld [tilespmem:s9+$0xFFFFFFC0];
	[tilespmem:s20+$0xFFFFFFD0] =	vst v23  }
0x158: {  	vm1 =	veq.s32 v9, $0x0;
	v16 =	vmul.f32 v16, v6;
	v15 =	vadd.f32 v15, v21;
	v23 =	vld [tilespmem:s16+$0xFFFFFFD0]  }
0x159: {  	v9 =	vsel vm1, $0x0, v3;
	v24 =	vld [tilespmem:s16+$0xFFFFFFF0];
	[tilespmem:s20+$0x0] =	vst v12;
	v13 =	vmul.f32 v13, v6  }
0x15a: {  	[tilespmem:s20+$0x10] =	vst v15;
	v12 =	vld [tilespmem:s16+$0x0];
	v16 =	vadd.f32 v16, v7;
	v22 =	vmul.f32 v22, v9  }
0x15b: {  	v15 =	vld [tilespmem:s16+$0x10];
	v14 =	vmul.f32 v14, v9;
	v13 =	vadd.f32 v13, v26  }
0x15c: {  	v10 =	vmul.f32 v10, v6;
	[tilespmem:s20+$0x20] =	vst v16;
	v11 =	vadd.f32 v22, v11;
	v22 =	vld [tilespmem:s18+$0x0]  }
0x15d: {  	v16 =	vadd.f32 v14, v18;
	v14 =	vld [tilespmem:s19+$0xFFFFFFE0];
	[tilespmem:s18+$0x30] =	vst v13  }
0x15e: {  	v10 =	vadd.f32 v10, v8;
	v13 =	vld [tilespmem:s19+$0xFFFFFFD0];
	[tilespmem:s16+$0x30] =	vst v11;
	v11 =	vmul.f32 v23, v9  }
0x15f: {  	s17 =	sadd.s32 $0x400, s16;
	v12 =	vmul.f32 v12, v9;
	v23 =	vld [tilespmem:s18+$0x20]  }
0x160: {  	[tilespmem:s20+$0xFFFFFFC0] =	vst v10;
	v10 =	vadd.f32 v11, v17;
	v11 =	vmul.f32 v24, v9;
	v17 =	vld [tilespmem:s17+$0x30]  }
0x161: {  	v15 =	vmul.f32 v15, v9;
	[tilespmem:s16+$0xFFFFFFE0] =	vst v16;
	v16 =	vadd.f32 v12, v20;
	v12 =	vld [tilespmem:s19+$0x0]  }
0x162: {  	v18 =	vmul.f32 v27, v6;
	[tilespmem:s16+$0xFFFFFFD0] =	vst v10;
	v10 =	vadd.f32 v11, v19;
	v11 =	vld [tilespmem:s19+$0xFFFFFFF0]  }
0x163: {  	v20 =	vmul.f32 v28, v6;
	[tilespmem:s16+$0x0] =	vst v16;
	v16 =	vld [tilespmem:s19+$0xFFFFFFC0];
	v19 =	vadd.f32 v15, v21  }
0x164: {  	v18 =	vadd.f32 v18, v13;
	v21 =	vmul.f32 v22, v6;
	[tilespmem:s16+$0xFFFFFFF0] =	vst v10;
	v10 =	vld [tilespmem:s19+$0x10]  }
0x165: {  	v20 =	vadd.f32 v20, v14;
	v15 =	vld [tilespmem:s19+$0x20];
	[tilespmem:s16+$0x10] =	vst v19;
	v19 =	vmul.f32 v29, v6;
	v17 =	vmul.f32 v17, v9  }
0x166: {  	v24 =	vmul.f32 v25, v6;
	[tilespmem:s18+$0xFFFFFFD0] =	vst v18;
	v18 =	vld [tilespmem:s16+$0xFFFFFFC0];
	v25 =	vadd.f32 v21, v12  }
0x167: {  	v22 =	vmul.f32 v30, v6;
	[tilespmem:s18+$0xFFFFFFE0] =	vst v20;
	v17 =	vadd.f32 v17, v26;
	v19 =	vadd.f32 v19, v11;
	v26 =	vld [tilespmem:s17+$0xFFFFFFD0]  }
0x168: {  	v21 =	vld [tilespmem:s17+$0xFFFFFFE0];
	[tilespmem:s18+$0x0] =	vst v25  }
0x169: {  	v20 =	vld [tilespmem:s16+$0x20];
	v23 =	vmul.f32 v23, v6;
	v22 =	vadd.f32 v22, v10;
	[tilespmem:s18+$0xFFFFFFF0] =	vst v19  }
0x16a: {  	v27 =	vadd.f32 v24, v16;
	[tilespmem:s17+$0x30] =	vst v17;
	v19 =	vld [tilespmem:s17+$0xFFFFFFF0]  }
0x16b: {  	v17 =	vld [tilespmem:s17+$0x0];
	v24 =	vmul.f32 v18, v9;
	[tilespmem:s18+$0x10] =	vst v22;
	v22 =	vadd.f32 v23, v15  }
0x16c: {  	s29 =	sadd.s32 $0x400, s18;
	s20 =	simm.s32 $0x8;
	[tilespmem:s18+$0xFFFFFFC0] =	vst v27;
	v23 =	vmul.f32 v26, v9;
	v18 =	vld [tilespmem:s17+$0x10]  }
.LBB2_7:
0x16d: {  	v25 =	vld [tilespmem:s29+$0x30];
	s20 =	sadd.s32 $0x8, s20;
	v21 =	vmul.f32 v21, v9;
	[tilespmem:s18+$0x20] =	vst v22;
	v22 =	vadd.f32 v24, v8;
	v8 =	vmov v16;
	s18 =	smov.u32 s29  }
0x16e: {  	s19 =	sadd.s32 $0x80, s19;
	v16 =	vld [tilespmem:s29+$0xFFFFFFC0];
	p0 =	slt.u32 s20, $0x38;
	v13 =	vadd.f32 v23, v13;
	v20 =	vmul.f32 v20, v9  }
0x16f: {  	v23 =	vld [tilespmem:s19+$0x30];
	v14 =	vadd.f32 v21, v14;
	v19 =	vmul.f32 v19, v9;
	[tilespmem:s16+$0xFFFFFFC0] =	vst v22  }
0x170: {  	v21 =	vld [tilespmem:s29+$0xFFFFFFD0];
	[tilespmem:s17+$0xFFFFFFD0] =	vst v13;
	v13 =	vmul.f32 v17, v9;
	v17 =	vadd.f32 v20, v7;
	v7 =	vmov v15  }
0x171: {  	v15 =	vld [tilespmem:s29+$0xFFFFFFE0];
	[tilespmem:s17+$0xFFFFFFE0] =	vst v14;
	v11 =	vadd.f32 v19, v11;
	v14 =	vmul.f32 v18, v9  }
0x172: {  	v18 =	vld [tilespmem:s29+$0xFFFFFFF0];
	v19 =	vmul.f32 v25, v6;
	v12 =	vadd.f32 v13, v12;
	[tilespmem:s16+$0x20] =	vst v17;
	s16 =	smov.u32 s17  }
0x173: {  	v17 =	vmul.f32 v16, v6;
	v16 =	vld [tilespmem:s29+$0x0];
	[tilespmem:s17+$0xFFFFFFF0] =	vst v11;
	v10 =	vadd.f32 v14, v10  }
0x174: {  	v20 =	vld [tilespmem:s29+$0x10];
	v11 =	vadd.f32 v19, v23;
	[tilespmem:s17+$0x0] =	vst v12  }
0x175: {  	v19 =	vmul.f32 v21, v6;
	v21 =	vld [tilespmem:s29+$0x20];
	[tilespmem:s17+$0x10] =	vst v10  }
0x176: {  	s17 =	sadd.s32 $0x400, s17;
	v13 =	vld [tilespmem:s19+$0xFFFFFFD0];
	v22 =	vmul.f32 v15, v6;
	[tilespmem:s29+$0x30] =	vst v11  }
0x177: {  	v18 =	vmul.f32 v18, v6;
	v24 =	vld [tilespmem:s17+$0x30]  }
0x178: {  	v14 =	vld [tilespmem:s19+$0xFFFFFFE0];
	v25 =	vmul.f32 v16, v6  }
0x179: {  	v11 =	vld [tilespmem:s19+$0xFFFFFFF0];
	v20 =	vmul.f32 v20, v6  }
0x17a: {  	v12 =	vld [tilespmem:s19+$0x0];
	v26 =	vmul.f32 v21, v6  }
0x17b: {  	v19 =	vadd.f32 v19, v13;
	v10 =	vld [tilespmem:s19+$0x10]  }
0x17c: {  	v15 =	vld [tilespmem:s19+$0x20];
	v21 =	vmul.f32 v24, v9  }
0x17d: {  	v16 =	vld [tilespmem:s19+$0xFFFFFFC0];
	[tilespmem:s29+$0xFFFFFFD0] =	vst v19;
	v19 =	vadd.f32 v22, v14  }
0x17e: {  	v18 =	vadd.f32 v18, v11;
	v22 =	vadd.f32 v21, v23;
	v23 =	vld [tilespmem:s16+$0xFFFFFFC0]  }
0x17f: {  	v27 =	vld [tilespmem:s17+$0xFFFFFFD0];
	[tilespmem:s29+$0xFFFFFFE0] =	vst v19;
	v24 =	vadd.f32 v25, v12  }
.Ltmp2:
0x180: {  	v21 =	vld [tilespmem:s17+$0xFFFFFFE0];
	v25 =	vadd.f32 v20, v10;
	[tilespmem:s17+$0x30] =	vst v22;
	(pc) =	sbr.rel @p0 .LBB2_7-.Ltmp2, $4  }
0x181: {  	[tilespmem:s29+$0xFFFFFFF0] =	vst v18;
	v22 =	vadd.f32 v26, v15;
	v20 =	vld [tilespmem:s16+$0x20]  }
0x182: {  	v18 =	vadd.f32 v17, v16;
	v19 =	vld [tilespmem:s17+$0xFFFFFFF0];
	[tilespmem:s29+$0x0] =	vst v24  }
0x183: {  	v17 =	vld [tilespmem:s17+$0x0];
	[tilespmem:s29+$0x10] =	vst v25;
	v24 =	vmul.f32 v23, v9  }
0x184: {  	s29 =	sadd.s32 $0x400, s29;
	[tilespmem:s18+$0xFFFFFFC0] =	vst v18;
	v23 =	vmul.f32 v27, v9;
	v18 =	vld [tilespmem:s17+$0x10]  }
0x185: {  	v6 =	vmul.f32 v21, v9;
	[tilespmem:s18+$0x20] =	vst v22;
	v8 =	vadd.f32 v24, v8;
	v59 =	vld [tilespmem:s17+$0xFFFFFFC0]  }
0x186: {  	v13 =	vadd.f32 v23, v13;
	v20 =	vmul.f32 v20, v9;
	v22 =	vld [tilespmem:s17+$0x20]  }
0x187: {  	v6 =	vadd.f32 v6, v14;
	v60 =	vmul.f32 v19, v9;
	[tilespmem:s16+$0xFFFFFFC0] =	vst v8  }
0x188: {  	[tilespmem:s17+$0xFFFFFFD0] =	vst v13;
	v61 =	vmul.f32 v17, v9;
	v7 =	vadd.f32 v20, v7  }
0x189: {  	s15 =	sadd.s32 $0x1, s15;
	[tilespmem:s17+$0xFFFFFFE0] =	vst v6;
	v6 =	vadd.f32 v60, v11;
	v62 =	vmul.f32 v18, v9  }
0x18a: {  	p0 =	sne.s32 s15, $0x10;
	v8 =	vadd.f32 v61, v12;
	[tilespmem:s16+$0x20] =	vst v7;
	v7 =	vmul.f32 v59, v9  }
.Ltmp3:
0x18b: {  	[tilespmem:s17+$0xFFFFFFF0] =	vst v6;
	v6 =	vadd.f32 v62, v10;
	v63 =	vmul.f32 v22, v9;
	(pc) =	sbr.rel @p0 .LBB2_6-.Ltmp3, $4  }
0x18c: {  	[tilespmem:s17+$0x0] =	vst v8;
	v7 =	vadd.f32 v7, v16  }
0x18d: {  	[tilespmem:s17+$0x10] =	vst v6;
	v6 =	vadd.f32 v63, v15  }
0x18e: {  	[tilespmem:s17+$0xFFFFFFC0] =	vst v7  }
0x18f: {  	s9 =	sadd.s32 $0x400, s9;
	s14 =	sadd.s32 $0x400, s14;
	s28 =	sadd.s32 $0x1, s28;
	[tilespmem:s17+$0x20] =	vst v6  }
0x190: {  	s28 =	simm.s32 $0x0;
	s9 =	rddreg [dreg:$0xd];
	s6 =	simm.s32 $0x8100  }
0x191: {  	[hbm4b:s9+s28] =	stream.linear.scatter [tilespmem:s6], [sflag:$0x8], $0x4000, $0x38;
	[tilespmem:$0x1C100] =	vst v63  }
0x192: {  	s16 =	rddreg [dreg:$0xe];
	s14 =	simm.s32 $0xC100  }
0x193: {  	[hbm4b:s16+s28] =	stream.linear.scatter [tilespmem:s14], [sflag:$0x9], $0x4000, $0x38;
	[tilespmem:$0x1C100] =	vst v63  }
0x194: {  	_ =	swait.ge [sflag:s13], $0x4000  }
0x195: {  	[sflag:s13] =	ssyncset.done $0x0  }
0x196: {  	[sflag:s13] =	ssyncadd.s32 $0xFFFFC000  }
0x197: {  	v4 =	vld [tilespmem:$0xD0];
	_ =	sdelay $0x4  }
0x198: {  	v5 =	vshll.u32 v4, $0x3  }
0x199: {  	v4 =	vand.u32 $0x7, v4;
	v5 =	vand.u32 $0xFFFFFFC0, v5  }
0x19a: {  	v4 =	vor.u32 v4, v5  }
0x19b: {  	v5 =	vperm.xlane v4, v0;
	_ =	sdelay $0x1  }
0x19c: {  	v5 =	vadd.s32 v1, v5;
	_ =	sdelay $0x4  }
0x19d: {  	[tilespmem:s6], [sflag:$0x3] =	stream.indirect_vreg.gather [hbm4b:s1+s28], $0x80, v5, vm0, $0xb8;
	[tilespmem:$0x1C100] =	vst v63  }
0x19e: {  	s17 =	simm.s32 $0x8900;
	v4 =	vperm.xlane v4, v2  }
0x19f: {  	[tilespmem:s17], [sflag:$0x3] =	stream.indirect_vreg.gather [hbm4b:s10+s28], $0x80, v5, vm0, $0xb8;
	[tilespmem:$0x1C100] =	vst v63  }
0x1a0: {  	s18 =	simm.s32 $0x9100;
	v4 =	vadd.s32 v1, v4  }
0x1a1: {  	[tilespmem:s18], [sflag:$0x3] =	stream.indirect_vreg.gather [hbm4b:s11+s28], $0x80, v5, vm0, $0xb8;
	[tilespmem:$0x1C100] =	vst v63  }
0x1a2: {  	s19 =	simm.s32 $0x9900  }
0x1a3: {  	[tilespmem:s19], [sflag:$0x3] =	stream.indirect_vreg.gather [hbm4b:s12+s28], $0x80, v5, vm0, $0xb8;
	[tilespmem:$0x1C100] =	vst v63  }
0x1a4: {  	s20 =	simm.s32 $0xA100  }
0x1a5: {  	[tilespmem:s20], [sflag:$0x3] =	stream.indirect_vreg.gather [hbm4b:s1+s28], $0x80, v4, vm0, $0xb8;
	[tilespmem:$0x1C100] =	vst v63  }
0x1a6: {  	s23 =	simm.s32 $0xA900  }
0x1a7: {  	[tilespmem:s23], [sflag:$0x3] =	stream.indirect_vreg.gather [hbm4b:s10+s28], $0x80, v4, vm0, $0xb8;
	[tilespmem:$0x1C100] =	vst v63  }
0x1a8: {  	s29 =	simm.s32 $0xB100  }
0x1a9: {  	[tilespmem:s29], [sflag:$0x3] =	stream.indirect_vreg.gather [hbm4b:s11+s28], $0x80, v4, vm0, $0xb8;
	[tilespmem:$0x1C100] =	vst v63  }
0x1aa: {  	s9 =	simm.s32 $0xB900  }
0x1ab: {  	[tilespmem:s9], [sflag:$0x3] =	stream.indirect_vreg.gather [hbm4b:s12+s28], $0x80, v4, vm0, $0xb8;
	[tilespmem:$0x1C100] =	vst v63  }
0x1ac: {  	_ =	swait.ge [sflag:s21], $0x4000  }
0x1ad: {  	[sflag:s21] =	ssyncset.done $0x0  }
0x1ae: {  	[sflag:s21] =	ssyncadd.s32 $0xFFFFC000  }
0x1af: {  	v4 =	vld [tilespmem:$0x20];
	_ =	sdelay $0x4  }
0x1b0: {  	v5 =	vshll.u32 v4, $0x3  }
0x1b1: {  	v4 =	vand.u32 $0x7, v4;
	v5 =	vand.u32 $0xFFFFFFC0, v5  }
0x1b2: {  	v4 =	vor.u32 v4, v5  }
0x1b3: {  	v5 =	vperm.xlane v4, v0;
	_ =	sdelay $0x1  }
0x1b4: {  	v5 =	vadd.s32 v1, v5;
	_ =	sdelay $0x4  }
0x1b5: {  	[tilespmem:s14], [sflag:$0x4] =	stream.indirect_vreg.gather [hbm4b:s1+s28], $0x80, v5, vm0, $0xb8;
	[tilespmem:$0x1C100] =	vst v63  }
0x1b6: {  	v4 =	vperm.xlane v4, v2;
	s14 =	simm.s32 $0xC900  }
0x1b7: {  	[tilespmem:s14], [sflag:$0x4] =	stream.indirect_vreg.gather [hbm4b:s10+s28], $0x80, v5, vm0, $0xb8;
	[tilespmem:$0x1C100] =	vst v63  }
0x1b8: {  	s15 =	simm.s32 $0xD100;
	v4 =	vadd.s32 v1, v4  }
0x1b9: {  	[tilespmem:s15], [sflag:$0x4] =	stream.indirect_vreg.gather [hbm4b:s11+s28], $0x80, v5, vm0, $0xb8;
	[tilespmem:$0x1C100] =	vst v63  }
0x1ba: {  	s16 =	simm.s32 $0xD900  }
0x1bb: {  	[tilespmem:s16], [sflag:$0x4] =	stream.indirect_vreg.gather [hbm4b:s12+s28], $0x80, v5, vm0, $0xb8;
	[tilespmem:$0x1C100] =	vst v63  }
0x1bc: {  	s17 =	simm.s32 $0xE100  }
0x1bd: {  	[tilespmem:s17], [sflag:$0x4] =	stream.indirect_vreg.gather [hbm4b:s1+s28], $0x80, v4, vm0, $0xb8;
	[tilespmem:$0x1C100] =	vst v63  }
0x1be: {  	s18 =	simm.s32 $0xE900  }
0x1bf: {  	[tilespmem:s18], [sflag:$0x4] =	stream.indirect_vreg.gather [hbm4b:s10+s28], $0x80, v4, vm0, $0xb8;
	[tilespmem:$0x1C100] =	vst v63  }
0x1c0: {  	s19 =	simm.s32 $0xF100  }
0x1c1: {  	[tilespmem:s19], [sflag:$0x4] =	stream.indirect_vreg.gather [hbm4b:s11+s28], $0x80, v4, vm0, $0xb8;
	[tilespmem:$0x1C100] =	vst v63  }
0x1c2: {  	s20 =	simm.s32 $0xF900  }
0x1c3: {  	[tilespmem:s20], [sflag:$0x4] =	stream.indirect_vreg.gather [hbm4b:s12+s28], $0x80, v4, vm0, $0xb8;
	[tilespmem:$0x1C100] =	vst v63  }
0x1c4: {  	_ =	swait.ge [sflag:s22], $0x4000  }
0x1c5: {  	[sflag:s22] =	ssyncset.done $0x0  }
0x1c6: {  	s29 =	simm.s32 $0x14100;
	s23 =	rddreg [dreg:$0xf];
	[sflag:s22] =	ssyncadd.s32 $0xFFFFC000  }
0x1c7: {  	[tilespmem:s29], [sflag:$0xB] =	stream.linear.gather [hbm4b:s23+s28], $0x4000, $0x38;
	[tilespmem:$0x1C100] =	vst v63  }
0x1c8: {  	_ =	swait.ge [sflag:s24], $0x4000  }
0x1c9: {  	[sflag:s24] =	ssyncset.done $0x0  }
0x1ca: {  	[sflag:s24] =	ssyncadd.s32 $0xFFFFC000  }
0x1cb: {  	_ =	swait.ge [sflag:s2], $0x4000  }
0x1cc: {  	[sflag:s2] =	ssyncset.done $0x0  }
0x1cd: {  	[sflag:s2] =	ssyncadd.s32 $0xFFFFC000  }
0x1ce: {  	v4 =	vld [tilespmem:$0x10]  }
0x1cf: {  	s9 =	simm.s32 $0x18140;
	s14 =	simm.s32 $0x0;
	s15 =	simm.s32 $0x0;
	v5 =	vld [tilespmem:$0x50]  }
.LBB2_10:
0x1d0: {  	v11 =	vld [tilespmem:s9+$0x30]  }
0x1d1: {  	v17 =	vld [tilespmem:s9+$0xFFFFFFD0]  }
0x1d2: {  	s16 =	sshll.u32 s14, $0x2;
	s17 =	sand.u32 $0x7, s28;
	v18 =	vld [tilespmem:s9+$0xFFFFFFE0]  }
0x1d3: {  	v19 =	vld [tilespmem:s9+$0xFFFFFFF0];
	s16 =	sand.u32 $0xFFFF8000, s16;
	s17 =	sshll.u32 s17, $0x9  }
0x1d4: {  	v20 =	vld [tilespmem:s9+$0x0];
	s16 =	sor.u32 s17, s16  }
0x1d5: {  	v21 =	vld [tilespmem:s9+$0x10];
	s19 =	sadd.s32 $0x80, s9;
	s16 =	sshrl.u32 s16, $0x2  }
0x1d6: {  	v26 =	vld [tilespmem:s19+$0x30];
	s20 =	sadd.s32 $0x10140, s16  }
0x1d7: {  	v7 =	vld [tilespmem:s20+$0x30]  }
0x1d8: {  	v6 =	vmov s15;
	v10 =	vld [tilespmem:s20+$0xFFFFFFC0]  }
0x1d9: {  	v6 =	vand.u32 $0xF, v6;
	v8 =	vld [tilespmem:s20+$0xFFFFFFD0]  }
0x1da: {  	v9 =	vbroadcast v6, $0x0;
	v12 =	vld [tilespmem:s20+$0xFFFFFFE0]  }
0x1db: {  	v13 =	vld [tilespmem:s20+$0xFFFFFFF0]  }
0x1dc: {  	v6 =	vperm.xlane v4, v9;
	v14 =	vld [tilespmem:s20+$0x0]  }
0x1dd: {  	v15 =	vld [tilespmem:s20+$0x10]  }
0x1de: {  	v16 =	vld [tilespmem:s20+$0x20];
	s18 =	sadd.s32 $0x400, s20;
	vm1 =	veq.s32 v6, $0x0  }
0x1df: {  	v25 =	vld [tilespmem:s18+$0xFFFFFFC0];
	v6 =	vsel vm1, $0x0, v3  }
0x1e0: {  	v27 =	vld [tilespmem:s18+$0xFFFFFFD0];
	v7 =	vmul.f32 v7, v6  }
0x1e1: {  	v28 =	vld [tilespmem:s18+$0xFFFFFFE0];
	v13 =	vmul.f32 v13, v6  }
0x1e2: {  	v29 =	vld [tilespmem:s18+$0xFFFFFFF0];
	v12 =	vmul.f32 v12, v6;
	v7 =	vadd.f32 v7, v11  }
0x1e3: {  	v30 =	vld [tilespmem:s18+$0x10];
	v13 =	vadd.f32 v13, v19  }
0x1e4: {  	v8 =	vmul.f32 v8, v6;
	v12 =	vadd.f32 v12, v18;
	[tilespmem:s20+$0x30] =	vst v7;
	v7 =	vld [tilespmem:s9+$0x20]  }
0x1e5: {  	s16 =	sadd.s32 $0x140, s16;
	v14 =	vmul.f32 v14, v6;
	[tilespmem:s20+$0xFFFFFFF0] =	vst v13;
	v13 =	vld [tilespmem:s18+$0x30]  }
0x1e6: {  	v23 =	vadd.f32 v8, v17;
	[tilespmem:s20+$0xFFFFFFE0] =	vst v12;
	v22 =	vld [tilespmem:s16+$0x30]  }
0x1e7: {  	v9 =	vperm.xlane v5, v9;
	v15 =	vmul.f32 v15, v6;
	v12 =	vadd.f32 v14, v20;
	v14 =	vld [tilespmem:s16+$0xFFFFFFE0]  }
0x1e8: {  	v8 =	vld [tilespmem:s9+$0xFFFFFFC0];
	[tilespmem:s20+$0xFFFFFFD0] =	vst v23  }
0x1e9: {  	vm1 =	veq.s32 v9, $0x0;
	v16 =	vmul.f32 v16, v6;
	v15 =	vadd.f32 v15, v21;
	v23 =	vld [tilespmem:s16+$0xFFFFFFD0]  }
0x1ea: {  	v9 =	vsel vm1, $0x0, v3;
	v24 =	vld [tilespmem:s16+$0xFFFFFFF0];
	[tilespmem:s20+$0x0] =	vst v12;
	v13 =	vmul.f32 v13, v6  }
0x1eb: {  	[tilespmem:s20+$0x10] =	vst v15;
	v12 =	vld [tilespmem:s16+$0x0];
	v16 =	vadd.f32 v16, v7;
	v22 =	vmul.f32 v22, v9  }
0x1ec: {  	v15 =	vld [tilespmem:s16+$0x10];
	v14 =	vmul.f32 v14, v9;
	v13 =	vadd.f32 v13, v26  }
0x1ed: {  	v10 =	vmul.f32 v10, v6;
	[tilespmem:s20+$0x20] =	vst v16;
	v11 =	vadd.f32 v22, v11;
	v22 =	vld [tilespmem:s18+$0x0]  }
0x1ee: {  	v16 =	vadd.f32 v14, v18;
	v14 =	vld [tilespmem:s19+$0xFFFFFFE0];
	[tilespmem:s18+$0x30] =	vst v13  }
0x1ef: {  	v10 =	vadd.f32 v10, v8;
	v13 =	vld [tilespmem:s19+$0xFFFFFFD0];
	[tilespmem:s16+$0x30] =	vst v11;
	v11 =	vmul.f32 v23, v9  }
0x1f0: {  	s17 =	sadd.s32 $0x400, s16;
	v12 =	vmul.f32 v12, v9;
	v23 =	vld [tilespmem:s18+$0x20]  }
0x1f1: {  	[tilespmem:s20+$0xFFFFFFC0] =	vst v10;
	v10 =	vadd.f32 v11, v17;
	v11 =	vmul.f32 v24, v9;
	v17 =	vld [tilespmem:s17+$0x30]  }
0x1f2: {  	v15 =	vmul.f32 v15, v9;
	[tilespmem:s16+$0xFFFFFFE0] =	vst v16;
	v16 =	vadd.f32 v12, v20;
	v12 =	vld [tilespmem:s19+$0x0]  }
0x1f3: {  	v18 =	vmul.f32 v27, v6;
	[tilespmem:s16+$0xFFFFFFD0] =	vst v10;
	v10 =	vadd.f32 v11, v19;
	v11 =	vld [tilespmem:s19+$0xFFFFFFF0]  }
0x1f4: {  	v20 =	vmul.f32 v28, v6;
	[tilespmem:s16+$0x0] =	vst v16;
	v16 =	vld [tilespmem:s19+$0xFFFFFFC0];
	v19 =	vadd.f32 v15, v21  }
0x1f5: {  	v18 =	vadd.f32 v18, v13;
	v21 =	vmul.f32 v22, v6;
	[tilespmem:s16+$0xFFFFFFF0] =	vst v10;
	v10 =	vld [tilespmem:s19+$0x10]  }
0x1f6: {  	v20 =	vadd.f32 v20, v14;
	v15 =	vld [tilespmem:s19+$0x20];
	[tilespmem:s16+$0x10] =	vst v19;
	v19 =	vmul.f32 v29, v6;
	v17 =	vmul.f32 v17, v9  }
0x1f7: {  	v24 =	vmul.f32 v25, v6;
	[tilespmem:s18+$0xFFFFFFD0] =	vst v18;
	v18 =	vld [tilespmem:s16+$0xFFFFFFC0];
	v25 =	vadd.f32 v21, v12  }
0x1f8: {  	v22 =	vmul.f32 v30, v6;
	[tilespmem:s18+$0xFFFFFFE0] =	vst v20;
	v17 =	vadd.f32 v17, v26;
	v19 =	vadd.f32 v19, v11;
	v26 =	vld [tilespmem:s17+$0xFFFFFFD0]  }
0x1f9: {  	v21 =	vld [tilespmem:s17+$0xFFFFFFE0];
	[tilespmem:s18+$0x0] =	vst v25  }
0x1fa: {  	v20 =	vld [tilespmem:s16+$0x20];
	v23 =	vmul.f32 v23, v6;
	v22 =	vadd.f32 v22, v10;
	[tilespmem:s18+$0xFFFFFFF0] =	vst v19  }
0x1fb: {  	v27 =	vadd.f32 v24, v16;
	[tilespmem:s17+$0x30] =	vst v17;
	v19 =	vld [tilespmem:s17+$0xFFFFFFF0]  }
0x1fc: {  	v17 =	vld [tilespmem:s17+$0x0];
	v24 =	vmul.f32 v18, v9;
	[tilespmem:s18+$0x10] =	vst v22;
	v22 =	vadd.f32 v23, v15  }
0x1fd: {  	s29 =	sadd.s32 $0x400, s18;
	s20 =	simm.s32 $0x8;
	[tilespmem:s18+$0xFFFFFFC0] =	vst v27;
	v23 =	vmul.f32 v26, v9;
	v18 =	vld [tilespmem:s17+$0x10]  }
.LBB2_11:
0x1fe: {  	v25 =	vld [tilespmem:s29+$0x30];
	s20 =	sadd.s32 $0x8, s20;
	v21 =	vmul.f32 v21, v9;
	[tilespmem:s18+$0x20] =	vst v22;
	v22 =	vadd.f32 v24, v8;
	v8 =	vmov v16;
	s18 =	smov.u32 s29  }
0x1ff: {  	s19 =	sadd.s32 $0x80, s19;
	v16 =	vld [tilespmem:s29+$0xFFFFFFC0];
	p0 =	slt.u32 s20, $0x38;
	v13 =	vadd.f32 v23, v13;
	v20 =	vmul.f32 v20, v9  }
0x200: {  	v23 =	vld [tilespmem:s19+$0x30];
	v14 =	vadd.f32 v21, v14;
	v19 =	vmul.f32 v19, v9;
	[tilespmem:s16+$0xFFFFFFC0] =	vst v22  }
0x201: {  	v21 =	vld [tilespmem:s29+$0xFFFFFFD0];
	[tilespmem:s17+$0xFFFFFFD0] =	vst v13;
	v13 =	vmul.f32 v17, v9;
	v17 =	vadd.f32 v20, v7;
	v7 =	vmov v15  }
0x202: {  	v15 =	vld [tilespmem:s29+$0xFFFFFFE0];
	[tilespmem:s17+$0xFFFFFFE0] =	vst v14;
	v11 =	vadd.f32 v19, v11;
	v14 =	vmul.f32 v18, v9  }
0x203: {  	v18 =	vld [tilespmem:s29+$0xFFFFFFF0];
	v19 =	vmul.f32 v25, v6;
	v12 =	vadd.f32 v13, v12;
	[tilespmem:s16+$0x20] =	vst v17;
	s16 =	smov.u32 s17  }
0x204: {  	v17 =	vmul.f32 v16, v6;
	v16 =	vld [tilespmem:s29+$0x0];
	[tilespmem:s17+$0xFFFFFFF0] =	vst v11;
	v10 =	vadd.f32 v14, v10  }
0x205: {  	v20 =	vld [tilespmem:s29+$0x10];
	v11 =	vadd.f32 v19, v23;
	[tilespmem:s17+$0x0] =	vst v12  }
0x206: {  	v19 =	vmul.f32 v21, v6;
	v21 =	vld [tilespmem:s29+$0x20];
	[tilespmem:s17+$0x10] =	vst v10  }
0x207: {  	s17 =	sadd.s32 $0x400, s17;
	v13 =	vld [tilespmem:s19+$0xFFFFFFD0];
	v22 =	vmul.f32 v15, v6;
	[tilespmem:s29+$0x30] =	vst v11  }
0x208: {  	v18 =	vmul.f32 v18, v6;
	v24 =	vld [tilespmem:s17+$0x30]  }
0x209: {  	v14 =	vld [tilespmem:s19+$0xFFFFFFE0];
	v25 =	vmul.f32 v16, v6  }
0x20a: {  	v11 =	vld [tilespmem:s19+$0xFFFFFFF0];
	v20 =	vmul.f32 v20, v6  }
0x20b: {  	v12 =	vld [tilespmem:s19+$0x0];
	v26 =	vmul.f32 v21, v6  }
0x20c: {  	v19 =	vadd.f32 v19, v13;
	v10 =	vld [tilespmem:s19+$0x10]  }
0x20d: {  	v15 =	vld [tilespmem:s19+$0x20];
	v21 =	vmul.f32 v24, v9  }
0x20e: {  	v16 =	vld [tilespmem:s19+$0xFFFFFFC0];
	[tilespmem:s29+$0xFFFFFFD0] =	vst v19;
	v19 =	vadd.f32 v22, v14  }
0x20f: {  	v18 =	vadd.f32 v18, v11;
	v22 =	vadd.f32 v21, v23;
	v23 =	vld [tilespmem:s16+$0xFFFFFFC0]  }
0x210: {  	v27 =	vld [tilespmem:s17+$0xFFFFFFD0];
	[tilespmem:s29+$0xFFFFFFE0] =	vst v19;
	v24 =	vadd.f32 v25, v12  }
.Ltmp4:
0x211: {  	v21 =	vld [tilespmem:s17+$0xFFFFFFE0];
	v25 =	vadd.f32 v20, v10;
	[tilespmem:s17+$0x30] =	vst v22;
	(pc) =	sbr.rel @p0 .LBB2_11-.Ltmp4, $4  }
0x212: {  	[tilespmem:s29+$0xFFFFFFF0] =	vst v18;
	v22 =	vadd.f32 v26, v15;
	v20 =	vld [tilespmem:s16+$0x20]  }
0x213: {  	v18 =	vadd.f32 v17, v16;
	v19 =	vld [tilespmem:s17+$0xFFFFFFF0];
	[tilespmem:s29+$0x0] =	vst v24  }
0x214: {  	v17 =	vld [tilespmem:s17+$0x0];
	[tilespmem:s29+$0x10] =	vst v25;
	v24 =	vmul.f32 v23, v9  }
0x215: {  	s29 =	sadd.s32 $0x400, s29;
	[tilespmem:s18+$0xFFFFFFC0] =	vst v18;
	v23 =	vmul.f32 v27, v9;
	v18 =	vld [tilespmem:s17+$0x10]  }
0x216: {  	v6 =	vmul.f32 v21, v9;
	[tilespmem:s18+$0x20] =	vst v22;
	v8 =	vadd.f32 v24, v8;
	v59 =	vld [tilespmem:s17+$0xFFFFFFC0]  }
0x217: {  	v13 =	vadd.f32 v23, v13;
	v20 =	vmul.f32 v20, v9;
	v22 =	vld [tilespmem:s17+$0x20]  }
0x218: {  	v6 =	vadd.f32 v6, v14;
	v60 =	vmul.f32 v19, v9;
	[tilespmem:s16+$0xFFFFFFC0] =	vst v8  }
0x219: {  	[tilespmem:s17+$0xFFFFFFD0] =	vst v13;
	v61 =	vmul.f32 v17, v9;
	v7 =	vadd.f32 v20, v7  }
0x21a: {  	s15 =	sadd.s32 $0x1, s15;
	[tilespmem:s17+$0xFFFFFFE0] =	vst v6;
	v6 =	vadd.f32 v60, v11;
	v62 =	vmul.f32 v18, v9  }
0x21b: {  	p0 =	sne.s32 s15, $0x10;
	v8 =	vadd.f32 v61, v12;
	[tilespmem:s16+$0x20] =	vst v7;
	v7 =	vmul.f32 v59, v9  }
.Ltmp5:
0x21c: {  	[tilespmem:s17+$0xFFFFFFF0] =	vst v6;
	v6 =	vadd.f32 v62, v10;
	v63 =	vmul.f32 v22, v9;
	(pc) =	sbr.rel @p0 .LBB2_10-.Ltmp5, $4  }
0x21d: {  	[tilespmem:s17+$0x0] =	vst v8;
	v7 =	vadd.f32 v7, v16  }
0x21e: {  	[tilespmem:s17+$0x10] =	vst v6;
	v6 =	vadd.f32 v63, v15  }
0x21f: {  	[tilespmem:s17+$0xFFFFFFC0] =	vst v7  }
0x220: {  	s9 =	sadd.s32 $0x400, s9;
	s14 =	sadd.s32 $0x400, s14;
	s28 =	sadd.s32 $0x1, s28;
	[tilespmem:s17+$0x20] =	vst v6  }
0x221: {  	s28 =	simm.s32 $0x0;
	s9 =	rddreg [dreg:$0x10]  }
0x222: {  	[hbm4b:s9+s28] =	stream.linear.scatter [tilespmem:s30], [sflag:$0xA], $0x4000, $0x38;
	[tilespmem:$0x1C100] =	vst v63  }
0x223: {  	s19 =	rddreg [dreg:$0x11]  }
0x224: {  	[hbm4b:s19+s28] =	stream.linear.scatter [tilespmem:s8], [sflag:$0x6], $0x4000, $0x38;
	[tilespmem:$0x1C100] =	vst v63  }
0x225: {  	_ =	swait.ge [sflag:s25], $0x4000  }
0x226: {  	[sflag:s25] =	ssyncset.done $0x0  }
0x227: {  	[sflag:s25] =	ssyncadd.s32 $0xFFFFC000  }
0x228: {  	v4 =	vld [tilespmem:$0x60];
	_ =	sdelay $0x4  }
0x229: {  	v5 =	vshll.u32 v4, $0x3  }
0x22a: {  	v4 =	vand.u32 $0x7, v4;
	v5 =	vand.u32 $0xFFFFFFC0, v5  }
0x22b: {  	v4 =	vor.u32 v4, v5  }
0x22c: {  	v5 =	vperm.xlane v4, v0;
	_ =	sdelay $0x1  }
0x22d: {  	v5 =	vadd.s32 v1, v5;
	_ =	sdelay $0x4  }
0x22e: {  	[tilespmem:s30], [sflag:$0x5] =	stream.indirect_vreg.gather [hbm4b:s1+s28], $0x80, v5, vm0, $0xb8;
	[tilespmem:$0x1C100] =	vst v63  }
0x22f: {  	s6 =	simm.s32 $0x10900;
	v4 =	vperm.xlane v4, v2  }
0x230: {  	[tilespmem:s6], [sflag:$0x5] =	stream.indirect_vreg.gather [hbm4b:s10+s28], $0x80, v5, vm0, $0xb8;
	[tilespmem:$0x1C100] =	vst v63  }
0x231: {  	s20 =	simm.s32 $0x11100;
	v4 =	vadd.s32 v1, v4  }
0x232: {  	[tilespmem:s20], [sflag:$0x5] =	stream.indirect_vreg.gather [hbm4b:s11+s28], $0x80, v5, vm0, $0xb8;
	[tilespmem:$0x1C100] =	vst v63  }
0x233: {  	s23 =	simm.s32 $0x11900  }
0x234: {  	[tilespmem:s23], [sflag:$0x5] =	stream.indirect_vreg.gather [hbm4b:s12+s28], $0x80, v5, vm0, $0xb8;
	[tilespmem:$0x1C100] =	vst v63  }
0x235: {  	s29 =	simm.s32 $0x12100  }
0x236: {  	[tilespmem:s29], [sflag:$0x5] =	stream.indirect_vreg.gather [hbm4b:s1+s28], $0x80, v4, vm0, $0xb8;
	[tilespmem:$0x1C100] =	vst v63  }
0x237: {  	s9 =	simm.s32 $0x12900  }
0x238: {  	[tilespmem:s9], [sflag:$0x5] =	stream.indirect_vreg.gather [hbm4b:s10+s28], $0x80, v4, vm0, $0xb8;
	[tilespmem:$0x1C100] =	vst v63  }
0x239: {  	s14 =	simm.s32 $0x13100  }
0x23a: {  	[tilespmem:s14], [sflag:$0x5] =	stream.indirect_vreg.gather [hbm4b:s11+s28], $0x80, v4, vm0, $0xb8;
	[tilespmem:$0x1C100] =	vst v63  }
0x23b: {  	s15 =	simm.s32 $0x13900  }
0x23c: {  	[tilespmem:s15], [sflag:$0x5] =	stream.indirect_vreg.gather [hbm4b:s12+s28], $0x80, v4, vm0, $0xb8;
	[tilespmem:$0x1C100] =	vst v63  }
0x23d: {  	_ =	swait.ge [sflag:s31], $0x4000  }
0x23e: {  	[sflag:s31] =	ssyncset.done $0x0  }
0x23f: {  	[sflag:s31] =	ssyncadd.s32 $0xFFFFC000  }
0x240: {  	v4 =	vld [tilespmem:$0xA0];
	_ =	sdelay $0x4  }
0x241: {  	v5 =	vshll.u32 v4, $0x3  }
0x242: {  	v4 =	vand.u32 $0x7, v4;
	v5 =	vand.u32 $0xFFFFFFC0, v5  }
0x243: {  	v4 =	vor.u32 v4, v5  }
0x244: {  	v5 =	vperm.xlane v4, v0;
	_ =	sdelay $0x1  }
0x245: {  	v5 =	vadd.s32 v1, v5;
	_ =	sdelay $0x4  }
0x246: {  	[tilespmem:s8], [sflag:$0x1] =	stream.indirect_vreg.gather [hbm4b:s1+s28], $0x80, v5, vm0, $0xb8;
	[tilespmem:$0x1C100] =	vst v63  }
0x247: {  	s16 =	simm.s32 $0x900;
	v4 =	vperm.xlane v4, v2  }
0x248: {  	[tilespmem:s16], [sflag:$0x1] =	stream.indirect_vreg.gather [hbm4b:s10+s28], $0x80, v5, vm0, $0xb8;
	[tilespmem:$0x1C100] =	vst v63  }
0x249: {  	s17 =	simm.s32 $0x1100;
	v4 =	vadd.s32 v1, v4  }
0x24a: {  	[tilespmem:s17], [sflag:$0x1] =	stream.indirect_vreg.gather [hbm4b:s11+s28], $0x80, v5, vm0, $0xb8;
	[tilespmem:$0x1C100] =	vst v63  }
0x24b: {  	s18 =	simm.s32 $0x1900  }
0x24c: {  	[tilespmem:s18], [sflag:$0x1] =	stream.indirect_vreg.gather [hbm4b:s12+s28], $0x80, v5, vm0, $0xb8;
	[tilespmem:$0x1C100] =	vst v63  }
0x24d: {  	s19 =	simm.s32 $0x2100  }
0x24e: {  	[tilespmem:s19], [sflag:$0x1] =	stream.indirect_vreg.gather [hbm4b:s1+s28], $0x80, v4, vm0, $0xb8;
	[tilespmem:$0x1C100] =	vst v63  }
0x24f: {  	s20 =	simm.s32 $0x2900  }
0x250: {  	[tilespmem:s20], [sflag:$0x1] =	stream.indirect_vreg.gather [hbm4b:s10+s28], $0x80, v4, vm0, $0xb8;
	[tilespmem:$0x1C100] =	vst v63  }
0x251: {  	s23 =	simm.s32 $0x3100  }
0x252: {  	[tilespmem:s23], [sflag:$0x1] =	stream.indirect_vreg.gather [hbm4b:s11+s28], $0x80, v4, vm0, $0xb8;
	[tilespmem:$0x1C100] =	vst v63  }
0x253: {  	s29 =	simm.s32 $0x3900  }
0x254: {  	[tilespmem:s29], [sflag:$0x1] =	stream.indirect_vreg.gather [hbm4b:s12+s28], $0x80, v4, vm0, $0xb8;
	[tilespmem:$0x1C100] =	vst v63  }
0x255: {  	_ =	swait.ge [sflag:s4], $0x4000  }
0x256: {  	[sflag:s4] =	ssyncset.done $0x0  }
0x257: {  	[sflag:s4] =	ssyncadd.s32 $0xFFFFC000  }
0x258: {  	_ =	swait.ge [sflag:s5], $0x4000  }
0x259: {  	[sflag:s5] =	ssyncset.done $0x0  }
0x25a: {  	[sflag:s5] =	ssyncadd.s32 $0xFFFFC000  }
0x25b: {  	v4 =	vld [tilespmem:$0x90]  }
0x25c: {  	s9 =	simm.s32 $0x18140;
	s14 =	simm.s32 $0x0;
	s15 =	simm.s32 $0x0;
	v5 =	vld [tilespmem:$0xD0]  }
.LBB2_14:
0x25d: {  	v11 =	vld [tilespmem:s9+$0x30]  }
0x25e: {  	v17 =	vld [tilespmem:s9+$0xFFFFFFD0]  }
0x25f: {  	s16 =	sshll.u32 s14, $0x2;
	s17 =	sand.u32 $0x7, s28;
	v18 =	vld [tilespmem:s9+$0xFFFFFFE0]  }
0x260: {  	v19 =	vld [tilespmem:s9+$0xFFFFFFF0];
	s16 =	sand.u32 $0xFFFF8000, s16;
	s17 =	sshll.u32 s17, $0x9  }
0x261: {  	v20 =	vld [tilespmem:s9+$0x0];
	s16 =	sor.u32 s17, s16  }
0x262: {  	v21 =	vld [tilespmem:s9+$0x10];
	s19 =	sadd.s32 $0x80, s9;
	s16 =	sshrl.u32 s16, $0x2  }
0x263: {  	v26 =	vld [tilespmem:s19+$0x30];
	s20 =	sadd.s32 $0x4140, s16  }
0x264: {  	v7 =	vld [tilespmem:s20+$0x30]  }
0x265: {  	v6 =	vmov s15;
	v10 =	vld [tilespmem:s20+$0xFFFFFFC0]  }
0x266: {  	v6 =	vand.u32 $0xF, v6;
	v8 =	vld [tilespmem:s20+$0xFFFFFFD0]  }
0x267: {  	v9 =	vbroadcast v6, $0x0;
	v12 =	vld [tilespmem:s20+$0xFFFFFFE0]  }
0x268: {  	v13 =	vld [tilespmem:s20+$0xFFFFFFF0]  }
0x269: {  	v6 =	vperm.xlane v4, v9;
	v14 =	vld [tilespmem:s20+$0x0]  }
0x26a: {  	v15 =	vld [tilespmem:s20+$0x10]  }
0x26b: {  	v16 =	vld [tilespmem:s20+$0x20];
	s18 =	sadd.s32 $0x400, s20;
	vm1 =	veq.s32 v6, $0x0  }
0x26c: {  	v25 =	vld [tilespmem:s18+$0xFFFFFFC0];
	v6 =	vsel vm1, $0x0, v3  }
0x26d: {  	v27 =	vld [tilespmem:s18+$0xFFFFFFD0];
	v7 =	vmul.f32 v7, v6  }
0x26e: {  	v28 =	vld [tilespmem:s18+$0xFFFFFFE0];
	v13 =	vmul.f32 v13, v6  }
0x26f: {  	v29 =	vld [tilespmem:s18+$0xFFFFFFF0];
	v12 =	vmul.f32 v12, v6;
	v7 =	vadd.f32 v7, v11  }
0x270: {  	v30 =	vld [tilespmem:s18+$0x10];
	v13 =	vadd.f32 v13, v19  }
0x271: {  	v8 =	vmul.f32 v8, v6;
	v12 =	vadd.f32 v12, v18;
	[tilespmem:s20+$0x30] =	vst v7;
	v7 =	vld [tilespmem:s9+$0x20]  }
0x272: {  	s16 =	sadd.s32 $0x8140, s16;
	v14 =	vmul.f32 v14, v6;
	[tilespmem:s20+$0xFFFFFFF0] =	vst v13;
	v13 =	vld [tilespmem:s18+$0x30]  }
0x273: {  	v23 =	vadd.f32 v8, v17;
	[tilespmem:s20+$0xFFFFFFE0] =	vst v12;
	v22 =	vld [tilespmem:s16+$0x30]  }
0x274: {  	v9 =	vperm.xlane v5, v9;
	v15 =	vmul.f32 v15, v6;
	v12 =	vadd.f32 v14, v20;
	v14 =	vld [tilespmem:s16+$0xFFFFFFE0]  }
0x275: {  	v8 =	vld [tilespmem:s9+$0xFFFFFFC0];
	[tilespmem:s20+$0xFFFFFFD0] =	vst v23  }
0x276: {  	vm1 =	veq.s32 v9, $0x0;
	v16 =	vmul.f32 v16, v6;
	v15 =	vadd.f32 v15, v21;
	v23 =	vld [tilespmem:s16+$0xFFFFFFD0]  }
0x277: {  	v9 =	vsel vm1, $0x0, v3;
	v24 =	vld [tilespmem:s16+$0xFFFFFFF0];
	[tilespmem:s20+$0x0] =	vst v12;
	v13 =	vmul.f32 v13, v6  }
0x278: {  	[tilespmem:s20+$0x10] =	vst v15;
	v12 =	vld [tilespmem:s16+$0x0];
	v16 =	vadd.f32 v16, v7;
	v22 =	vmul.f32 v22, v9  }
0x279: {  	v15 =	vld [tilespmem:s16+$0x10];
	v14 =	vmul.f32 v14, v9;
	v13 =	vadd.f32 v13, v26  }
0x27a: {  	v10 =	vmul.f32 v10, v6;
	[tilespmem:s20+$0x20] =	vst v16;
	v11 =	vadd.f32 v22, v11;
	v22 =	vld [tilespmem:s18+$0x0]  }
0x27b: {  	v16 =	vadd.f32 v14, v18;
	v14 =	vld [tilespmem:s19+$0xFFFFFFE0];
	[tilespmem:s18+$0x30] =	vst v13  }
0x27c: {  	v10 =	vadd.f32 v10, v8;
	v13 =	vld [tilespmem:s19+$0xFFFFFFD0];
	[tilespmem:s16+$0x30] =	vst v11;
	v11 =	vmul.f32 v23, v9  }
0x27d: {  	s17 =	sadd.s32 $0x400, s16;
	v12 =	vmul.f32 v12, v9;
	v23 =	vld [tilespmem:s18+$0x20]  }
0x27e: {  	[tilespmem:s20+$0xFFFFFFC0] =	vst v10;
	v10 =	vadd.f32 v11, v17;
	v11 =	vmul.f32 v24, v9;
	v17 =	vld [tilespmem:s17+$0x30]  }
0x27f: {  	v15 =	vmul.f32 v15, v9;
	[tilespmem:s16+$0xFFFFFFE0] =	vst v16;
	v16 =	vadd.f32 v12, v20;
	v12 =	vld [tilespmem:s19+$0x0]  }
0x280: {  	v18 =	vmul.f32 v27, v6;
	[tilespmem:s16+$0xFFFFFFD0] =	vst v10;
	v10 =	vadd.f32 v11, v19;
	v11 =	vld [tilespmem:s19+$0xFFFFFFF0]  }
0x281: {  	v20 =	vmul.f32 v28, v6;
	[tilespmem:s16+$0x0] =	vst v16;
	v16 =	vld [tilespmem:s19+$0xFFFFFFC0];
	v19 =	vadd.f32 v15, v21  }
0x282: {  	v18 =	vadd.f32 v18, v13;
	v21 =	vmul.f32 v22, v6;
	[tilespmem:s16+$0xFFFFFFF0] =	vst v10;
	v10 =	vld [tilespmem:s19+$0x10]  }
0x283: {  	v20 =	vadd.f32 v20, v14;
	v15 =	vld [tilespmem:s19+$0x20];
	[tilespmem:s16+$0x10] =	vst v19;
	v19 =	vmul.f32 v29, v6;
	v17 =	vmul.f32 v17, v9  }
0x284: {  	v24 =	vmul.f32 v25, v6;
	[tilespmem:s18+$0xFFFFFFD0] =	vst v18;
	v18 =	vld [tilespmem:s16+$0xFFFFFFC0];
	v25 =	vadd.f32 v21, v12  }
0x285: {  	v22 =	vmul.f32 v30, v6;
	[tilespmem:s18+$0xFFFFFFE0] =	vst v20;
	v17 =	vadd.f32 v17, v26;
	v19 =	vadd.f32 v19, v11;
	v26 =	vld [tilespmem:s17+$0xFFFFFFD0]  }
0x286: {  	v21 =	vld [tilespmem:s17+$0xFFFFFFE0];
	[tilespmem:s18+$0x0] =	vst v25  }
0x287: {  	v20 =	vld [tilespmem:s16+$0x20];
	v23 =	vmul.f32 v23, v6;
	v22 =	vadd.f32 v22, v10;
	[tilespmem:s18+$0xFFFFFFF0] =	vst v19  }
0x288: {  	v27 =	vadd.f32 v24, v16;
	[tilespmem:s17+$0x30] =	vst v17;
	v19 =	vld [tilespmem:s17+$0xFFFFFFF0]  }
0x289: {  	v17 =	vld [tilespmem:s17+$0x0];
	v24 =	vmul.f32 v18, v9;
	[tilespmem:s18+$0x10] =	vst v22;
	v22 =	vadd.f32 v23, v15  }
0x28a: {  	s29 =	sadd.s32 $0x400, s18;
	s20 =	simm.s32 $0x8;
	[tilespmem:s18+$0xFFFFFFC0] =	vst v27;
	v23 =	vmul.f32 v26, v9;
	v18 =	vld [tilespmem:s17+$0x10]  }
.LBB2_15:
0x28b: {  	v25 =	vld [tilespmem:s29+$0x30];
	s20 =	sadd.s32 $0x8, s20;
	v21 =	vmul.f32 v21, v9;
	[tilespmem:s18+$0x20] =	vst v22;
	v22 =	vadd.f32 v24, v8;
	v8 =	vmov v16;
	s18 =	smov.u32 s29  }
0x28c: {  	s19 =	sadd.s32 $0x80, s19;
	v16 =	vld [tilespmem:s29+$0xFFFFFFC0];
	p0 =	slt.u32 s20, $0x38;
	v13 =	vadd.f32 v23, v13;
	v20 =	vmul.f32 v20, v9  }
0x28d: {  	v23 =	vld [tilespmem:s19+$0x30];
	v14 =	vadd.f32 v21, v14;
	v19 =	vmul.f32 v19, v9;
	[tilespmem:s16+$0xFFFFFFC0] =	vst v22  }
0x28e: {  	v21 =	vld [tilespmem:s29+$0xFFFFFFD0];
	[tilespmem:s17+$0xFFFFFFD0] =	vst v13;
	v13 =	vmul.f32 v17, v9;
	v17 =	vadd.f32 v20, v7;
	v7 =	vmov v15  }
0x28f: {  	v15 =	vld [tilespmem:s29+$0xFFFFFFE0];
	[tilespmem:s17+$0xFFFFFFE0] =	vst v14;
	v11 =	vadd.f32 v19, v11;
	v14 =	vmul.f32 v18, v9  }
0x290: {  	v18 =	vld [tilespmem:s29+$0xFFFFFFF0];
	v19 =	vmul.f32 v25, v6;
	v12 =	vadd.f32 v13, v12;
	[tilespmem:s16+$0x20] =	vst v17;
	s16 =	smov.u32 s17  }
0x291: {  	v17 =	vmul.f32 v16, v6;
	v16 =	vld [tilespmem:s29+$0x0];
	[tilespmem:s17+$0xFFFFFFF0] =	vst v11;
	v10 =	vadd.f32 v14, v10  }
0x292: {  	v20 =	vld [tilespmem:s29+$0x10];
	v11 =	vadd.f32 v19, v23;
	[tilespmem:s17+$0x0] =	vst v12  }
0x293: {  	v19 =	vmul.f32 v21, v6;
	v21 =	vld [tilespmem:s29+$0x20];
	[tilespmem:s17+$0x10] =	vst v10  }
0x294: {  	s17 =	sadd.s32 $0x400, s17;
	v13 =	vld [tilespmem:s19+$0xFFFFFFD0];
	v22 =	vmul.f32 v15, v6;
	[tilespmem:s29+$0x30] =	vst v11  }
0x295: {  	v18 =	vmul.f32 v18, v6;
	v24 =	vld [tilespmem:s17+$0x30]  }
0x296: {  	v14 =	vld [tilespmem:s19+$0xFFFFFFE0];
	v25 =	vmul.f32 v16, v6  }
0x297: {  	v11 =	vld [tilespmem:s19+$0xFFFFFFF0];
	v20 =	vmul.f32 v20, v6  }
0x298: {  	v12 =	vld [tilespmem:s19+$0x0];
	v26 =	vmul.f32 v21, v6  }
0x299: {  	v19 =	vadd.f32 v19, v13;
	v10 =	vld [tilespmem:s19+$0x10]  }
0x29a: {  	v15 =	vld [tilespmem:s19+$0x20];
	v21 =	vmul.f32 v24, v9  }
0x29b: {  	v16 =	vld [tilespmem:s19+$0xFFFFFFC0];
	[tilespmem:s29+$0xFFFFFFD0] =	vst v19;
	v19 =	vadd.f32 v22, v14  }
0x29c: {  	v18 =	vadd.f32 v18, v11;
	v22 =	vadd.f32 v21, v23;
	v23 =	vld [tilespmem:s16+$0xFFFFFFC0]  }
0x29d: {  	v27 =	vld [tilespmem:s17+$0xFFFFFFD0];
	[tilespmem:s29+$0xFFFFFFE0] =	vst v19;
	v24 =	vadd.f32 v25, v12  }
.Ltmp6:
0x29e: {  	v21 =	vld [tilespmem:s17+$0xFFFFFFE0];
	v25 =	vadd.f32 v20, v10;
	[tilespmem:s17+$0x30] =	vst v22;
	(pc) =	sbr.rel @p0 .LBB2_15-.Ltmp6, $4  }
0x29f: {  	[tilespmem:s29+$0xFFFFFFF0] =	vst v18;
	v22 =	vadd.f32 v26, v15;
	v20 =	vld [tilespmem:s16+$0x20]  }
0x2a0: {  	v18 =	vadd.f32 v17, v16;
	v19 =	vld [tilespmem:s17+$0xFFFFFFF0];
	[tilespmem:s29+$0x0] =	vst v24  }
0x2a1: {  	v17 =	vld [tilespmem:s17+$0x0];
	[tilespmem:s29+$0x10] =	vst v25;
	v24 =	vmul.f32 v23, v9  }
0x2a2: {  	s29 =	sadd.s32 $0x400, s29;
	[tilespmem:s18+$0xFFFFFFC0] =	vst v18;
	v23 =	vmul.f32 v27, v9;
	v18 =	vld [tilespmem:s17+$0x10]  }
0x2a3: {  	v6 =	vmul.f32 v21, v9;
	[tilespmem:s18+$0x20] =	vst v22;
	v8 =	vadd.f32 v24, v8;
	v59 =	vld [tilespmem:s17+$0xFFFFFFC0]  }
0x2a4: {  	v13 =	vadd.f32 v23, v13;
	v20 =	vmul.f32 v20, v9;
	v22 =	vld [tilespmem:s17+$0x20]  }
0x2a5: {  	v6 =	vadd.f32 v6, v14;
	v60 =	vmul.f32 v19, v9;
	[tilespmem:s16+$0xFFFFFFC0] =	vst v8  }
0x2a6: {  	[tilespmem:s17+$0xFFFFFFD0] =	vst v13;
	v61 =	vmul.f32 v17, v9;
	v7 =	vadd.f32 v20, v7  }
0x2a7: {  	s15 =	sadd.s32 $0x1, s15;
	[tilespmem:s17+$0xFFFFFFE0] =	vst v6;
	v6 =	vadd.f32 v60, v11;
	v62 =	vmul.f32 v18, v9  }
0x2a8: {  	p0 =	sne.s32 s15, $0x10;
	v8 =	vadd.f32 v61, v12;
	[tilespmem:s16+$0x20] =	vst v7;
	v7 =	vmul.f32 v59, v9  }
.Ltmp7:
0x2a9: {  	[tilespmem:s17+$0xFFFFFFF0] =	vst v6;
	v6 =	vadd.f32 v62, v10;
	v63 =	vmul.f32 v22, v9;
	(pc) =	sbr.rel @p0 .LBB2_14-.Ltmp7, $4  }
0x2aa: {  	[tilespmem:s17+$0x0] =	vst v8;
	v7 =	vadd.f32 v7, v16  }
0x2ab: {  	[tilespmem:s17+$0x10] =	vst v6;
	v6 =	vadd.f32 v63, v15  }
0x2ac: {  	[tilespmem:s17+$0xFFFFFFC0] =	vst v7  }
0x2ad: {  	s9 =	sadd.s32 $0x400, s9;
	s14 =	sadd.s32 $0x400, s14;
	s28 =	sadd.s32 $0x1, s28;
	[tilespmem:s17+$0x20] =	vst v6  }
0x2ae: {  	s28 =	simm.s32 $0x0;
	s9 =	rddreg [dreg:$0x12];
	s14 =	simm.s32 $0x4100  }
0x2af: {  	[hbm4b:s9+s28] =	stream.linear.scatter [tilespmem:s14], [sflag:$0x7], $0x4000, $0x38;
	[tilespmem:$0x1C100] =	vst v63  }
0x2b0: {  	s23 =	rddreg [dreg:$0x16];
	s15 =	simm.s32 $0x8100  }
0x2b1: {  	[hbm4b:s23+s28] =	stream.linear.scatter [tilespmem:s15], [sflag:$0x8], $0x4000, $0x38;
	[tilespmem:$0x1C100] =	vst v63  }
0x2b2: {  	_ =	swait.ge [sflag:s0], $0x4000  }
0x2b3: {  	[sflag:s0] =	ssyncset.done $0x0  }
0x2b4: {  	[sflag:s0] =	ssyncadd.s32 $0xFFFFC000  }
0x2b5: {  	v4 =	vld [tilespmem:$0xE0];
	_ =	sdelay $0x4  }
0x2b6: {  	v5 =	vshll.u32 v4, $0x3  }
0x2b7: {  	v4 =	vand.u32 $0x7, v4;
	v5 =	vand.u32 $0xFFFFFFC0, v5  }
0x2b8: {  	v4 =	vor.u32 v4, v5  }
0x2b9: {  	v5 =	vperm.xlane v4, v0;
	_ =	sdelay $0x1  }
0x2ba: {  	v5 =	vadd.s32 v1, v5;
	_ =	sdelay $0x4  }
0x2bb: {  	[tilespmem:s14], [sflag:$0x2] =	stream.indirect_vreg.gather [hbm4b:s1+s28], $0x80, v5, vm0, $0xb8;
	[tilespmem:$0x1C100] =	vst v63  }
0x2bc: {  	s29 =	simm.s32 $0x4900;
	v4 =	vperm.xlane v4, v2  }
0x2bd: {  	[tilespmem:s29], [sflag:$0x2] =	stream.indirect_vreg.gather [hbm4b:s10+s28], $0x80, v5, vm0, $0xb8;
	[tilespmem:$0x1C100] =	vst v63  }
0x2be: {  	s6 =	simm.s32 $0x5100;
	v4 =	vadd.s32 v1, v4  }
0x2bf: {  	[tilespmem:s6], [sflag:$0x2] =	stream.indirect_vreg.gather [hbm4b:s11+s28], $0x80, v5, vm0, $0xb8;
	[tilespmem:$0x1C100] =	vst v63  }
0x2c0: {  	s14 =	simm.s32 $0x5900  }
0x2c1: {  	[tilespmem:s14], [sflag:$0x2] =	stream.indirect_vreg.gather [hbm4b:s12+s28], $0x80, v5, vm0, $0xb8;
	[tilespmem:$0x1C100] =	vst v63  }
0x2c2: {  	s16 =	simm.s32 $0x6100  }
0x2c3: {  	[tilespmem:s16], [sflag:$0x2] =	stream.indirect_vreg.gather [hbm4b:s1+s28], $0x80, v4, vm0, $0xb8;
	[tilespmem:$0x1C100] =	vst v63  }
0x2c4: {  	s17 =	simm.s32 $0x6900  }
0x2c5: {  	[tilespmem:s17], [sflag:$0x2] =	stream.indirect_vreg.gather [hbm4b:s10+s28], $0x80, v4, vm0, $0xb8;
	[tilespmem:$0x1C100] =	vst v63  }
0x2c6: {  	s18 =	simm.s32 $0x7100  }
0x2c7: {  	[tilespmem:s18], [sflag:$0x2] =	stream.indirect_vreg.gather [hbm4b:s11+s28], $0x80, v4, vm0, $0xb8;
	[tilespmem:$0x1C100] =	vst v63  }
0x2c8: {  	s19 =	simm.s32 $0x7900  }
0x2c9: {  	[tilespmem:s19], [sflag:$0x2] =	stream.indirect_vreg.gather [hbm4b:s12+s28], $0x80, v4, vm0, $0xb8;
	[tilespmem:$0x1C100] =	vst v63  }
0x2ca: {  	_ =	swait.ge [sflag:s13], $0x4000  }
0x2cb: {  	[sflag:s13] =	ssyncset.done $0x0  }
0x2cc: {  	[sflag:s13] =	ssyncadd.s32 $0xFFFFC000  }
0x2cd: {  	v4 =	vld [tilespmem:$0x30];
	_ =	sdelay $0x4  }
0x2ce: {  	v5 =	vshll.u32 v4, $0x3  }
0x2cf: {  	v4 =	vand.u32 $0x7, v4;
	v5 =	vand.u32 $0xFFFFFFC0, v5  }
0x2d0: {  	v4 =	vor.u32 v4, v5  }
0x2d1: {  	v5 =	vperm.xlane v4, v0;
	_ =	sdelay $0x1  }
0x2d2: {  	v5 =	vadd.s32 v1, v5;
	_ =	sdelay $0x4  }
0x2d3: {  	[tilespmem:s15], [sflag:$0x3] =	stream.indirect_vreg.gather [hbm4b:s1+s28], $0x80, v5, vm0, $0xb8;
	[tilespmem:$0x1C100] =	vst v63  }
0x2d4: {  	s20 =	simm.s32 $0x8900;
	v4 =	vperm.xlane v4, v2  }
0x2d5: {  	[tilespmem:s20], [sflag:$0x3] =	stream.indirect_vreg.gather [hbm4b:s10+s28], $0x80, v5, vm0, $0xb8;
	[tilespmem:$0x1C100] =	vst v63  }
0x2d6: {  	s29 =	simm.s32 $0x9100;
	v4 =	vadd.s32 v1, v4  }
0x2d7: {  	[tilespmem:s29], [sflag:$0x3] =	stream.indirect_vreg.gather [hbm4b:s11+s28], $0x80, v5, vm0, $0xb8;
	[tilespmem:$0x1C100] =	vst v63  }
0x2d8: {  	s14 =	simm.s32 $0x9900  }
0x2d9: {  	[tilespmem:s14], [sflag:$0x3] =	stream.indirect_vreg.gather [hbm4b:s12+s28], $0x80, v5, vm0, $0xb8;
	[tilespmem:$0x1C100] =	vst v63  }
0x2da: {  	s15 =	simm.s32 $0xA100  }
0x2db: {  	[tilespmem:s15], [sflag:$0x3] =	stream.indirect_vreg.gather [hbm4b:s1+s28], $0x80, v4, vm0, $0xb8;
	[tilespmem:$0x1C100] =	vst v63  }
0x2dc: {  	s16 =	simm.s32 $0xA900  }
0x2dd: {  	[tilespmem:s16], [sflag:$0x3] =	stream.indirect_vreg.gather [hbm4b:s10+s28], $0x80, v4, vm0, $0xb8;
	[tilespmem:$0x1C100] =	vst v63  }
0x2de: {  	s17 =	simm.s32 $0xB100  }
0x2df: {  	[tilespmem:s17], [sflag:$0x3] =	stream.indirect_vreg.gather [hbm4b:s11+s28], $0x80, v4, vm0, $0xb8;
	[tilespmem:$0x1C100] =	vst v63  }
0x2e0: {  	s18 =	simm.s32 $0xB900;
	s19 =	simm.s32 $0xB  }
0x2e1: {  	[tilespmem:s18], [sflag:$0x3] =	stream.indirect_vreg.gather [hbm4b:s12+s28], $0x80, v4, vm0, $0xb8;
	[tilespmem:$0x1C100] =	vst v63  }
0x2e2: {  	_ =	swait.ge [sflag:s19], $0x4000  }
0x2e3: {  	[sflag:s19] =	ssyncset.done $0x0  }
0x2e4: {  	s29 =	simm.s32 $0x18100;
	s20 =	rddreg [dreg:$0x13];
	[sflag:s19] =	ssyncadd.s32 $0xFFFFC000  }
0x2e5: {  	[tilespmem:s29], [sflag:$0xC] =	stream.linear.gather [hbm4b:s20+s28], $0x4000, $0x38;
	[tilespmem:$0x1C100] =	vst v63  }
0x2e6: {  	_ =	swait.ge [sflag:s7], $0x4000  }
0x2e7: {  	[sflag:s7] =	ssyncset.done $0x0  }
0x2e8: {  	[sflag:s7] =	ssyncadd.s32 $0xFFFFC000  }
0x2e9: {  	_ =	swait.ge [sflag:s24], $0x4000  }
0x2ea: {  	[sflag:s24] =	ssyncset.done $0x0  }
0x2eb: {  	[sflag:s24] =	ssyncadd.s32 $0xFFFFC000  }
0x2ec: {  	s9 =	simm.s32 $0x14140;
	s23 =	simm.s32 $0x4100;
	v4 =	vld [tilespmem:$0x20]  }
0x2ed: {  	s6 =	simm.s32 $0x8100;
	s14 =	simm.s32 $0x0;
	s15 =	simm.s32 $0x0;
	v5 =	vld [tilespmem:$0x60]  }
.LBB2_18:
0x2ee: {  	v11 =	vld [tilespmem:s9+$0x30]  }
0x2ef: {  	v17 =	vld [tilespmem:s9+$0xFFFFFFD0]  }
0x2f0: {  	s16 =	sshll.u32 s14, $0x2;
	s17 =	sand.u32 $0x7, s28;
	v18 =	vld [tilespmem:s9+$0xFFFFFFE0]  }
0x2f1: {  	v19 =	vld [tilespmem:s9+$0xFFFFFFF0];
	s16 =	sand.u32 $0xFFFF8000, s16;
	s17 =	sshll.u32 s17, $0x9  }
0x2f2: {  	v20 =	vld [tilespmem:s9+$0x0];
	s16 =	sor.u32 s17, s16  }
0x2f3: {  	v21 =	vld [tilespmem:s9+$0x10];
	s19 =	sadd.s32 $0x80, s9;
	s16 =	sshrl.u32 s16, $0x2  }
0x2f4: {  	v26 =	vld [tilespmem:s19+$0x30];
	s20 =	sadd.s32 $0xC140, s16  }
0x2f5: {  	v7 =	vld [tilespmem:s20+$0x30]  }
0x2f6: {  	v6 =	vmov s15;
	v10 =	vld [tilespmem:s20+$0xFFFFFFC0]  }
0x2f7: {  	v6 =	vand.u32 $0xF, v6;
	v8 =	vld [tilespmem:s20+$0xFFFFFFD0]  }
0x2f8: {  	v9 =	vbroadcast v6, $0x0;
	v12 =	vld [tilespmem:s20+$0xFFFFFFE0]  }
0x2f9: {  	v13 =	vld [tilespmem:s20+$0xFFFFFFF0]  }
0x2fa: {  	v6 =	vperm.xlane v4, v9;
	v14 =	vld [tilespmem:s20+$0x0]  }
0x2fb: {  	v15 =	vld [tilespmem:s20+$0x10]  }
0x2fc: {  	v16 =	vld [tilespmem:s20+$0x20];
	s18 =	sadd.s32 $0x400, s20;
	vm1 =	veq.s32 v6, $0x0  }
0x2fd: {  	v25 =	vld [tilespmem:s18+$0xFFFFFFC0];
	v6 =	vsel vm1, $0x0, v3  }
0x2fe: {  	v27 =	vld [tilespmem:s18+$0xFFFFFFD0];
	v7 =	vmul.f32 v7, v6  }
0x2ff: {  	v28 =	vld [tilespmem:s18+$0xFFFFFFE0];
	v13 =	vmul.f32 v13, v6  }
0x300: {  	v29 =	vld [tilespmem:s18+$0xFFFFFFF0];
	v12 =	vmul.f32 v12, v6;
	v7 =	vadd.f32 v7, v11  }
0x301: {  	v30 =	vld [tilespmem:s18+$0x10];
	v13 =	vadd.f32 v13, v19  }
0x302: {  	v8 =	vmul.f32 v8, v6;
	v12 =	vadd.f32 v12, v18;
	[tilespmem:s20+$0x30] =	vst v7;
	v7 =	vld [tilespmem:s9+$0x20]  }
0x303: {  	s16 =	sadd.s32 $0x10140, s16;
	v14 =	vmul.f32 v14, v6;
	[tilespmem:s20+$0xFFFFFFF0] =	vst v13;
	v13 =	vld [tilespmem:s18+$0x30]  }
0x304: {  	v23 =	vadd.f32 v8, v17;
	[tilespmem:s20+$0xFFFFFFE0] =	vst v12;
	v22 =	vld [tilespmem:s16+$0x30]  }
0x305: {  	v9 =	vperm.xlane v5, v9;
	v15 =	vmul.f32 v15, v6;
	v12 =	vadd.f32 v14, v20;
	v14 =	vld [tilespmem:s16+$0xFFFFFFE0]  }
0x306: {  	v8 =	vld [tilespmem:s9+$0xFFFFFFC0];
	[tilespmem:s20+$0xFFFFFFD0] =	vst v23  }
0x307: {  	vm1 =	veq.s32 v9, $0x0;
	v16 =	vmul.f32 v16, v6;
	v15 =	vadd.f32 v15, v21;
	v23 =	vld [tilespmem:s16+$0xFFFFFFD0]  }
0x308: {  	v9 =	vsel vm1, $0x0, v3;
	v24 =	vld [tilespmem:s16+$0xFFFFFFF0];
	[tilespmem:s20+$0x0] =	vst v12;
	v13 =	vmul.f32 v13, v6  }
0x309: {  	[tilespmem:s20+$0x10] =	vst v15;
	v12 =	vld [tilespmem:s16+$0x0];
	v16 =	vadd.f32 v16, v7;
	v22 =	vmul.f32 v22, v9  }
0x30a: {  	v15 =	vld [tilespmem:s16+$0x10];
	v14 =	vmul.f32 v14, v9;
	v13 =	vadd.f32 v13, v26  }
0x30b: {  	v10 =	vmul.f32 v10, v6;
	[tilespmem:s20+$0x20] =	vst v16;
	v11 =	vadd.f32 v22, v11;
	v22 =	vld [tilespmem:s18+$0x0]  }
0x30c: {  	v16 =	vadd.f32 v14, v18;
	v14 =	vld [tilespmem:s19+$0xFFFFFFE0];
	[tilespmem:s18+$0x30] =	vst v13  }
0x30d: {  	v10 =	vadd.f32 v10, v8;
	v13 =	vld [tilespmem:s19+$0xFFFFFFD0];
	[tilespmem:s16+$0x30] =	vst v11;
	v11 =	vmul.f32 v23, v9  }
0x30e: {  	s17 =	sadd.s32 $0x400, s16;
	v12 =	vmul.f32 v12, v9;
	v23 =	vld [tilespmem:s18+$0x20]  }
0x30f: {  	[tilespmem:s20+$0xFFFFFFC0] =	vst v10;
	v10 =	vadd.f32 v11, v17;
	v11 =	vmul.f32 v24, v9;
	v17 =	vld [tilespmem:s17+$0x30]  }
0x310: {  	v15 =	vmul.f32 v15, v9;
	[tilespmem:s16+$0xFFFFFFE0] =	vst v16;
	v16 =	vadd.f32 v12, v20;
	v12 =	vld [tilespmem:s19+$0x0]  }
0x311: {  	v18 =	vmul.f32 v27, v6;
	[tilespmem:s16+$0xFFFFFFD0] =	vst v10;
	v10 =	vadd.f32 v11, v19;
	v11 =	vld [tilespmem:s19+$0xFFFFFFF0]  }
0x312: {  	v20 =	vmul.f32 v28, v6;
	[tilespmem:s16+$0x0] =	vst v16;
	v16 =	vld [tilespmem:s19+$0xFFFFFFC0];
	v19 =	vadd.f32 v15, v21  }
0x313: {  	v18 =	vadd.f32 v18, v13;
	v21 =	vmul.f32 v22, v6;
	[tilespmem:s16+$0xFFFFFFF0] =	vst v10;
	v10 =	vld [tilespmem:s19+$0x10]  }
0x314: {  	v20 =	vadd.f32 v20, v14;
	v15 =	vld [tilespmem:s19+$0x20];
	[tilespmem:s16+$0x10] =	vst v19;
	v19 =	vmul.f32 v29, v6;
	v17 =	vmul.f32 v17, v9  }
0x315: {  	v24 =	vmul.f32 v25, v6;
	[tilespmem:s18+$0xFFFFFFD0] =	vst v18;
	v18 =	vld [tilespmem:s16+$0xFFFFFFC0];
	v25 =	vadd.f32 v21, v12  }
0x316: {  	v22 =	vmul.f32 v30, v6;
	[tilespmem:s18+$0xFFFFFFE0] =	vst v20;
	v17 =	vadd.f32 v17, v26;
	v19 =	vadd.f32 v19, v11;
	v26 =	vld [tilespmem:s17+$0xFFFFFFD0]  }
0x317: {  	v21 =	vld [tilespmem:s17+$0xFFFFFFE0];
	[tilespmem:s18+$0x0] =	vst v25  }
0x318: {  	v20 =	vld [tilespmem:s16+$0x20];
	v23 =	vmul.f32 v23, v6;
	v22 =	vadd.f32 v22, v10;
	[tilespmem:s18+$0xFFFFFFF0] =	vst v19  }
0x319: {  	v27 =	vadd.f32 v24, v16;
	[tilespmem:s17+$0x30] =	vst v17;
	v19 =	vld [tilespmem:s17+$0xFFFFFFF0]  }
0x31a: {  	v17 =	vld [tilespmem:s17+$0x0];
	v24 =	vmul.f32 v18, v9;
	[tilespmem:s18+$0x10] =	vst v22;
	v22 =	vadd.f32 v23, v15  }
0x31b: {  	s29 =	sadd.s32 $0x400, s18;
	s20 =	simm.s32 $0x8;
	[tilespmem:s18+$0xFFFFFFC0] =	vst v27;
	v23 =	vmul.f32 v26, v9;
	v18 =	vld [tilespmem:s17+$0x10]  }
.LBB2_19:
0x31c: {  	v25 =	vld [tilespmem:s29+$0x30];
	s20 =	sadd.s32 $0x8, s20;
	v21 =	vmul.f32 v21, v9;
	[tilespmem:s18+$0x20] =	vst v22;
	v22 =	vadd.f32 v24, v8;
	v8 =	vmov v16;
	s18 =	smov.u32 s29  }
0x31d: {  	s19 =	sadd.s32 $0x80, s19;
	v16 =	vld [tilespmem:s29+$0xFFFFFFC0];
	p0 =	slt.u32 s20, $0x38;
	v13 =	vadd.f32 v23, v13;
	v20 =	vmul.f32 v20, v9  }
0x31e: {  	v23 =	vld [tilespmem:s19+$0x30];
	v14 =	vadd.f32 v21, v14;
	v19 =	vmul.f32 v19, v9;
	[tilespmem:s16+$0xFFFFFFC0] =	vst v22  }
0x31f: {  	v21 =	vld [tilespmem:s29+$0xFFFFFFD0];
	[tilespmem:s17+$0xFFFFFFD0] =	vst v13;
	v13 =	vmul.f32 v17, v9;
	v17 =	vadd.f32 v20, v7;
	v7 =	vmov v15  }
0x320: {  	v15 =	vld [tilespmem:s29+$0xFFFFFFE0];
	[tilespmem:s17+$0xFFFFFFE0] =	vst v14;
	v11 =	vadd.f32 v19, v11;
	v14 =	vmul.f32 v18, v9  }
0x321: {  	v18 =	vld [tilespmem:s29+$0xFFFFFFF0];
	v19 =	vmul.f32 v25, v6;
	v12 =	vadd.f32 v13, v12;
	[tilespmem:s16+$0x20] =	vst v17;
	s16 =	smov.u32 s17  }
0x322: {  	v17 =	vmul.f32 v16, v6;
	v16 =	vld [tilespmem:s29+$0x0];
	[tilespmem:s17+$0xFFFFFFF0] =	vst v11;
	v10 =	vadd.f32 v14, v10  }
0x323: {  	v20 =	vld [tilespmem:s29+$0x10];
	v11 =	vadd.f32 v19, v23;
	[tilespmem:s17+$0x0] =	vst v12  }
0x324: {  	v19 =	vmul.f32 v21, v6;
	v21 =	vld [tilespmem:s29+$0x20];
	[tilespmem:s17+$0x10] =	vst v10  }
0x325: {  	s17 =	sadd.s32 $0x400, s17;
	v13 =	vld [tilespmem:s19+$0xFFFFFFD0];
	v22 =	vmul.f32 v15, v6;
	[tilespmem:s29+$0x30] =	vst v11  }
0x326: {  	v18 =	vmul.f32 v18, v6;
	v24 =	vld [tilespmem:s17+$0x30]  }
0x327: {  	v14 =	vld [tilespmem:s19+$0xFFFFFFE0];
	v25 =	vmul.f32 v16, v6  }
0x328: {  	v11 =	vld [tilespmem:s19+$0xFFFFFFF0];
	v20 =	vmul.f32 v20, v6  }
0x329: {  	v12 =	vld [tilespmem:s19+$0x0];
	v26 =	vmul.f32 v21, v6  }
0x32a: {  	v19 =	vadd.f32 v19, v13;
	v10 =	vld [tilespmem:s19+$0x10]  }
0x32b: {  	v15 =	vld [tilespmem:s19+$0x20];
	v21 =	vmul.f32 v24, v9  }
0x32c: {  	v16 =	vld [tilespmem:s19+$0xFFFFFFC0];
	[tilespmem:s29+$0xFFFFFFD0] =	vst v19;
	v19 =	vadd.f32 v22, v14  }
0x32d: {  	v18 =	vadd.f32 v18, v11;
	v22 =	vadd.f32 v21, v23;
	v23 =	vld [tilespmem:s16+$0xFFFFFFC0]  }
0x32e: {  	v27 =	vld [tilespmem:s17+$0xFFFFFFD0];
	[tilespmem:s29+$0xFFFFFFE0] =	vst v19;
	v24 =	vadd.f32 v25, v12  }
.Ltmp8:
0x32f: {  	v21 =	vld [tilespmem:s17+$0xFFFFFFE0];
	v25 =	vadd.f32 v20, v10;
	[tilespmem:s17+$0x30] =	vst v22;
	(pc) =	sbr.rel @p0 .LBB2_19-.Ltmp8, $4  }
0x330: {  	[tilespmem:s29+$0xFFFFFFF0] =	vst v18;
	v22 =	vadd.f32 v26, v15;
	v20 =	vld [tilespmem:s16+$0x20]  }
0x331: {  	v18 =	vadd.f32 v17, v16;
	v19 =	vld [tilespmem:s17+$0xFFFFFFF0];
	[tilespmem:s29+$0x0] =	vst v24  }
0x332: {  	v17 =	vld [tilespmem:s17+$0x0];
	[tilespmem:s29+$0x10] =	vst v25;
	v24 =	vmul.f32 v23, v9  }
0x333: {  	s29 =	sadd.s32 $0x400, s29;
	[tilespmem:s18+$0xFFFFFFC0] =	vst v18;
	v23 =	vmul.f32 v27, v9;
	v18 =	vld [tilespmem:s17+$0x10]  }
0x334: {  	v6 =	vmul.f32 v21, v9;
	[tilespmem:s18+$0x20] =	vst v22;
	v8 =	vadd.f32 v24, v8;
	v59 =	vld [tilespmem:s17+$0xFFFFFFC0]  }
0x335: {  	v13 =	vadd.f32 v23, v13;
	v20 =	vmul.f32 v20, v9;
	v22 =	vld [tilespmem:s17+$0x20]  }
0x336: {  	v6 =	vadd.f32 v6, v14;
	v60 =	vmul.f32 v19, v9;
	[tilespmem:s16+$0xFFFFFFC0] =	vst v8  }
0x337: {  	[tilespmem:s17+$0xFFFFFFD0] =	vst v13;
	v61 =	vmul.f32 v17, v9;
	v7 =	vadd.f32 v20, v7  }
0x338: {  	s15 =	sadd.s32 $0x1, s15;
	[tilespmem:s17+$0xFFFFFFE0] =	vst v6;
	v6 =	vadd.f32 v60, v11;
	v62 =	vmul.f32 v18, v9  }
0x339: {  	p0 =	sne.s32 s15, $0x10;
	v8 =	vadd.f32 v61, v12;
	[tilespmem:s16+$0x20] =	vst v7;
	v7 =	vmul.f32 v59, v9  }
.Ltmp9:
0x33a: {  	[tilespmem:s17+$0xFFFFFFF0] =	vst v6;
	v6 =	vadd.f32 v62, v10;
	v63 =	vmul.f32 v22, v9;
	(pc) =	sbr.rel @p0 .LBB2_18-.Ltmp9, $4  }
0x33b: {  	[tilespmem:s17+$0x0] =	vst v8;
	v7 =	vadd.f32 v7, v16  }
0x33c: {  	[tilespmem:s17+$0x10] =	vst v6;
	v6 =	vadd.f32 v63, v15  }
0x33d: {  	[tilespmem:s17+$0xFFFFFFC0] =	vst v7  }
0x33e: {  	s9 =	sadd.s32 $0x400, s9;
	s14 =	sadd.s32 $0x400, s14;
	s28 =	sadd.s32 $0x1, s28;
	[tilespmem:s17+$0x20] =	vst v6  }
0x33f: {  	s28 =	simm.s32 $0x0;
	s9 =	rddreg [dreg:$0x14];
	s14 =	simm.s32 $0xC100  }
0x340: {  	[hbm4b:s9+s28] =	stream.linear.scatter [tilespmem:s14], [sflag:$0x9], $0x4000, $0x38;
	[tilespmem:$0x1C100] =	vst v63  }
0x341: {  	s15 =	rddreg [dreg:$0x18]  }
0x342: {  	[hbm4b:s15+s28] =	stream.linear.scatter [tilespmem:s30], [sflag:$0xA], $0x4000, $0x38;
	[tilespmem:$0x1C100] =	vst v63  }
0x343: {  	_ =	swait.ge [sflag:s21], $0x4000  }
0x344: {  	[sflag:s21] =	ssyncset.done $0x0  }
0x345: {  	[sflag:s21] =	ssyncadd.s32 $0xFFFFC000  }
0x346: {  	v4 =	vld [tilespmem:$0x70];
	_ =	sdelay $0x4  }
0x347: {  	v5 =	vshll.u32 v4, $0x3  }
0x348: {  	v4 =	vand.u32 $0x7, v4;
	v5 =	vand.u32 $0xFFFFFFC0, v5  }
0x349: {  	v4 =	vor.u32 v4, v5  }
0x34a: {  	v5 =	vperm.xlane v4, v0;
	_ =	sdelay $0x1  }
0x34b: {  	v5 =	vadd.s32 v1, v5;
	_ =	sdelay $0x4  }
0x34c: {  	[tilespmem:s14], [sflag:$0x4] =	stream.indirect_vreg.gather [hbm4b:s1+s28], $0x80, v5, vm0, $0xb8;
	[tilespmem:$0x1C100] =	vst v63  }
0x34d: {  	s16 =	simm.s32 $0xC900;
	v4 =	vperm.xlane v4, v2  }
0x34e: {  	[tilespmem:s16], [sflag:$0x4] =	stream.indirect_vreg.gather [hbm4b:s10+s28], $0x80, v5, vm0, $0xb8;
	[tilespmem:$0x1C100] =	vst v63  }
0x34f: {  	s17 =	simm.s32 $0xD100;
	v4 =	vadd.s32 v1, v4  }
0x350: {  	[tilespmem:s17], [sflag:$0x4] =	stream.indirect_vreg.gather [hbm4b:s11+s28], $0x80, v5, vm0, $0xb8;
	[tilespmem:$0x1C100] =	vst v63  }
0x351: {  	s18 =	simm.s32 $0xD900  }
0x352: {  	[tilespmem:s18], [sflag:$0x4] =	stream.indirect_vreg.gather [hbm4b:s12+s28], $0x80, v5, vm0, $0xb8;
	[tilespmem:$0x1C100] =	vst v63  }
0x353: {  	s19 =	simm.s32 $0xE100  }
0x354: {  	[tilespmem:s19], [sflag:$0x4] =	stream.indirect_vreg.gather [hbm4b:s1+s28], $0x80, v4, vm0, $0xb8;
	[tilespmem:$0x1C100] =	vst v63  }
0x355: {  	s20 =	simm.s32 $0xE900  }
0x356: {  	[tilespmem:s20], [sflag:$0x4] =	stream.indirect_vreg.gather [hbm4b:s10+s28], $0x80, v4, vm0, $0xb8;
	[tilespmem:$0x1C100] =	vst v63  }
0x357: {  	s29 =	simm.s32 $0xF100  }
0x358: {  	[tilespmem:s29], [sflag:$0x4] =	stream.indirect_vreg.gather [hbm4b:s11+s28], $0x80, v4, vm0, $0xb8;
	[tilespmem:$0x1C100] =	vst v63  }
0x359: {  	s14 =	simm.s32 $0xF900  }
0x35a: {  	[tilespmem:s14], [sflag:$0x4] =	stream.indirect_vreg.gather [hbm4b:s12+s28], $0x80, v4, vm0, $0xb8;
	[tilespmem:$0x1C100] =	vst v63  }
0x35b: {  	_ =	swait.ge [sflag:s25], $0x4000  }
0x35c: {  	[sflag:s25] =	ssyncset.done $0x0  }
0x35d: {  	[sflag:s25] =	ssyncadd.s32 $0xFFFFC000  }
0x35e: {  	v4 =	vld [tilespmem:$0xB0];
	_ =	sdelay $0x4  }
0x35f: {  	v5 =	vshll.u32 v4, $0x3  }
0x360: {  	v4 =	vand.u32 $0x7, v4;
	v5 =	vand.u32 $0xFFFFFFC0, v5  }
0x361: {  	v4 =	vor.u32 v4, v5  }
0x362: {  	v5 =	vperm.xlane v4, v0;
	_ =	sdelay $0x1  }
0x363: {  	v5 =	vadd.s32 v1, v5;
	_ =	sdelay $0x3  }
0x364: {  	s15 =	simm.s32 $0x10100  }
0x365: {  	[tilespmem:s15], [sflag:$0x5] =	stream.indirect_vreg.gather [hbm4b:s1+s28], $0x80, v5, vm0, $0xb8;
	[tilespmem:$0x1C100] =	vst v63  }
0x366: {  	v4 =	vperm.xlane v4, v2;
	s15 =	simm.s32 $0x10900  }
0x367: {  	[tilespmem:s15], [sflag:$0x5] =	stream.indirect_vreg.gather [hbm4b:s10+s28], $0x80, v5, vm0, $0xb8;
	[tilespmem:$0x1C100] =	vst v63  }
0x368: {  	s16 =	simm.s32 $0x11100;
	v4 =	vadd.s32 v1, v4  }
0x369: {  	[tilespmem:s16], [sflag:$0x5] =	stream.indirect_vreg.gather [hbm4b:s11+s28], $0x80, v5, vm0, $0xb8;
	[tilespmem:$0x1C100] =	vst v63  }
0x36a: {  	s17 =	simm.s32 $0x11900  }
0x36b: {  	[tilespmem:s17], [sflag:$0x5] =	stream.indirect_vreg.gather [hbm4b:s12+s28], $0x80, v5, vm0, $0xb8;
	[tilespmem:$0x1C100] =	vst v63  }
0x36c: {  	s18 =	simm.s32 $0x12100  }
0x36d: {  	[tilespmem:s18], [sflag:$0x5] =	stream.indirect_vreg.gather [hbm4b:s1+s28], $0x80, v4, vm0, $0xb8;
	[tilespmem:$0x1C100] =	vst v63  }
0x36e: {  	s19 =	simm.s32 $0x12900  }
0x36f: {  	[tilespmem:s19], [sflag:$0x5] =	stream.indirect_vreg.gather [hbm4b:s10+s28], $0x80, v4, vm0, $0xb8;
	[tilespmem:$0x1C100] =	vst v63  }
0x370: {  	s20 =	simm.s32 $0x13100  }
0x371: {  	[tilespmem:s20], [sflag:$0x5] =	stream.indirect_vreg.gather [hbm4b:s11+s28], $0x80, v4, vm0, $0xb8;
	[tilespmem:$0x1C100] =	vst v63  }
0x372: {  	s29 =	simm.s32 $0x13900  }
0x373: {  	[tilespmem:s29], [sflag:$0x5] =	stream.indirect_vreg.gather [hbm4b:s12+s28], $0x80, v4, vm0, $0xb8;
	[tilespmem:$0x1C100] =	vst v63  }
0x374: {  	_ =	swait.ge [sflag:s2], $0x4000  }
0x375: {  	[sflag:s2] =	ssyncset.done $0x0  }
0x376: {  	[sflag:s2] =	ssyncadd.s32 $0xFFFFC000  }
0x377: {  	_ =	swait.ge [sflag:s4], $0x4000  }
0x378: {  	[sflag:s4] =	ssyncset.done $0x0  }
0x379: {  	[sflag:s4] =	ssyncadd.s32 $0xFFFFC000  }
0x37a: {  	s9 =	simm.s32 $0x14140;
	v4 =	vld [tilespmem:$0xA0]  }
0x37b: {  	s30 =	simm.s32 $0xC100;
	s14 =	simm.s32 $0x0;
	s15 =	simm.s32 $0x0;
	v5 =	vld [tilespmem:$0xE0]  }
.LBB2_22:
0x37c: {  	v11 =	vld [tilespmem:s9+$0x30]  }
0x37d: {  	v17 =	vld [tilespmem:s9+$0xFFFFFFD0]  }
0x37e: {  	s16 =	sshll.u32 s14, $0x2;
	s17 =	sand.u32 $0x7, s28;
	v18 =	vld [tilespmem:s9+$0xFFFFFFE0]  }
0x37f: {  	v19 =	vld [tilespmem:s9+$0xFFFFFFF0];
	s16 =	sand.u32 $0xFFFF8000, s16;
	s17 =	sshll.u32 s17, $0x9  }
0x380: {  	v20 =	vld [tilespmem:s9+$0x0];
	s16 =	sor.u32 s17, s16  }
0x381: {  	v21 =	vld [tilespmem:s9+$0x10];
	s19 =	sadd.s32 $0x80, s9;
	s16 =	sshrl.u32 s16, $0x2  }
0x382: {  	v26 =	vld [tilespmem:s19+$0x30];
	s20 =	sadd.s32 $0x140, s16  }
0x383: {  	v7 =	vld [tilespmem:s20+$0x30]  }
0x384: {  	v6 =	vmov s15;
	v10 =	vld [tilespmem:s20+$0xFFFFFFC0]  }
0x385: {  	v6 =	vand.u32 $0xF, v6;
	v8 =	vld [tilespmem:s20+$0xFFFFFFD0]  }
0x386: {  	v9 =	vbroadcast v6, $0x0;
	v12 =	vld [tilespmem:s20+$0xFFFFFFE0]  }
0x387: {  	v13 =	vld [tilespmem:s20+$0xFFFFFFF0]  }
0x388: {  	v6 =	vperm.xlane v4, v9;
	v14 =	vld [tilespmem:s20+$0x0]  }
0x389: {  	v15 =	vld [tilespmem:s20+$0x10]  }
0x38a: {  	v16 =	vld [tilespmem:s20+$0x20];
	s18 =	sadd.s32 $0x400, s20;
	vm1 =	veq.s32 v6, $0x0  }
0x38b: {  	v25 =	vld [tilespmem:s18+$0xFFFFFFC0];
	v6 =	vsel vm1, $0x0, v3  }
0x38c: {  	v27 =	vld [tilespmem:s18+$0xFFFFFFD0];
	v7 =	vmul.f32 v7, v6  }
0x38d: {  	v28 =	vld [tilespmem:s18+$0xFFFFFFE0];
	v13 =	vmul.f32 v13, v6  }
0x38e: {  	v29 =	vld [tilespmem:s18+$0xFFFFFFF0];
	v12 =	vmul.f32 v12, v6;
	v7 =	vadd.f32 v7, v11  }
0x38f: {  	v30 =	vld [tilespmem:s18+$0x10];
	v13 =	vadd.f32 v13, v19  }
0x390: {  	v8 =	vmul.f32 v8, v6;
	v12 =	vadd.f32 v12, v18;
	[tilespmem:s20+$0x30] =	vst v7;
	v7 =	vld [tilespmem:s9+$0x20]  }
0x391: {  	s16 =	sadd.s32 $0x4140, s16;
	v14 =	vmul.f32 v14, v6;
	[tilespmem:s20+$0xFFFFFFF0] =	vst v13;
	v13 =	vld [tilespmem:s18+$0x30]  }
0x392: {  	v23 =	vadd.f32 v8, v17;
	[tilespmem:s20+$0xFFFFFFE0] =	vst v12;
	v22 =	vld [tilespmem:s16+$0x30]  }
0x393: {  	v9 =	vperm.xlane v5, v9;
	v15 =	vmul.f32 v15, v6;
	v12 =	vadd.f32 v14, v20;
	v14 =	vld [tilespmem:s16+$0xFFFFFFE0]  }
0x394: {  	v8 =	vld [tilespmem:s9+$0xFFFFFFC0];
	[tilespmem:s20+$0xFFFFFFD0] =	vst v23  }
0x395: {  	vm1 =	veq.s32 v9, $0x0;
	v16 =	vmul.f32 v16, v6;
	v15 =	vadd.f32 v15, v21;
	v23 =	vld [tilespmem:s16+$0xFFFFFFD0]  }
0x396: {  	v9 =	vsel vm1, $0x0, v3;
	v24 =	vld [tilespmem:s16+$0xFFFFFFF0];
	[tilespmem:s20+$0x0] =	vst v12;
	v13 =	vmul.f32 v13, v6  }
0x397: {  	[tilespmem:s20+$0x10] =	vst v15;
	v12 =	vld [tilespmem:s16+$0x0];
	v16 =	vadd.f32 v16, v7;
	v22 =	vmul.f32 v22, v9  }
0x398: {  	v15 =	vld [tilespmem:s16+$0x10];
	v14 =	vmul.f32 v14, v9;
	v13 =	vadd.f32 v13, v26  }
0x399: {  	v10 =	vmul.f32 v10, v6;
	[tilespmem:s20+$0x20] =	vst v16;
	v11 =	vadd.f32 v22, v11;
	v22 =	vld [tilespmem:s18+$0x0]  }
0x39a: {  	v16 =	vadd.f32 v14, v18;
	v14 =	vld [tilespmem:s19+$0xFFFFFFE0];
	[tilespmem:s18+$0x30] =	vst v13  }
0x39b: {  	v10 =	vadd.f32 v10, v8;
	v13 =	vld [tilespmem:s19+$0xFFFFFFD0];
	[tilespmem:s16+$0x30] =	vst v11;
	v11 =	vmul.f32 v23, v9  }
0x39c: {  	s17 =	sadd.s32 $0x400, s16;
	v12 =	vmul.f32 v12, v9;
	v23 =	vld [tilespmem:s18+$0x20]  }
0x39d: {  	[tilespmem:s20+$0xFFFFFFC0] =	vst v10;
	v10 =	vadd.f32 v11, v17;
	v11 =	vmul.f32 v24, v9;
	v17 =	vld [tilespmem:s17+$0x30]  }
0x39e: {  	v15 =	vmul.f32 v15, v9;
	[tilespmem:s16+$0xFFFFFFE0] =	vst v16;
	v16 =	vadd.f32 v12, v20;
	v12 =	vld [tilespmem:s19+$0x0]  }
0x39f: {  	v18 =	vmul.f32 v27, v6;
	[tilespmem:s16+$0xFFFFFFD0] =	vst v10;
	v10 =	vadd.f32 v11, v19;
	v11 =	vld [tilespmem:s19+$0xFFFFFFF0]  }
0x3a0: {  	v20 =	vmul.f32 v28, v6;
	[tilespmem:s16+$0x0] =	vst v16;
	v16 =	vld [tilespmem:s19+$0xFFFFFFC0];
	v19 =	vadd.f32 v15, v21  }
0x3a1: {  	v18 =	vadd.f32 v18, v13;
	v21 =	vmul.f32 v22, v6;
	[tilespmem:s16+$0xFFFFFFF0] =	vst v10;
	v10 =	vld [tilespmem:s19+$0x10]  }
0x3a2: {  	v20 =	vadd.f32 v20, v14;
	v15 =	vld [tilespmem:s19+$0x20];
	[tilespmem:s16+$0x10] =	vst v19;
	v19 =	vmul.f32 v29, v6;
	v17 =	vmul.f32 v17, v9  }
0x3a3: {  	v24 =	vmul.f32 v25, v6;
	[tilespmem:s18+$0xFFFFFFD0] =	vst v18;
	v18 =	vld [tilespmem:s16+$0xFFFFFFC0];
	v25 =	vadd.f32 v21, v12  }
0x3a4: {  	v22 =	vmul.f32 v30, v6;
	[tilespmem:s18+$0xFFFFFFE0] =	vst v20;
	v17 =	vadd.f32 v17, v26;
	v19 =	vadd.f32 v19, v11;
	v26 =	vld [tilespmem:s17+$0xFFFFFFD0]  }
0x3a5: {  	v21 =	vld [tilespmem:s17+$0xFFFFFFE0];
	[tilespmem:s18+$0x0] =	vst v25  }
0x3a6: {  	v20 =	vld [tilespmem:s16+$0x20];
	v23 =	vmul.f32 v23, v6;
	v22 =	vadd.f32 v22, v10;
	[tilespmem:s18+$0xFFFFFFF0] =	vst v19  }
0x3a7: {  	v27 =	vadd.f32 v24, v16;
	[tilespmem:s17+$0x30] =	vst v17;
	v19 =	vld [tilespmem:s17+$0xFFFFFFF0]  }
0x3a8: {  	v17 =	vld [tilespmem:s17+$0x0];
	v24 =	vmul.f32 v18, v9;
	[tilespmem:s18+$0x10] =	vst v22;
	v22 =	vadd.f32 v23, v15  }
0x3a9: {  	s29 =	sadd.s32 $0x400, s18;
	s20 =	simm.s32 $0x8;
	[tilespmem:s18+$0xFFFFFFC0] =	vst v27;
	v23 =	vmul.f32 v26, v9;
	v18 =	vld [tilespmem:s17+$0x10]  }
.LBB2_23:
0x3aa: {  	v25 =	vld [tilespmem:s29+$0x30];
	s20 =	sadd.s32 $0x8, s20;
	v21 =	vmul.f32 v21, v9;
	[tilespmem:s18+$0x20] =	vst v22;
	v22 =	vadd.f32 v24, v8;
	v8 =	vmov v16;
	s18 =	smov.u32 s29  }
0x3ab: {  	s19 =	sadd.s32 $0x80, s19;
	v16 =	vld [tilespmem:s29+$0xFFFFFFC0];
	p0 =	slt.u32 s20, $0x38;
	v13 =	vadd.f32 v23, v13;
	v20 =	vmul.f32 v20, v9  }
0x3ac: {  	v23 =	vld [tilespmem:s19+$0x30];
	v14 =	vadd.f32 v21, v14;
	v19 =	vmul.f32 v19, v9;
	[tilespmem:s16+$0xFFFFFFC0] =	vst v22  }
0x3ad: {  	v21 =	vld [tilespmem:s29+$0xFFFFFFD0];
	[tilespmem:s17+$0xFFFFFFD0] =	vst v13;
	v13 =	vmul.f32 v17, v9;
	v17 =	vadd.f32 v20, v7;
	v7 =	vmov v15  }
0x3ae: {  	v15 =	vld [tilespmem:s29+$0xFFFFFFE0];
	[tilespmem:s17+$0xFFFFFFE0] =	vst v14;
	v11 =	vadd.f32 v19, v11;
	v14 =	vmul.f32 v18, v9  }
0x3af: {  	v18 =	vld [tilespmem:s29+$0xFFFFFFF0];
	v19 =	vmul.f32 v25, v6;
	v12 =	vadd.f32 v13, v12;
	[tilespmem:s16+$0x20] =	vst v17;
	s16 =	smov.u32 s17  }
0x3b0: {  	v17 =	vmul.f32 v16, v6;
	v16 =	vld [tilespmem:s29+$0x0];
	[tilespmem:s17+$0xFFFFFFF0] =	vst v11;
	v10 =	vadd.f32 v14, v10  }
0x3b1: {  	v20 =	vld [tilespmem:s29+$0x10];
	v11 =	vadd.f32 v19, v23;
	[tilespmem:s17+$0x0] =	vst v12  }
0x3b2: {  	v19 =	vmul.f32 v21, v6;
	v21 =	vld [tilespmem:s29+$0x20];
	[tilespmem:s17+$0x10] =	vst v10  }
0x3b3: {  	s17 =	sadd.s32 $0x400, s17;
	v13 =	vld [tilespmem:s19+$0xFFFFFFD0];
	v22 =	vmul.f32 v15, v6;
	[tilespmem:s29+$0x30] =	vst v11  }
0x3b4: {  	v18 =	vmul.f32 v18, v6;
	v24 =	vld [tilespmem:s17+$0x30]  }
0x3b5: {  	v14 =	vld [tilespmem:s19+$0xFFFFFFE0];
	v25 =	vmul.f32 v16, v6  }
0x3b6: {  	v11 =	vld [tilespmem:s19+$0xFFFFFFF0];
	v20 =	vmul.f32 v20, v6  }
0x3b7: {  	v12 =	vld [tilespmem:s19+$0x0];
	v26 =	vmul.f32 v21, v6  }
0x3b8: {  	v19 =	vadd.f32 v19, v13;
	v10 =	vld [tilespmem:s19+$0x10]  }
0x3b9: {  	v15 =	vld [tilespmem:s19+$0x20];
	v21 =	vmul.f32 v24, v9  }
0x3ba: {  	v16 =	vld [tilespmem:s19+$0xFFFFFFC0];
	[tilespmem:s29+$0xFFFFFFD0] =	vst v19;
	v19 =	vadd.f32 v22, v14  }
0x3bb: {  	v18 =	vadd.f32 v18, v11;
	v22 =	vadd.f32 v21, v23;
	v23 =	vld [tilespmem:s16+$0xFFFFFFC0]  }
0x3bc: {  	v27 =	vld [tilespmem:s17+$0xFFFFFFD0];
	[tilespmem:s29+$0xFFFFFFE0] =	vst v19;
	v24 =	vadd.f32 v25, v12  }
.Ltmp10:
0x3bd: {  	v21 =	vld [tilespmem:s17+$0xFFFFFFE0];
	v25 =	vadd.f32 v20, v10;
	[tilespmem:s17+$0x30] =	vst v22;
	(pc) =	sbr.rel @p0 .LBB2_23-.Ltmp10, $4  }
0x3be: {  	[tilespmem:s29+$0xFFFFFFF0] =	vst v18;
	v22 =	vadd.f32 v26, v15;
	v20 =	vld [tilespmem:s16+$0x20]  }
0x3bf: {  	v18 =	vadd.f32 v17, v16;
	v19 =	vld [tilespmem:s17+$0xFFFFFFF0];
	[tilespmem:s29+$0x0] =	vst v24  }
0x3c0: {  	v17 =	vld [tilespmem:s17+$0x0];
	[tilespmem:s29+$0x10] =	vst v25;
	v24 =	vmul.f32 v23, v9  }
0x3c1: {  	s29 =	sadd.s32 $0x400, s29;
	[tilespmem:s18+$0xFFFFFFC0] =	vst v18;
	v23 =	vmul.f32 v27, v9;
	v18 =	vld [tilespmem:s17+$0x10]  }
0x3c2: {  	v6 =	vmul.f32 v21, v9;
	[tilespmem:s18+$0x20] =	vst v22;
	v8 =	vadd.f32 v24, v8;
	v59 =	vld [tilespmem:s17+$0xFFFFFFC0]  }
0x3c3: {  	v13 =	vadd.f32 v23, v13;
	v20 =	vmul.f32 v20, v9;
	v22 =	vld [tilespmem:s17+$0x20]  }
0x3c4: {  	v6 =	vadd.f32 v6, v14;
	v60 =	vmul.f32 v19, v9;
	[tilespmem:s16+$0xFFFFFFC0] =	vst v8  }
0x3c5: {  	[tilespmem:s17+$0xFFFFFFD0] =	vst v13;
	v61 =	vmul.f32 v17, v9;
	v7 =	vadd.f32 v20, v7  }
0x3c6: {  	s15 =	sadd.s32 $0x1, s15;
	[tilespmem:s17+$0xFFFFFFE0] =	vst v6;
	v6 =	vadd.f32 v60, v11;
	v62 =	vmul.f32 v18, v9  }
0x3c7: {  	p0 =	sne.s32 s15, $0x10;
	v8 =	vadd.f32 v61, v12;
	[tilespmem:s16+$0x20] =	vst v7;
	v7 =	vmul.f32 v59, v9  }
.Ltmp11:
0x3c8: {  	[tilespmem:s17+$0xFFFFFFF0] =	vst v6;
	v6 =	vadd.f32 v62, v10;
	v63 =	vmul.f32 v22, v9;
	(pc) =	sbr.rel @p0 .LBB2_22-.Ltmp11, $4  }
0x3c9: {  	[tilespmem:s17+$0x0] =	vst v8;
	v7 =	vadd.f32 v7, v16  }
0x3ca: {  	[tilespmem:s17+$0x10] =	vst v6;
	v6 =	vadd.f32 v63, v15  }
0x3cb: {  	[tilespmem:s17+$0xFFFFFFC0] =	vst v7  }
0x3cc: {  	s9 =	sadd.s32 $0x400, s9;
	s14 =	sadd.s32 $0x400, s14;
	s28 =	sadd.s32 $0x1, s28;
	[tilespmem:s17+$0x20] =	vst v6  }
0x3cd: {  	s28 =	simm.s32 $0x0;
	s9 =	rddreg [dreg:$0x19]  }
0x3ce: {  	[hbm4b:s9+s28] =	stream.linear.scatter [tilespmem:s8], [sflag:$0x6], $0x4000, $0x38;
	[tilespmem:$0x1C100] =	vst v63  }
0x3cf: {  	s14 =	rddreg [dreg:$0x1a]  }
0x3d0: {  	[hbm4b:s14+s28] =	stream.linear.scatter [tilespmem:s23], [sflag:$0x7], $0x4000, $0x38;
	[tilespmem:$0x1C100] =	vst v63  }
0x3d1: {  	_ =	swait.ge [sflag:s31], $0x4000  }
0x3d2: {  	[sflag:s31] =	ssyncset.done $0x0  }
0x3d3: {  	[sflag:s31] =	ssyncadd.s32 $0xFFFFC000  }
0x3d4: {  	v4 =	vld [tilespmem:$0xF0];
	_ =	sdelay $0x4  }
0x3d5: {  	v5 =	vshll.u32 v4, $0x3  }
0x3d6: {  	v4 =	vand.u32 $0x7, v4;
	v5 =	vand.u32 $0xFFFFFFC0, v5  }
0x3d7: {  	v4 =	vor.u32 v4, v5  }
0x3d8: {  	v5 =	vperm.xlane v4, v0;
	_ =	sdelay $0x1  }
0x3d9: {  	v5 =	vadd.s32 v1, v5;
	_ =	sdelay $0x4  }
0x3da: {  	[tilespmem:s8], [sflag:$0x1] =	stream.indirect_vreg.gather [hbm4b:s1+s28], $0x80, v5, vm0, $0xb8;
	[tilespmem:$0x1C100] =	vst v63  }
0x3db: {  	s15 =	simm.s32 $0x900;
	v4 =	vperm.xlane v4, v2  }
0x3dc: {  	[tilespmem:s15], [sflag:$0x1] =	stream.indirect_vreg.gather [hbm4b:s10+s28], $0x80, v5, vm0, $0xb8;
	[tilespmem:$0x1C100] =	vst v63  }
0x3dd: {  	s16 =	simm.s32 $0x1100;
	v4 =	vadd.s32 v1, v4  }
0x3de: {  	[tilespmem:s16], [sflag:$0x1] =	stream.indirect_vreg.gather [hbm4b:s11+s28], $0x80, v5, vm0, $0xb8;
	[tilespmem:$0x1C100] =	vst v63  }
0x3df: {  	s17 =	simm.s32 $0x1900  }
0x3e0: {  	[tilespmem:s17], [sflag:$0x1] =	stream.indirect_vreg.gather [hbm4b:s12+s28], $0x80, v5, vm0, $0xb8;
	[tilespmem:$0x1C100] =	vst v63  }
0x3e1: {  	s18 =	simm.s32 $0x2100  }
0x3e2: {  	[tilespmem:s18], [sflag:$0x1] =	stream.indirect_vreg.gather [hbm4b:s1+s28], $0x80, v4, vm0, $0xb8;
	[tilespmem:$0x1C100] =	vst v63  }
0x3e3: {  	s19 =	simm.s32 $0x2900  }
0x3e4: {  	[tilespmem:s19], [sflag:$0x1] =	stream.indirect_vreg.gather [hbm4b:s10+s28], $0x80, v4, vm0, $0xb8;
	[tilespmem:$0x1C100] =	vst v63  }
0x3e5: {  	s20 =	simm.s32 $0x3100  }
0x3e6: {  	[tilespmem:s20], [sflag:$0x1] =	stream.indirect_vreg.gather [hbm4b:s11+s28], $0x80, v4, vm0, $0xb8;
	[tilespmem:$0x1C100] =	vst v63  }
0x3e7: {  	s29 =	simm.s32 $0x3900  }
0x3e8: {  	[tilespmem:s29], [sflag:$0x1] =	stream.indirect_vreg.gather [hbm4b:s12+s28], $0x80, v4, vm0, $0xb8;
	[tilespmem:$0x1C100] =	vst v63  }
0x3e9: {  	_ =	swait.ge [sflag:s22], $0x4000  }
0x3ea: {  	[sflag:s22] =	ssyncset.done $0x0  }
0x3eb: {  	[sflag:s22] =	ssyncadd.s32 $0xFFFFC000  }
0x3ec: {  	_ =	swait.ge [sflag:s5], $0x4000  }
0x3ed: {  	[sflag:s5] =	ssyncset.done $0x0  }
0x3ee: {  	[sflag:s5] =	ssyncadd.s32 $0xFFFFC000  }
0x3ef: {  	_ =	swait.ge [sflag:s7], $0x4000  }
0x3f0: {  	[sflag:s7] =	ssyncset.done $0x0  }
0x3f1: {  	[sflag:s7] =	ssyncadd.s32 $0xFFFFC000  }
0x3f2: {  	v4 =	vld [tilespmem:$0x30]  }
0x3f3: {  	s9 =	simm.s32 $0x18140;
	s14 =	simm.s32 $0x0;
	s15 =	simm.s32 $0x0;
	v5 =	vld [tilespmem:$0x70]  }
.LBB2_26:
0x3f4: {  	v11 =	vld [tilespmem:s9+$0x30]  }
0x3f5: {  	v17 =	vld [tilespmem:s9+$0xFFFFFFD0]  }
0x3f6: {  	s16 =	sshll.u32 s14, $0x2;
	s17 =	sand.u32 $0x7, s28;
	v18 =	vld [tilespmem:s9+$0xFFFFFFE0]  }
0x3f7: {  	v19 =	vld [tilespmem:s9+$0xFFFFFFF0];
	s16 =	sand.u32 $0xFFFF8000, s16;
	s17 =	sshll.u32 s17, $0x9  }
0x3f8: {  	v20 =	vld [tilespmem:s9+$0x0];
	s16 =	sor.u32 s17, s16  }
0x3f9: {  	v21 =	vld [tilespmem:s9+$0x10];
	s19 =	sadd.s32 $0x80, s9;
	s16 =	sshrl.u32 s16, $0x2  }
0x3fa: {  	v26 =	vld [tilespmem:s19+$0x30];
	s20 =	sadd.s32 $0x8140, s16  }
0x3fb: {  	v7 =	vld [tilespmem:s20+$0x30]  }
0x3fc: {  	v6 =	vmov s15;
	v10 =	vld [tilespmem:s20+$0xFFFFFFC0]  }
0x3fd: {  	v6 =	vand.u32 $0xF, v6;
	v8 =	vld [tilespmem:s20+$0xFFFFFFD0]  }
0x3fe: {  	v9 =	vbroadcast v6, $0x0;
	v12 =	vld [tilespmem:s20+$0xFFFFFFE0]  }
0x3ff: {  	v13 =	vld [tilespmem:s20+$0xFFFFFFF0]  }
0x400: {  	v6 =	vperm.xlane v4, v9;
	v14 =	vld [tilespmem:s20+$0x0]  }
0x401: {  	v15 =	vld [tilespmem:s20+$0x10]  }
0x402: {  	v16 =	vld [tilespmem:s20+$0x20];
	s18 =	sadd.s32 $0x400, s20;
	vm1 =	veq.s32 v6, $0x0  }
0x403: {  	v25 =	vld [tilespmem:s18+$0xFFFFFFC0];
	v6 =	vsel vm1, $0x0, v3  }
0x404: {  	v27 =	vld [tilespmem:s18+$0xFFFFFFD0];
	v7 =	vmul.f32 v7, v6  }
0x405: {  	v28 =	vld [tilespmem:s18+$0xFFFFFFE0];
	v13 =	vmul.f32 v13, v6  }
0x406: {  	v29 =	vld [tilespmem:s18+$0xFFFFFFF0];
	v12 =	vmul.f32 v12, v6;
	v7 =	vadd.f32 v7, v11  }
0x407: {  	v30 =	vld [tilespmem:s18+$0x10];
	v13 =	vadd.f32 v13, v19  }
0x408: {  	v8 =	vmul.f32 v8, v6;
	v12 =	vadd.f32 v12, v18;
	[tilespmem:s20+$0x30] =	vst v7;
	v7 =	vld [tilespmem:s9+$0x20]  }
0x409: {  	s16 =	sadd.s32 $0xC140, s16;
	v14 =	vmul.f32 v14, v6;
	[tilespmem:s20+$0xFFFFFFF0] =	vst v13;
	v13 =	vld [tilespmem:s18+$0x30]  }
0x40a: {  	v23 =	vadd.f32 v8, v17;
	[tilespmem:s20+$0xFFFFFFE0] =	vst v12;
	v22 =	vld [tilespmem:s16+$0x30]  }
0x40b: {  	v9 =	vperm.xlane v5, v9;
	v15 =	vmul.f32 v15, v6;
	v12 =	vadd.f32 v14, v20;
	v14 =	vld [tilespmem:s16+$0xFFFFFFE0]  }
0x40c: {  	v8 =	vld [tilespmem:s9+$0xFFFFFFC0];
	[tilespmem:s20+$0xFFFFFFD0] =	vst v23  }
0x40d: {  	vm1 =	veq.s32 v9, $0x0;
	v16 =	vmul.f32 v16, v6;
	v15 =	vadd.f32 v15, v21;
	v23 =	vld [tilespmem:s16+$0xFFFFFFD0]  }
0x40e: {  	v9 =	vsel vm1, $0x0, v3;
	v24 =	vld [tilespmem:s16+$0xFFFFFFF0];
	[tilespmem:s20+$0x0] =	vst v12;
	v13 =	vmul.f32 v13, v6  }
0x40f: {  	[tilespmem:s20+$0x10] =	vst v15;
	v12 =	vld [tilespmem:s16+$0x0];
	v16 =	vadd.f32 v16, v7;
	v22 =	vmul.f32 v22, v9  }
0x410: {  	v15 =	vld [tilespmem:s16+$0x10];
	v14 =	vmul.f32 v14, v9;
	v13 =	vadd.f32 v13, v26  }
0x411: {  	v10 =	vmul.f32 v10, v6;
	[tilespmem:s20+$0x20] =	vst v16;
	v11 =	vadd.f32 v22, v11;
	v22 =	vld [tilespmem:s18+$0x0]  }
0x412: {  	v16 =	vadd.f32 v14, v18;
	v14 =	vld [tilespmem:s19+$0xFFFFFFE0];
	[tilespmem:s18+$0x30] =	vst v13  }
0x413: {  	v10 =	vadd.f32 v10, v8;
	v13 =	vld [tilespmem:s19+$0xFFFFFFD0];
	[tilespmem:s16+$0x30] =	vst v11;
	v11 =	vmul.f32 v23, v9  }
0x414: {  	s17 =	sadd.s32 $0x400, s16;
	v12 =	vmul.f32 v12, v9;
	v23 =	vld [tilespmem:s18+$0x20]  }
0x415: {  	[tilespmem:s20+$0xFFFFFFC0] =	vst v10;
	v10 =	vadd.f32 v11, v17;
	v11 =	vmul.f32 v24, v9;
	v17 =	vld [tilespmem:s17+$0x30]  }
0x416: {  	v15 =	vmul.f32 v15, v9;
	[tilespmem:s16+$0xFFFFFFE0] =	vst v16;
	v16 =	vadd.f32 v12, v20;
	v12 =	vld [tilespmem:s19+$0x0]  }
0x417: {  	v18 =	vmul.f32 v27, v6;
	[tilespmem:s16+$0xFFFFFFD0] =	vst v10;
	v10 =	vadd.f32 v11, v19;
	v11 =	vld [tilespmem:s19+$0xFFFFFFF0]  }
0x418: {  	v20 =	vmul.f32 v28, v6;
	[tilespmem:s16+$0x0] =	vst v16;
	v16 =	vld [tilespmem:s19+$0xFFFFFFC0];
	v19 =	vadd.f32 v15, v21  }
0x419: {  	v18 =	vadd.f32 v18, v13;
	v21 =	vmul.f32 v22, v6;
	[tilespmem:s16+$0xFFFFFFF0] =	vst v10;
	v10 =	vld [tilespmem:s19+$0x10]  }
0x41a: {  	v20 =	vadd.f32 v20, v14;
	v15 =	vld [tilespmem:s19+$0x20];
	[tilespmem:s16+$0x10] =	vst v19;
	v19 =	vmul.f32 v29, v6;
	v17 =	vmul.f32 v17, v9  }
0x41b: {  	v24 =	vmul.f32 v25, v6;
	[tilespmem:s18+$0xFFFFFFD0] =	vst v18;
	v18 =	vld [tilespmem:s16+$0xFFFFFFC0];
	v25 =	vadd.f32 v21, v12  }
0x41c: {  	v22 =	vmul.f32 v30, v6;
	[tilespmem:s18+$0xFFFFFFE0] =	vst v20;
	v17 =	vadd.f32 v17, v26;
	v19 =	vadd.f32 v19, v11;
	v26 =	vld [tilespmem:s17+$0xFFFFFFD0]  }
0x41d: {  	v21 =	vld [tilespmem:s17+$0xFFFFFFE0];
	[tilespmem:s18+$0x0] =	vst v25  }
0x41e: {  	v20 =	vld [tilespmem:s16+$0x20];
	v23 =	vmul.f32 v23, v6;
	v22 =	vadd.f32 v22, v10;
	[tilespmem:s18+$0xFFFFFFF0] =	vst v19  }
0x41f: {  	v27 =	vadd.f32 v24, v16;
	[tilespmem:s17+$0x30] =	vst v17;
	v19 =	vld [tilespmem:s17+$0xFFFFFFF0]  }
0x420: {  	v17 =	vld [tilespmem:s17+$0x0];
	v24 =	vmul.f32 v18, v9;
	[tilespmem:s18+$0x10] =	vst v22;
	v22 =	vadd.f32 v23, v15  }
0x421: {  	s29 =	sadd.s32 $0x400, s18;
	s20 =	simm.s32 $0x8;
	[tilespmem:s18+$0xFFFFFFC0] =	vst v27;
	v23 =	vmul.f32 v26, v9;
	v18 =	vld [tilespmem:s17+$0x10]  }
.LBB2_27:
0x422: {  	v25 =	vld [tilespmem:s29+$0x30];
	s20 =	sadd.s32 $0x8, s20;
	v21 =	vmul.f32 v21, v9;
	[tilespmem:s18+$0x20] =	vst v22;
	v22 =	vadd.f32 v24, v8;
	v8 =	vmov v16;
	s18 =	smov.u32 s29  }
0x423: {  	s19 =	sadd.s32 $0x80, s19;
	v16 =	vld [tilespmem:s29+$0xFFFFFFC0];
	p0 =	slt.u32 s20, $0x38;
	v13 =	vadd.f32 v23, v13;
	v20 =	vmul.f32 v20, v9  }
0x424: {  	v23 =	vld [tilespmem:s19+$0x30];
	v14 =	vadd.f32 v21, v14;
	v19 =	vmul.f32 v19, v9;
	[tilespmem:s16+$0xFFFFFFC0] =	vst v22  }
0x425: {  	v21 =	vld [tilespmem:s29+$0xFFFFFFD0];
	[tilespmem:s17+$0xFFFFFFD0] =	vst v13;
	v13 =	vmul.f32 v17, v9;
	v17 =	vadd.f32 v20, v7;
	v7 =	vmov v15  }
0x426: {  	v15 =	vld [tilespmem:s29+$0xFFFFFFE0];
	[tilespmem:s17+$0xFFFFFFE0] =	vst v14;
	v11 =	vadd.f32 v19, v11;
	v14 =	vmul.f32 v18, v9  }
0x427: {  	v18 =	vld [tilespmem:s29+$0xFFFFFFF0];
	v19 =	vmul.f32 v25, v6;
	v12 =	vadd.f32 v13, v12;
	[tilespmem:s16+$0x20] =	vst v17;
	s16 =	smov.u32 s17  }
0x428: {  	v17 =	vmul.f32 v16, v6;
	v16 =	vld [tilespmem:s29+$0x0];
	[tilespmem:s17+$0xFFFFFFF0] =	vst v11;
	v10 =	vadd.f32 v14, v10  }
0x429: {  	v20 =	vld [tilespmem:s29+$0x10];
	v11 =	vadd.f32 v19, v23;
	[tilespmem:s17+$0x0] =	vst v12  }
0x42a: {  	v19 =	vmul.f32 v21, v6;
	v21 =	vld [tilespmem:s29+$0x20];
	[tilespmem:s17+$0x10] =	vst v10  }
0x42b: {  	s17 =	sadd.s32 $0x400, s17;
	v13 =	vld [tilespmem:s19+$0xFFFFFFD0];
	v22 =	vmul.f32 v15, v6;
	[tilespmem:s29+$0x30] =	vst v11  }
0x42c: {  	v18 =	vmul.f32 v18, v6;
	v24 =	vld [tilespmem:s17+$0x30]  }
0x42d: {  	v14 =	vld [tilespmem:s19+$0xFFFFFFE0];
	v25 =	vmul.f32 v16, v6  }
0x42e: {  	v11 =	vld [tilespmem:s19+$0xFFFFFFF0];
	v20 =	vmul.f32 v20, v6  }
0x42f: {  	v12 =	vld [tilespmem:s19+$0x0];
	v26 =	vmul.f32 v21, v6  }
0x430: {  	v19 =	vadd.f32 v19, v13;
	v10 =	vld [tilespmem:s19+$0x10]  }
0x431: {  	v15 =	vld [tilespmem:s19+$0x20];
	v21 =	vmul.f32 v24, v9  }
0x432: {  	v16 =	vld [tilespmem:s19+$0xFFFFFFC0];
	[tilespmem:s29+$0xFFFFFFD0] =	vst v19;
	v19 =	vadd.f32 v22, v14  }
0x433: {  	v18 =	vadd.f32 v18, v11;
	v22 =	vadd.f32 v21, v23;
	v23 =	vld [tilespmem:s16+$0xFFFFFFC0]  }
0x434: {  	v27 =	vld [tilespmem:s17+$0xFFFFFFD0];
	[tilespmem:s29+$0xFFFFFFE0] =	vst v19;
	v24 =	vadd.f32 v25, v12  }
.Ltmp12:
0x435: {  	v21 =	vld [tilespmem:s17+$0xFFFFFFE0];
	v25 =	vadd.f32 v20, v10;
	[tilespmem:s17+$0x30] =	vst v22;
	(pc) =	sbr.rel @p0 .LBB2_27-.Ltmp12, $4  }
0x436: {  	[tilespmem:s29+$0xFFFFFFF0] =	vst v18;
	v22 =	vadd.f32 v26, v15;
	v20 =	vld [tilespmem:s16+$0x20]  }
0x437: {  	v18 =	vadd.f32 v17, v16;
	v19 =	vld [tilespmem:s17+$0xFFFFFFF0];
	[tilespmem:s29+$0x0] =	vst v24  }
0x438: {  	v17 =	vld [tilespmem:s17+$0x0];
	[tilespmem:s29+$0x10] =	vst v25;
	v24 =	vmul.f32 v23, v9  }
0x439: {  	s29 =	sadd.s32 $0x400, s29;
	[tilespmem:s18+$0xFFFFFFC0] =	vst v18;
	v23 =	vmul.f32 v27, v9;
	v18 =	vld [tilespmem:s17+$0x10]  }
0x43a: {  	v6 =	vmul.f32 v21, v9;
	[tilespmem:s18+$0x20] =	vst v22;
	v8 =	vadd.f32 v24, v8;
	v59 =	vld [tilespmem:s17+$0xFFFFFFC0]  }
0x43b: {  	v13 =	vadd.f32 v23, v13;
	v20 =	vmul.f32 v20, v9;
	v22 =	vld [tilespmem:s17+$0x20]  }
0x43c: {  	v6 =	vadd.f32 v6, v14;
	v60 =	vmul.f32 v19, v9;
	[tilespmem:s16+$0xFFFFFFC0] =	vst v8  }
0x43d: {  	[tilespmem:s17+$0xFFFFFFD0] =	vst v13;
	v61 =	vmul.f32 v17, v9;
	v7 =	vadd.f32 v20, v7  }
0x43e: {  	s15 =	sadd.s32 $0x1, s15;
	[tilespmem:s17+$0xFFFFFFE0] =	vst v6;
	v6 =	vadd.f32 v60, v11;
	v62 =	vmul.f32 v18, v9  }
0x43f: {  	p0 =	sne.s32 s15, $0x10;
	v8 =	vadd.f32 v61, v12;
	[tilespmem:s16+$0x20] =	vst v7;
	v7 =	vmul.f32 v59, v9  }
.Ltmp13:
0x440: {  	[tilespmem:s17+$0xFFFFFFF0] =	vst v6;
	v6 =	vadd.f32 v62, v10;
	v63 =	vmul.f32 v22, v9;
	(pc) =	sbr.rel @p0 .LBB2_26-.Ltmp13, $4  }
0x441: {  	[tilespmem:s17+$0x0] =	vst v8;
	v7 =	vadd.f32 v7, v16  }
0x442: {  	[tilespmem:s17+$0x10] =	vst v6;
	v6 =	vadd.f32 v63, v15  }
0x443: {  	[tilespmem:s17+$0xFFFFFFC0] =	vst v7  }
0x444: {  	s9 =	sadd.s32 $0x400, s9;
	s14 =	sadd.s32 $0x400, s14;
	s28 =	sadd.s32 $0x1, s28;
	[tilespmem:s17+$0x20] =	vst v6  }
0x445: {  	s28 =	simm.s32 $0x0;
	s9 =	rddreg [dreg:$0x15]  }
0x446: {  	[hbm4b:s9+s28] =	stream.linear.scatter [tilespmem:s6], [sflag:$0x8], $0x4000, $0x38;
	[tilespmem:$0x1C100] =	vst v63  }
0x447: {  	s29 =	rddreg [dreg:$0x1b]  }
0x448: {  	[hbm4b:s29+s28] =	stream.linear.scatter [tilespmem:s30], [sflag:$0x9], $0x4000, $0x38;
	[tilespmem:$0x1C100] =	vst v63  }
0x449: {  	_ =	swait.ge [sflag:s24], $0x4000  }
0x44a: {  	[sflag:s24] =	ssyncset.done $0x0  }
0x44b: {  	[sflag:s24] =	ssyncadd.s32 $0xFFFFC000  }
0x44c: {  	_ =	swait.ge [sflag:s2], $0x4000  }
0x44d: {  	[sflag:s2] =	ssyncset.done $0x0  }
0x44e: {  	[sflag:s2] =	ssyncadd.s32 $0xFFFFC000  }
0x44f: {  	v4 =	vld [tilespmem:$0xB0]  }
0x450: {  	s14 =	simm.s32 $0x0;
	s15 =	simm.s32 $0x0;
	s9 =	simm.s32 $0x18140;
	v5 =	vld [tilespmem:$0xF0]  }
.LBB2_30:
0x451: {  	v11 =	vld [tilespmem:s9+$0x30]  }
0x452: {  	v17 =	vld [tilespmem:s9+$0xFFFFFFD0]  }
0x453: {  	s16 =	sshll.u32 s14, $0x2;
	s17 =	sand.u32 $0x7, s28;
	v18 =	vld [tilespmem:s9+$0xFFFFFFE0]  }
0x454: {  	v19 =	vld [tilespmem:s9+$0xFFFFFFF0];
	s16 =	sand.u32 $0xFFFF8000, s16;
	s17 =	sshll.u32 s17, $0x9  }
0x455: {  	v20 =	vld [tilespmem:s9+$0x0];
	s16 =	sor.u32 s17, s16  }
0x456: {  	v21 =	vld [tilespmem:s9+$0x10];
	s19 =	sadd.s32 $0x80, s9;
	s16 =	sshrl.u32 s16, $0x2  }
0x457: {  	v26 =	vld [tilespmem:s19+$0x30];
	s20 =	sadd.s32 $0x10140, s16  }
0x458: {  	v7 =	vld [tilespmem:s20+$0x30]  }
0x459: {  	v6 =	vmov s15;
	v10 =	vld [tilespmem:s20+$0xFFFFFFC0]  }
0x45a: {  	v6 =	vand.u32 $0xF, v6;
	v8 =	vld [tilespmem:s20+$0xFFFFFFD0]  }
0x45b: {  	v9 =	vbroadcast v6, $0x0;
	v12 =	vld [tilespmem:s20+$0xFFFFFFE0]  }
0x45c: {  	v13 =	vld [tilespmem:s20+$0xFFFFFFF0]  }
0x45d: {  	v6 =	vperm.xlane v4, v9;
	v14 =	vld [tilespmem:s20+$0x0]  }
0x45e: {  	v15 =	vld [tilespmem:s20+$0x10]  }
0x45f: {  	v16 =	vld [tilespmem:s20+$0x20];
	s18 =	sadd.s32 $0x400, s20;
	vm1 =	veq.s32 v6, $0x0  }
0x460: {  	v25 =	vld [tilespmem:s18+$0xFFFFFFC0];
	v6 =	vsel vm1, $0x0, v3  }
0x461: {  	v27 =	vld [tilespmem:s18+$0xFFFFFFD0];
	v7 =	vmul.f32 v7, v6  }
0x462: {  	v28 =	vld [tilespmem:s18+$0xFFFFFFE0];
	v13 =	vmul.f32 v13, v6  }
0x463: {  	v29 =	vld [tilespmem:s18+$0xFFFFFFF0];
	v12 =	vmul.f32 v12, v6;
	v7 =	vadd.f32 v7, v11  }
0x464: {  	v30 =	vld [tilespmem:s18+$0x10];
	v13 =	vadd.f32 v13, v19  }
0x465: {  	v8 =	vmul.f32 v8, v6;
	v12 =	vadd.f32 v12, v18;
	[tilespmem:s20+$0x30] =	vst v7;
	v7 =	vld [tilespmem:s9+$0x20]  }
0x466: {  	s16 =	sadd.s32 $0x140, s16;
	v14 =	vmul.f32 v14, v6;
	[tilespmem:s20+$0xFFFFFFF0] =	vst v13;
	v13 =	vld [tilespmem:s18+$0x30]  }
0x467: {  	v23 =	vadd.f32 v8, v17;
	[tilespmem:s20+$0xFFFFFFE0] =	vst v12;
	v22 =	vld [tilespmem:s16+$0x30]  }
0x468: {  	v9 =	vperm.xlane v5, v9;
	v15 =	vmul.f32 v15, v6;
	v12 =	vadd.f32 v14, v20;
	v14 =	vld [tilespmem:s16+$0xFFFFFFE0]  }
0x469: {  	v8 =	vld [tilespmem:s9+$0xFFFFFFC0];
	[tilespmem:s20+$0xFFFFFFD0] =	vst v23  }
0x46a: {  	vm1 =	veq.s32 v9, $0x0;
	v16 =	vmul.f32 v16, v6;
	v15 =	vadd.f32 v15, v21;
	v23 =	vld [tilespmem:s16+$0xFFFFFFD0]  }
0x46b: {  	v9 =	vsel vm1, $0x0, v3;
	v24 =	vld [tilespmem:s16+$0xFFFFFFF0];
	[tilespmem:s20+$0x0] =	vst v12;
	v13 =	vmul.f32 v13, v6  }
0x46c: {  	[tilespmem:s20+$0x10] =	vst v15;
	v12 =	vld [tilespmem:s16+$0x0];
	v16 =	vadd.f32 v16, v7;
	v22 =	vmul.f32 v22, v9  }
0x46d: {  	v15 =	vld [tilespmem:s16+$0x10];
	v14 =	vmul.f32 v14, v9;
	v13 =	vadd.f32 v13, v26  }
0x46e: {  	v10 =	vmul.f32 v10, v6;
	[tilespmem:s20+$0x20] =	vst v16;
	v11 =	vadd.f32 v22, v11;
	v22 =	vld [tilespmem:s18+$0x0]  }
0x46f: {  	v16 =	vadd.f32 v14, v18;
	v14 =	vld [tilespmem:s19+$0xFFFFFFE0];
	[tilespmem:s18+$0x30] =	vst v13  }
0x470: {  	v10 =	vadd.f32 v10, v8;
	v13 =	vld [tilespmem:s19+$0xFFFFFFD0];
	[tilespmem:s16+$0x30] =	vst v11;
	v11 =	vmul.f32 v23, v9  }
0x471: {  	s17 =	sadd.s32 $0x400, s16;
	v12 =	vmul.f32 v12, v9;
	v23 =	vld [tilespmem:s18+$0x20]  }
0x472: {  	[tilespmem:s20+$0xFFFFFFC0] =	vst v10;
	v10 =	vadd.f32 v11, v17;
	v11 =	vmul.f32 v24, v9;
	v17 =	vld [tilespmem:s17+$0x30]  }
0x473: {  	v15 =	vmul.f32 v15, v9;
	[tilespmem:s16+$0xFFFFFFE0] =	vst v16;
	v16 =	vadd.f32 v12, v20;
	v12 =	vld [tilespmem:s19+$0x0]  }
0x474: {  	v18 =	vmul.f32 v27, v6;
	[tilespmem:s16+$0xFFFFFFD0] =	vst v10;
	v10 =	vadd.f32 v11, v19;
	v11 =	vld [tilespmem:s19+$0xFFFFFFF0]  }
0x475: {  	v20 =	vmul.f32 v28, v6;
	[tilespmem:s16+$0x0] =	vst v16;
	v16 =	vld [tilespmem:s19+$0xFFFFFFC0];
	v19 =	vadd.f32 v15, v21  }
0x476: {  	v18 =	vadd.f32 v18, v13;
	v21 =	vmul.f32 v22, v6;
	[tilespmem:s16+$0xFFFFFFF0] =	vst v10;
	v10 =	vld [tilespmem:s19+$0x10]  }
0x477: {  	v20 =	vadd.f32 v20, v14;
	v15 =	vld [tilespmem:s19+$0x20];
	[tilespmem:s16+$0x10] =	vst v19;
	v19 =	vmul.f32 v29, v6;
	v17 =	vmul.f32 v17, v9  }
0x478: {  	v24 =	vmul.f32 v25, v6;
	[tilespmem:s18+$0xFFFFFFD0] =	vst v18;
	v18 =	vld [tilespmem:s16+$0xFFFFFFC0];
	v25 =	vadd.f32 v21, v12  }
0x479: {  	v22 =	vmul.f32 v30, v6;
	[tilespmem:s18+$0xFFFFFFE0] =	vst v20;
	v17 =	vadd.f32 v17, v26;
	v19 =	vadd.f32 v19, v11;
	v26 =	vld [tilespmem:s17+$0xFFFFFFD0]  }
0x47a: {  	v21 =	vld [tilespmem:s17+$0xFFFFFFE0];
	[tilespmem:s18+$0x0] =	vst v25  }
0x47b: {  	v20 =	vld [tilespmem:s16+$0x20];
	v23 =	vmul.f32 v23, v6;
	v22 =	vadd.f32 v22, v10;
	[tilespmem:s18+$0xFFFFFFF0] =	vst v19  }
0x47c: {  	v27 =	vadd.f32 v24, v16;
	[tilespmem:s17+$0x30] =	vst v17;
	v19 =	vld [tilespmem:s17+$0xFFFFFFF0]  }
0x47d: {  	v17 =	vld [tilespmem:s17+$0x0];
	v24 =	vmul.f32 v18, v9;
	[tilespmem:s18+$0x10] =	vst v22;
	v22 =	vadd.f32 v23, v15  }
0x47e: {  	s29 =	sadd.s32 $0x400, s18;
	s20 =	simm.s32 $0x8;
	[tilespmem:s18+$0xFFFFFFC0] =	vst v27;
	v23 =	vmul.f32 v26, v9;
	v18 =	vld [tilespmem:s17+$0x10]  }
.LBB2_31:
0x47f: {  	v25 =	vld [tilespmem:s29+$0x30];
	s20 =	sadd.s32 $0x8, s20;
	v21 =	vmul.f32 v21, v9;
	[tilespmem:s18+$0x20] =	vst v22;
	v22 =	vadd.f32 v24, v8;
	v8 =	vmov v16;
	s18 =	smov.u32 s29  }
0x480: {  	s19 =	sadd.s32 $0x80, s19;
	v16 =	vld [tilespmem:s29+$0xFFFFFFC0];
	p0 =	slt.u32 s20, $0x38;
	v13 =	vadd.f32 v23, v13;
	v20 =	vmul.f32 v20, v9  }
0x481: {  	v23 =	vld [tilespmem:s19+$0x30];
	v14 =	vadd.f32 v21, v14;
	v19 =	vmul.f32 v19, v9;
	[tilespmem:s16+$0xFFFFFFC0] =	vst v22  }
0x482: {  	v21 =	vld [tilespmem:s29+$0xFFFFFFD0];
	[tilespmem:s17+$0xFFFFFFD0] =	vst v13;
	v13 =	vmul.f32 v17, v9;
	v17 =	vadd.f32 v20, v7;
	v7 =	vmov v15  }
0x483: {  	v15 =	vld [tilespmem:s29+$0xFFFFFFE0];
	[tilespmem:s17+$0xFFFFFFE0] =	vst v14;
	v11 =	vadd.f32 v19, v11;
	v14 =	vmul.f32 v18, v9  }
0x484: {  	v18 =	vld [tilespmem:s29+$0xFFFFFFF0];
	v19 =	vmul.f32 v25, v6;
	v12 =	vadd.f32 v13, v12;
	[tilespmem:s16+$0x20] =	vst v17;
	s16 =	smov.u32 s17  }
0x485: {  	v17 =	vmul.f32 v16, v6;
	v16 =	vld [tilespmem:s29+$0x0];
	[tilespmem:s17+$0xFFFFFFF0] =	vst v11;
	v10 =	vadd.f32 v14, v10  }
0x486: {  	v20 =	vld [tilespmem:s29+$0x10];
	v11 =	vadd.f32 v19, v23;
	[tilespmem:s17+$0x0] =	vst v12  }
0x487: {  	v19 =	vmul.f32 v21, v6;
	v21 =	vld [tilespmem:s29+$0x20];
	[tilespmem:s17+$0x10] =	vst v10  }
0x488: {  	s17 =	sadd.s32 $0x400, s17;
	v13 =	vld [tilespmem:s19+$0xFFFFFFD0];
	v22 =	vmul.f32 v15, v6;
	[tilespmem:s29+$0x30] =	vst v11  }
0x489: {  	v18 =	vmul.f32 v18, v6;
	v24 =	vld [tilespmem:s17+$0x30]  }
0x48a: {  	v14 =	vld [tilespmem:s19+$0xFFFFFFE0];
	v25 =	vmul.f32 v16, v6  }
0x48b: {  	v11 =	vld [tilespmem:s19+$0xFFFFFFF0];
	v20 =	vmul.f32 v20, v6  }
0x48c: {  	v12 =	vld [tilespmem:s19+$0x0];
	v26 =	vmul.f32 v21, v6  }
0x48d: {  	v19 =	vadd.f32 v19, v13;
	v10 =	vld [tilespmem:s19+$0x10]  }
0x48e: {  	v15 =	vld [tilespmem:s19+$0x20];
	v21 =	vmul.f32 v24, v9  }
0x48f: {  	v16 =	vld [tilespmem:s19+$0xFFFFFFC0];
	[tilespmem:s29+$0xFFFFFFD0] =	vst v19;
	v19 =	vadd.f32 v22, v14  }
0x490: {  	v18 =	vadd.f32 v18, v11;
	v22 =	vadd.f32 v21, v23;
	v23 =	vld [tilespmem:s16+$0xFFFFFFC0]  }
0x491: {  	v27 =	vld [tilespmem:s17+$0xFFFFFFD0];
	[tilespmem:s29+$0xFFFFFFE0] =	vst v19;
	v24 =	vadd.f32 v25, v12  }
.Ltmp14:
0x492: {  	v21 =	vld [tilespmem:s17+$0xFFFFFFE0];
	v25 =	vadd.f32 v20, v10;
	[tilespmem:s17+$0x30] =	vst v22;
	(pc) =	sbr.rel @p0 .LBB2_31-.Ltmp14, $4  }
0x493: {  	[tilespmem:s29+$0xFFFFFFF0] =	vst v18;
	v22 =	vadd.f32 v26, v15;
	v20 =	vld [tilespmem:s16+$0x20]  }
0x494: {  	v18 =	vadd.f32 v17, v16;
	v19 =	vld [tilespmem:s17+$0xFFFFFFF0];
	[tilespmem:s29+$0x0] =	vst v24  }
0x495: {  	v17 =	vld [tilespmem:s17+$0x0];
	[tilespmem:s29+$0x10] =	vst v25;
	v24 =	vmul.f32 v23, v9  }
0x496: {  	s29 =	sadd.s32 $0x400, s29;
	[tilespmem:s18+$0xFFFFFFC0] =	vst v18;
	v23 =	vmul.f32 v27, v9;
	v18 =	vld [tilespmem:s17+$0x10]  }
0x497: {  	v6 =	vmul.f32 v21, v9;
	[tilespmem:s18+$0x20] =	vst v22;
	v8 =	vadd.f32 v24, v8;
	v59 =	vld [tilespmem:s17+$0xFFFFFFC0]  }
0x498: {  	v13 =	vadd.f32 v23, v13;
	v20 =	vmul.f32 v20, v9;
	v22 =	vld [tilespmem:s17+$0x20]  }
0x499: {  	v6 =	vadd.f32 v6, v14;
	v60 =	vmul.f32 v19, v9;
	[tilespmem:s16+$0xFFFFFFC0] =	vst v8  }
0x49a: {  	[tilespmem:s17+$0xFFFFFFD0] =	vst v13;
	v61 =	vmul.f32 v17, v9;
	v7 =	vadd.f32 v20, v7  }
0x49b: {  	s15 =	sadd.s32 $0x1, s15;
	[tilespmem:s17+$0xFFFFFFE0] =	vst v6;
	v6 =	vadd.f32 v60, v11;
	v62 =	vmul.f32 v18, v9  }
0x49c: {  	p0 =	sne.s32 s15, $0x10;
	v8 =	vadd.f32 v61, v12;
	[tilespmem:s16+$0x20] =	vst v7;
	v7 =	vmul.f32 v59, v9  }
.Ltmp15:
0x49d: {  	[tilespmem:s17+$0xFFFFFFF0] =	vst v6;
	v6 =	vadd.f32 v62, v10;
	v63 =	vmul.f32 v22, v9;
	(pc) =	sbr.rel @p0 .LBB2_30-.Ltmp15, $4  }
0x49e: {  	[tilespmem:s17+$0x0] =	vst v8;
	v7 =	vadd.f32 v7, v16  }
0x49f: {  	[tilespmem:s17+$0x10] =	vst v6;
	v6 =	vadd.f32 v63, v15  }
0x4a0: {  	[tilespmem:s17+$0xFFFFFFC0] =	vst v7  }
0x4a1: {  	s9 =	sadd.s32 $0x400, s9;
	s14 =	sadd.s32 $0x400, s14;
	s28 =	sadd.s32 $0x1, s28;
	[tilespmem:s17+$0x20] =	vst v6  }
0x4a2: {  	s9 =	rddreg [dreg:$0x1c];
	s15 =	simm.s32 $0x10100  }
0x4a3: {  	[hbm4b:s9+s3] =	stream.linear.scatter [tilespmem:s15], [sflag:$0xA], $0x4000, $0x38;
	[tilespmem:$0x1C100] =	vst v63  }
0x4a4: {  	s28 =	rddreg [dreg:$0x1d]  }
0x4a5: {  	[hbm4b:s28+s3] =	stream.linear.scatter [tilespmem:s8], [sflag:$0x6], $0x4000, $0x38;
	[tilespmem:$0x1C100] =	vst v63  }
0x4a6: {  	_ =	swait.ge [sflag:s0], $0x4000  }
0x4a7: {  	[sflag:s0] =	ssyncset.done $0x0  }
0x4a8: {  	[sflag:s0] =	ssyncadd.s32 $0xFFFFC000  }
0x4a9: {  	_ =	swait.ge [sflag:s13], $0x4000  }
0x4aa: {  	[sflag:s13] =	ssyncset.done $0x0  }
0x4ab: {  	[sflag:s13] =	ssyncadd.s32 $0xFFFFC000  }
0x4ac: {  	_ =	swait.ge [sflag:s21], $0x4000  }
0x4ad: {  	[sflag:s21] =	ssyncset.done $0x0  }
0x4ae: {  	[sflag:s21] =	ssyncadd.s32 $0xFFFFC000  }
0x4af: {  	_ =	swait.ge [sflag:s25], $0x4000  }
0x4b0: {  	[sflag:s25] =	ssyncset.done $0x0  }
0x4b1: {  	[sflag:s25] =	ssyncadd.s32 $0xFFFFC000  }
0x4b2: {  	_ =	swait.ge [sflag:s31], $0x4000  }
0x4b3: {  	s26 =	sadd.s32 $0x1, s26;
	s29 =	rddreg [dreg:$0x17]  }
0x4b4: {  	p0 =	sne.s32 s26, s29  }
.Ltmp16:
0x4b5: {  	_ = 	snop;
	(pc) =	sbr.rel @p0 .LBB2_1-.Ltmp16, $3  }
0x4b6: {  	_ =	sdelay $0x1  }
0x4b7: {  	[sflag:s31] =	ssyncset.done $0x0  }
0x4b8: {  	[sflag:s31] =	ssyncadd.s32 $0xFFFFC000  }
0x4b9: {  	_ =	sfence.sel $0x180000  }
0x4ba: {  	[bflag:$0x0] =	sbarrier.arrive $0xFFFF  }
0x4bb: {  	_ =	strace $0x90000047  }
0x4bc: {  	s0 =	stileid.u32;
	[bflag:$0x2] =	sbarrier.arrive $0xFFFF  }
0x4bd: {  	p0 =	sne.s32 s0, $0x0;
	s0 =	rddreg [dreg:$0x4]  }
0x4be: {  	s0 =	sadd.s32 @!p0 $0x100000, s0  }
0x4bf: {  	[sflag:s0] =	ssyncadd.tile.s32 @!p0 $0x1;
	_ =	shalt  }
.Lfunc_end2:
_tile_overlayer_lowered:
.L_overlay_start_2:
0x4c0: {  	(tag) =	ssettag $0x2  }
0x4c1: {  	s0 =	rddreg [dreg:$0x0];
	s2 =	stileid.u32  }
0x4c2: {  	s1 =	rddreg [dreg:$0x1];
	p0 =	sne.s32 s2, $0x0  }
0x4c3: {  	s3 =	rddreg [dreg:$0x2];
	[bflag:$0x3] =	sbarrier.arrive $0xFFFF;
	s2 =	simm.s32 @!p0 $0x1C0D  }
0x4c4: {  	[timem:s3], [sflag:s2] =	dma.local @!p0 [hbm:s0], s1  }
0x4c5: {  	s0 =	simm.s32 @!p0 $0xD  }
0x4c6: {  	_ =	swait.ge @!p0 [sflag:s0], s1  }
0x4c7: {  	s1 =	ssub.s32 @!p0 $0x0, s1;
	[sflag:s0] =	ssyncset.done @!p0 $0x0  }
0x4c8: {  	[sflag:s0] =	ssyncadd.s32 @!p0 s1  }
0x4c9: {  	[bflag:$0x3] =	sbarrier.arrive $0xFFFF  }
0x4ca: {  	_ =	shalt  }

</sc_bundles>
